<compile_context>
chip_gen: v7x
topology: tpu7x:2x2x1
jax: 0.10.2.dev20260603
libtpu: 0.0.44.dev20260713+nightly
codegen_flags: <defaults>
</compile_context>

<pallas_src>
import functools

import jax
import jax.numpy as jnp
from jax import lax
from jax.experimental import pallas as pl
from jax.experimental.pallas import tpu as pltpu
from jax.experimental.pallas import tpu_sc as plsc

VOCAB = 100000
D = 512
B = 4096
SEQ = 50

GRP = 2
GSEQ = GRP * SEQ
GPAD = 104

NC = 2
NS = 16
LANES = 16
NW = NC * NS
B_PER_W = B // NW
G_PER_W = B_PER_W // GRP
NCH = D // LANES
OC = 16
OGRP = OC // GRP
NBUF = 2
INV_SEQ = 1.0 / SEQ

_mesh = plsc.VectorSubcoreMesh(
    core_axis_name="c", subcore_axis_name="s", num_cores=NC, num_subcores=NS
)


@functools.partial(
    pl.kernel,
    mesh=_mesh,
    compiler_params=pltpu.CompilerParams(use_tc_tiling_on_sc=False),
    out_type=jax.ShapeDtypeStruct((B, D), jnp.float32),
    scratch_types=[
        pltpu.VMEM((G_PER_W, GPAD), jnp.int32),
        pltpu.VMEM((NBUF, GPAD, D), jnp.float32),
        pltpu.VMEM((OC, D), jnp.float32),
        pltpu.SemaphoreType.DMA,
        pltpu.SemaphoreType.DMA,
    ],
)
def _pooled_lookup(ids_hbm, table_hbm, out_hbm, idx_v, rows_v, out_v, sem0, sem1):
    wid = lax.axis_index("s") * NC + lax.axis_index("c")
    base = pl.multiple_of(wid * G_PER_W, G_PER_W)
    sems = (sem0, sem1)

    pltpu.sync_copy(ids_hbm.at[pl.ds(base, G_PER_W)], idx_v)

    def start_gather(g, slot):
        pltpu.make_async_copy(
            table_hbm.at[idx_v.at[g]], rows_v.at[slot], sems[slot]
        ).start()

    def wait_gather(slot):
        pltpu.make_async_copy(
            table_hbm.at[idx_v.at[0]], rows_v.at[slot], sems[slot]
        ).wait()

    start_gather(0, 0)
    start_gather(1, 1)

    def group_body(gg, _):
        for s in range(NBUF):
            g = gg * NBUF + s
            wait_gather(s)

            for e in range(GRP):
                def row_body(r, accs):
                    return tuple(
                        accs[c] + rows_v[s, r, pl.ds(c * LANES, LANES)]
                        for c in range(NCH)
                    )

                accs = lax.fori_loop(
                    e * SEQ, (e + 1) * SEQ, row_body,
                    tuple(jnp.zeros((LANES,), jnp.float32) for _ in range(NCH)),
                )
                orow = (g % OGRP) * GRP + e
                for c in range(NCH):
                    out_v[orow, pl.ds(c * LANES, LANES)] = accs[c] * INV_SEQ

            @pl.when(gg < (G_PER_W // NBUF) - 1)
            def _():
                start_gather(g + NBUF, s)

        @pl.when(gg % (OGRP // NBUF) == (OGRP // NBUF) - 1)
        def _():
            row0 = pl.multiple_of(
                base * GRP + (gg * NBUF + NBUF) * GRP - OC, OC
            )
            pltpu.sync_copy(out_v, out_hbm.at[pl.ds(row0, OC)])

        return 0

    lax.fori_loop(0, G_PER_W // NBUF, group_body, 0)


def kernel(input_ids, emb_weight):
    ids = input_ids.astype(jnp.int32).reshape(B // GRP, GSEQ)
    ids = jnp.pad(ids, ((0, 0), (0, GPAD - GSEQ)))
    return _pooled_lookup(ids, emb_weight)

# --- scband reference (transcript-rebuilt; emitter-appended) ---
"""Pipeline reference for scband-fast-text-model-72258529788529 (READ-ONLY COPY).

The authoritative reference and input builder live on the scoring server;
editing this copy changes nothing except your own understanding.
"""

import jax, jax.numpy as jnp
import numpy as np

VOCAB = 100000
EMBED_DIM = 512
BATCH = 4096
SEQ_LEN = 50

def setup_inputs(seed: int = 0) -> dict:
    key = jax.random.key(seed)
    k_idx, k_w = jax.random.split(key)
    input_ids = jax.random.randint(k_idx, (BATCH, SEQ_LEN), 0, VOCAB, dtype=jnp.int64 if jax.config.jax_enable_x64 else jnp.int32)
    emb_weight = jax.random.normal(k_w, (VOCAB, EMBED_DIM), dtype=jnp.float32) * 0.02
    return {"input_ids": input_ids, "emb_weight": emb_weight}

def reference(input_ids, emb_weight):
    # assert input_ids.dim() == 2 in the torch module
    embedded = jnp.take(emb_weight, input_ids, axis=0)  # [B, L, D] embedding lookup
    pooled = embedded.mean(axis=1)                       # mean over seq dim
    return pooled

if __name__ == "__main__":
    import jax
    _d = setup_inputs()
    print(jax.jit(kernel)(*tuple(_d.values())))

</pallas_src>

<mosaic_0001>
#map = affine_map<(d0, d1) -> (0, 0)>
module attributes {stable_mosaic.version = 14 : i64} {
  func.func @_pooled_lookup(%arg0: i32, %arg1: i32, %arg2: memref<2048x104xi32, #tpu.memory_space<hbm>>, %arg3: memref<100000x512xf32, #tpu.memory_space<hbm>>, %arg4: memref<4096x512xf32, #tpu.memory_space<hbm>>, %arg5: memref<64x104xi32, #tpu.memory_space<vmem>>, %arg6: memref<2x104x512xf32, #tpu.memory_space<vmem>>, %arg7: memref<16x512xf32, #tpu.memory_space<vmem>>, %arg8: memref<!tpu.dma_semaphore, #tpu.memory_space<semaphore_mem>>, %arg9: memref<!tpu.dma_semaphore, #tpu.memory_space<semaphore_mem>>) attributes {dimension_semantics = [#tpu.dimension_semantics<core_parallel>, #tpu.dimension_semantics<subcore_parallel>], iteration_bounds = array<i64: 2, 16>, scalar_prefetch = 0 : i64, scratch_operands = 5 : i64, tpu.core_type = #tpu.core_type<sc_vector_subcore>, window_params = [{transform_indices = #map}, {transform_indices = #map}, {transform_indices = #map}]} {
    %mul3A = arith.constant 2 : i32
    %mul3A_0 = arith.muli %arg1, %mul3A : i32
    %add3A = arith.addi %mul3A_0, %arg0 : i32
    %mul3A_1 = arith.constant 64 : i32
    %mul3A_2 = arith.muli %add3A, %mul3A_1 : i32
    %multiple_of3A = tpu.assume_multiple %mul3A_2, 64 : i32
    "tpu.region"() ({
      %run_scoped3A = tpu.sem_alloc : memref<!tpu.dma_semaphore, #tpu.memory_space<semaphore_mem>>
      %dma_start3A_32 = arith.constant 0 : i32
      %dma_start3A_33 = tpu.memref_slice %arg2[%multiple_of3A, %dma_start3A_32] : memref<2048x104xi32, #tpu.memory_space<hbm>> -> memref<64x104xi32, #tpu.memory_space<hbm>>
      %dma_start3A_34 = arith.constant 0 : i32
      %dma_start3A_35 = tpu.memref_slice %arg2[%multiple_of3A, %dma_start3A_34] : memref<2048x104xi32, #tpu.memory_space<hbm>> -> memref<64x104xi32, #tpu.memory_space<hbm>>
      tpu.enqueue_dma source(%dma_start3A_35 : memref<64x104xi32, #tpu.memory_space<hbm>>) target(%arg5 : memref<64x104xi32, #tpu.memory_space<vmem>>) target_semaphore(%run_scoped3A : memref<!tpu.dma_semaphore, #tpu.memory_space<semaphore_mem>>)
      %dma_wait3A = arith.constant 0 : i32
      %dma_wait3A_36 = tpu.memref_slice %arg2[%multiple_of3A, %dma_wait3A] : memref<2048x104xi32, #tpu.memory_space<hbm>> -> memref<64x104xi32, #tpu.memory_space<hbm>>
      %dma_wait3A_37 = arith.constant 0 : i32
      %dma_wait3A_38 = tpu.memref_slice %arg2[%multiple_of3A, %dma_wait3A_37] : memref<2048x104xi32, #tpu.memory_space<hbm>> -> memref<64x104xi32, #tpu.memory_space<hbm>>
      tpu.wait_dma2 semaphore(%run_scoped3A : memref<!tpu.dma_semaphore, #tpu.memory_space<semaphore_mem>>) src(%dma_wait3A_38 : memref<64x104xi32, #tpu.memory_space<hbm>>) dst(%arg5 : memref<64x104xi32, #tpu.memory_space<vmem>>)
      tpu.yield
    }) : () -> ()
    %dma_start3A = arith.constant 0 : i32
    %dma_start3A_3 = arith.constant 0 : i32
    %dma_start3A_4 = arith.constant 0 : i32
    %dma_start3A_5 = arith.constant 0 : i32
    %dma_start3A_6 = tpu.memref_slice %arg6[%dma_start3A_3, %dma_start3A_4, %dma_start3A_5] : memref<2x104x512xf32, #tpu.memory_space<vmem>> -> memref<1x104x512xf32, #tpu.memory_space<vmem>>
    %dma_start3A_7 = tpu.memref_squeeze %dma_start3A_6 : memref<1x104x512xf32, #tpu.memory_space<vmem>> -> memref<104x512xf32, #tpu.memory_space<vmem>>
    %dma_start3A_8 = arith.constant 0 : i32
    %dma_start3A_9 = tpu.memref_slice %arg5[%dma_start3A, %dma_start3A_8] : memref<64x104xi32, #tpu.memory_space<vmem>> -> memref<1x104xi32, #tpu.memory_space<vmem>>
    %dma_start3A_10 = tpu.memref_squeeze %dma_start3A_9 : memref<1x104xi32, #tpu.memory_space<vmem>> -> memref<104xi32, #tpu.memory_space<vmem>>
    %dma_start3A_11 = arith.constant 0 : i32
    %dma_start3A_12 = arith.constant 0 : i32
    %dma_start3A_13 = tpu.memref_slice %arg3[%dma_start3A_11, %dma_start3A_12] : memref<100000x512xf32, #tpu.memory_space<hbm>> -> memref<100000x512xf32, #tpu.memory_space<hbm>>
    tpu.enqueue_indirect_dma source(%dma_start3A_13 : memref<100000x512xf32, #tpu.memory_space<hbm>>) target(%dma_start3A_7 : memref<104x512xf32, #tpu.memory_space<vmem>>) offsets(%dma_start3A_10 : memref<104xi32, #tpu.memory_space<vmem>>) semaphore(%arg8 : memref<!tpu.dma_semaphore, #tpu.memory_space<semaphore_mem>>)
    %dma_start3A_14 = arith.constant 1 : i32
    %dma_start3A_15 = arith.constant 1 : i32
    %dma_start3A_16 = arith.constant 0 : i32
    %dma_start3A_17 = arith.constant 0 : i32
    %dma_start3A_18 = tpu.memref_slice %arg6[%dma_start3A_15, %dma_start3A_16, %dma_start3A_17] : memref<2x104x512xf32, #tpu.memory_space<vmem>> -> memref<1x104x512xf32, #tpu.memory_space<vmem>>
    %dma_start3A_19 = tpu.memref_squeeze %dma_start3A_18 : memref<1x104x512xf32, #tpu.memory_space<vmem>> -> memref<104x512xf32, #tpu.memory_space<vmem>>
    %dma_start3A_20 = arith.constant 0 : i32
    %dma_start3A_21 = tpu.memref_slice %arg5[%dma_start3A_14, %dma_start3A_20] : memref<64x104xi32, #tpu.memory_space<vmem>> -> memref<1x104xi32, #tpu.memory_space<vmem>>
    %dma_start3A_22 = tpu.memref_squeeze %dma_start3A_21 : memref<1x104xi32, #tpu.memory_space<vmem>> -> memref<104xi32, #tpu.memory_space<vmem>>
    %dma_start3A_23 = arith.constant 0 : i32
    %dma_start3A_24 = arith.constant 0 : i32
    %dma_start3A_25 = tpu.memref_slice %arg3[%dma_start3A_23, %dma_start3A_24] : memref<100000x512xf32, #tpu.memory_space<hbm>> -> memref<100000x512xf32, #tpu.memory_space<hbm>>
    tpu.enqueue_indirect_dma source(%dma_start3A_25 : memref<100000x512xf32, #tpu.memory_space<hbm>>) target(%dma_start3A_19 : memref<104x512xf32, #tpu.memory_space<vmem>>) offsets(%dma_start3A_22 : memref<104xi32, #tpu.memory_space<vmem>>) semaphore(%arg9 : memref<!tpu.dma_semaphore, #tpu.memory_space<semaphore_mem>>)
    %scan3A = arith.constant 0 : i32
    %scan3A_26 = arith.constant 0 : i32
    %scan3A_27 = arith.constant 32 : i32
    %scan3A_28 = arith.addi %scan3A_26, %scan3A_27 : i32
    %scan3A_29 = arith.constant 1 : i32
    %scan3A_30 = scf.for %scan3A_32 = %scan3A_26 to %scan3A_28 step %scan3A_29 iter_args(%scan3A_33 = %scan3A) -> (i32)  : i32 {
      %mul3A_34 = arith.constant 2 : i32
      %mul3A_35 = arith.muli %scan3A_32, %mul3A_34 : i32
      %add3A_36 = arith.constant 0 : i32
      %add3A_37 = arith.addi %mul3A_35, %add3A_36 : i32
      %dma_wait3A = arith.constant 0 : i32
      %dma_wait3A_38 = arith.constant 0 : i32
      %dma_wait3A_39 = arith.constant 0 : i32
      %dma_wait3A_40 = arith.constant 0 : i32
      %dma_wait3A_41 = tpu.memref_slice %arg6[%dma_wait3A_38, %dma_wait3A_39, %dma_wait3A_40] : memref<2x104x512xf32, #tpu.memory_space<vmem>> -> memref<1x104x512xf32, #tpu.memory_space<vmem>>
      %dma_wait3A_42 = tpu.memref_squeeze %dma_wait3A_41 : memref<1x104x512xf32, #tpu.memory_space<vmem>> -> memref<104x512xf32, #tpu.memory_space<vmem>>
      %dma_wait3A_43 = arith.constant 0 : i32
      %dma_wait3A_44 = tpu.memref_slice %arg5[%dma_wait3A, %dma_wait3A_43] : memref<64x104xi32, #tpu.memory_space<vmem>> -> memref<1x104xi32, #tpu.memory_space<vmem>>
      %dma_wait3A_45 = tpu.memref_squeeze %dma_wait3A_44 : memref<1x104xi32, #tpu.memory_space<vmem>> -> memref<104xi32, #tpu.memory_space<vmem>>
      %dma_wait3A_46 = arith.constant 0 : i32
      %dma_wait3A_47 = arith.constant 0 : i32
      %dma_wait3A_48 = tpu.memref_slice %arg3[%dma_wait3A_46, %dma_wait3A_47] : memref<100000x512xf32, #tpu.memory_space<hbm>> -> memref<100000x512xf32, #tpu.memory_space<hbm>>
      tpu.wait_indirect_dma semaphore(%arg8 : memref<!tpu.dma_semaphore, #tpu.memory_space<semaphore_mem>>) src(%dma_wait3A_48 : memref<100000x512xf32, #tpu.memory_space<hbm>>) dst(%dma_wait3A_42 : memref<104x512xf32, #tpu.memory_space<vmem>>)
      %broadcast_in_dim3A = arith.constant 0.000000e+00 : f32
      %broadcast_in_dim3A_49 = vector.broadcast %broadcast_in_dim3A : f32 to vector<16xf32>
      %broadcast_in_dim3A_50 = arith.constant 0.000000e+00 : f32
      %broadcast_in_dim3A_51 = vector.broadcast %broadcast_in_dim3A_50 : f32 to vector<16xf32>
      %broadcast_in_dim3A_52 = arith.constant 0.000000e+00 : f32
      %broadcast_in_dim3A_53 = vector.broadcast %broadcast_in_dim3A_52 : f32 to vector<16xf32>
      %broadcast_in_dim3A_54 = arith.constant 0.000000e+00 : f32
      %broadcast_in_dim3A_55 = vector.broadcast %broadcast_in_dim3A_54 : f32 to vector<16xf32>
      %broadcast_in_dim3A_56 = arith.constant 0.000000e+00 : f32
      %broadcast_in_dim3A_57 = vector.broadcast %broadcast_in_dim3A_56 : f32 to vector<16xf32>
      %broadcast_in_dim3A_58 = arith.constant 0.000000e+00 : f32
      %broadcast_in_dim3A_59 = vector.broadcast %broadcast_in_dim3A_58 : f32 to vector<16xf32>
      %broadcast_in_dim3A_60 = arith.constant 0.000000e+00 : f32
      %broadcast_in_dim3A_61 = vector.broadcast %broadcast_in_dim3A_60 : f32 to vector<16xf32>
      %broadcast_in_dim3A_62 = arith.constant 0.000000e+00 : f32
      %broadcast_in_dim3A_63 = vector.broadcast %broadcast_in_dim3A_62 : f32 to vector<16xf32>
      %broadcast_in_dim3A_64 = arith.constant 0.000000e+00 : f32
      %broadcast_in_dim3A_65 = vector.broadcast %broadcast_in_dim3A_64 : f32 to vector<16xf32>
      %broadcast_in_dim3A_66 = arith.constant 0.000000e+00 : f32
      %broadcast_in_dim3A_67 = vector.broadcast %broadcast_in_dim3A_66 : f32 to vector<16xf32>
      %broadcast_in_dim3A_68 = arith.constant 0.000000e+00 : f32
      %broadcast_in_dim3A_69 = vector.broadcast %broadcast_in_dim3A_68 : f32 to vector<16xf32>
      %broadcast_in_dim3A_70 = arith.constant 0.000000e+00 : f32
      %broadcast_in_dim3A_71 = vector.broadcast %broadcast_in_dim3A_70 : f32 to vector<16xf32>
      %broadcast_in_dim3A_72 = arith.constant 0.000000e+00 : f32
      %broadcast_in_dim3A_73 = vector.broadcast %broadcast_in_dim3A_72 : f32 to vector<16xf32>
      %broadcast_in_dim3A_74 = arith.constant 0.000000e+00 : f32
      %broadcast_in_dim3A_75 = vector.broadcast %broadcast_in_dim3A_74 : f32 to vector<16xf32>
      %broadcast_in_dim3A_76 = arith.constant 0.000000e+00 : f32
      %broadcast_in_dim3A_77 = vector.broadcast %broadcast_in_dim3A_76 : f32 to vector<16xf32>
      %broadcast_in_dim3A_78 = arith.constant 0.000000e+00 : f32
      %broadcast_in_dim3A_79 = vector.broadcast %broadcast_in_dim3A_78 : f32 to vector<16xf32>
      %broadcast_in_dim3A_80 = arith.constant 0.000000e+00 : f32
      %broadcast_in_dim3A_81 = vector.broadcast %broadcast_in_dim3A_80 : f32 to vector<16xf32>
      %broadcast_in_dim3A_82 = arith.constant 0.000000e+00 : f32
      %broadcast_in_dim3A_83 = vector.broadcast %broadcast_in_dim3A_82 : f32 to vector<16xf32>
      %broadcast_in_dim3A_84 = arith.constant 0.000000e+00 : f32
      %broadcast_in_dim3A_85 = vector.broadcast %broadcast_in_dim3A_84 : f32 to vector<16xf32>
      %broadcast_in_dim3A_86 = arith.constant 0.000000e+00 : f32
      %broadcast_in_dim3A_87 = vector.broadcast %broadcast_in_dim3A_86 : f32 to vector<16xf32>
      %broadcast_in_dim3A_88 = arith.constant 0.000000e+00 : f32
      %broadcast_in_dim3A_89 = vector.broadcast %broadcast_in_dim3A_88 : f32 to vector<16xf32>
      %broadcast_in_dim3A_90 = arith.constant 0.000000e+00 : f32
      %broadcast_in_dim3A_91 = vector.broadcast %broadcast_in_dim3A_90 : f32 to vector<16xf32>
      %broadcast_in_dim3A_92 = arith.constant 0.000000e+00 : f32
      %broadcast_in_dim3A_93 = vector.broadcast %broadcast_in_dim3A_92 : f32 to vector<16xf32>
      %broadcast_in_dim3A_94 = arith.constant 0.000000e+00 : f32
      %broadcast_in_dim3A_95 = vector.broadcast %broadcast_in_dim3A_94 : f32 to vector<16xf32>
      %broadcast_in_dim3A_96 = arith.constant 0.000000e+00 : f32
      %broadcast_in_dim3A_97 = vector.broadcast %broadcast_in_dim3A_96 : f32 to vector<16xf32>
      %broadcast_in_dim3A_98 = arith.constant 0.000000e+00 : f32
      %broadcast_in_dim3A_99 = vector.broadcast %broadcast_in_dim3A_98 : f32 to vector<16xf32>
      %broadcast_in_dim3A_100 = arith.constant 0.000000e+00 : f32
      %broadcast_in_dim3A_101 = vector.broadcast %broadcast_in_dim3A_100 : f32 to vector<16xf32>
      %broadcast_in_dim3A_102 = arith.constant 0.000000e+00 : f32
      %broadcast_in_dim3A_103 = vector.broadcast %broadcast_in_dim3A_102 : f32 to vector<16xf32>
      %broadcast_in_dim3A_104 = arith.constant 0.000000e+00 : f32
      %broadcast_in_dim3A_105 = vector.broadcast %broadcast_in_dim3A_104 : f32 to vector<16xf32>
      %broadcast_in_dim3A_106 = arith.constant 0.000000e+00 : f32
      %broadcast_in_dim3A_107 = vector.broadcast %broadcast_in_dim3A_106 : f32 to vector<16xf32>
      %broadcast_in_dim3A_108 = arith.constant 0.000000e+00 : f32
      %broadcast_in_dim3A_109 = vector.broadcast %broadcast_in_dim3A_108 : f32 to vector<16xf32>
      %broadcast_in_dim3A_110 = arith.constant 0.000000e+00 : f32
      %broadcast_in_dim3A_111 = vector.broadcast %broadcast_in_dim3A_110 : f32 to vector<16xf32>
      %scan3A_112 = arith.constant 0 : i32
      %scan3A_113 = arith.constant 50 : i32
      %scan3A_114 = arith.addi %scan3A_112, %scan3A_113 : i32
      %scan3A_115 = arith.constant 1 : i32
      %scan3A_116:32 = scf.for %scan3A_1470 = %scan3A_112 to %scan3A_114 step %scan3A_115 iter_args(%scan3A_1471 = %broadcast_in_dim3A_49, %scan3A_1472 = %broadcast_in_dim3A_51, %scan3A_1473 = %broadcast_in_dim3A_53, %scan3A_1474 = %broadcast_in_dim3A_55, %scan3A_1475 = %broadcast_in_dim3A_57, %scan3A_1476 = %broadcast_in_dim3A_59, %scan3A_1477 = %broadcast_in_dim3A_61, %scan3A_1478 = %broadcast_in_dim3A_63, %scan3A_1479 = %broadcast_in_dim3A_65, %scan3A_1480 = %broadcast_in_dim3A_67, %scan3A_1481 = %broadcast_in_dim3A_69, %scan3A_1482 = %broadcast_in_dim3A_71, %scan3A_1483 = %broadcast_in_dim3A_73, %scan3A_1484 = %broadcast_in_dim3A_75, %scan3A_1485 = %broadcast_in_dim3A_77, %scan3A_1486 = %broadcast_in_dim3A_79, %scan3A_1487 = %broadcast_in_dim3A_81, %scan3A_1488 = %broadcast_in_dim3A_83, %scan3A_1489 = %broadcast_in_dim3A_85, %scan3A_1490 = %broadcast_in_dim3A_87, %scan3A_1491 = %broadcast_in_dim3A_89, %scan3A_1492 = %broadcast_in_dim3A_91, %scan3A_1493 = %broadcast_in_dim3A_93, %scan3A_1494 = %broadcast_in_dim3A_95, %scan3A_1495 = %broadcast_in_dim3A_97, %scan3A_1496 = %broadcast_in_dim3A_99, %scan3A_1497 = %broadcast_in_dim3A_101, %scan3A_1498 = %broadcast_in_dim3A_103, %scan3A_1499 = %broadcast_in_dim3A_105, %scan3A_1500 = %broadcast_in_dim3A_107, %scan3A_1501 = %broadcast_in_dim3A_109, %scan3A_1502 = %broadcast_in_dim3A_111) -> (vector<16xf32>, vector<16xf32>, vector<16xf32>, vector<16xf32>, vector<16xf32>, vector<16xf32>, vector<16xf32>, vector<16xf32>, vector<16xf32>, vector<16xf32>, vector<16xf32>, vector<16xf32>, vector<16xf32>, vector<16xf32>, vector<16xf32>, vector<16xf32>, vector<16xf32>, vector<16xf32>, vector<16xf32>, vector<16xf32>, vector<16xf32>, vector<16xf32>, vector<16xf32>, vector<16xf32>, vector<16xf32>, vector<16xf32>, vector<16xf32>, vector<16xf32>, vector<16xf32>, vector<16xf32>, vector<16xf32>, vector<16xf32>)  : i32 {
        %get3A = arith.constant 0 : i32
        %get3A_1503 = arith.index_cast %get3A : i32 to index
        %get3A_1504 = arith.index_cast %scan3A_1470 : i32 to index
        %get3A_1505 = arith.constant 0 : index
        %get3A_1506 = tpu.vector_load %arg6[%get3A_1503, %get3A_1504, %get3A_1505] {strides = array<i32>} : memref<2x104x512xf32, #tpu.memory_space<vmem>>, vector<1x1x16xf32>,
        %get3A_1507 = vector.shape_cast %get3A_1506 : vector<1x1x16xf32> to vector<16xf32>
        %add3A_1508 = arith.addf %scan3A_1471, %get3A_1507 : vector<16xf32>
        %get3A_1509 = arith.constant 0 : i32
        %get3A_1510 = arith.index_cast %get3A_1509 : i32 to index
        %get3A_1511 = arith.index_cast %scan3A_1470 : i32 to index
        %get3A_1512 = arith.constant 16 : index
        %get3A_1513 = tpu.vector_load %arg6[%get3A_1510, %get3A_1511, %get3A_1512] {strides = array<i32>} : memref<2x104x512xf32, #tpu.memory_space<vmem>>, vector<1x1x16xf32>,
        %get3A_1514 = vector.shape_cast %get3A_1513 : vector<1x1x16xf32> to vector<16xf32>
        %add3A_1515 = arith.addf %scan3A_1472, %get3A_1514 : vector<16xf32>
        %get3A_1516 = arith.constant 0 : i32
        %get3A_1517 = arith.index_cast %get3A_1516 : i32 to index
        %get3A_1518 = arith.index_cast %scan3A_1470 : i32 to index
        %get3A_1519 = arith.constant 32 : index
        %get3A_1520 = tpu.vector_load %arg6[%get3A_1517, %get3A_1518, %get3A_1519] {strides = array<i32>} : memref<2x104x512xf32, #tpu.memory_space<vmem>>, vector<1x1x16xf32>,
        %get3A_1521 = vector.shape_cast %get3A_1520 : vector<1x1x16xf32> to vector<16xf32>
        %add3A_1522 = arith.addf %scan3A_1473, %get3A_1521 : vector<16xf32>
        %get3A_1523 = arith.constant 0 : i32
        %get3A_1524 = arith.index_cast %get3A_1523 : i32 to index
        %get3A_1525 = arith.index_cast %scan3A_1470 : i32 to index
        %get3A_1526 = arith.constant 48 : index
        %get3A_1527 = tpu.vector_load %arg6[%get3A_1524, %get3A_1525, %get3A_1526] {strides = array<i32>} : memref<2x104x512xf32, #tpu.memory_space<vmem>>, vector<1x1x16xf32>,
        %get3A_1528 = vector.shape_cast %get3A_1527 : vector<1x1x16xf32> to vector<16xf32>
        %add3A_1529 = arith.addf %scan3A_1474, %get3A_1528 : vector<16xf32>
        %get3A_1530 = arith.constant 0 : i32
        %get3A_1531 = arith.index_cast %get3A_1530 : i32 to index
        %get3A_1532 = arith.index_cast %scan3A_1470 : i32 to index
        %get3A_1533 = arith.constant 64 : index
        %get3A_1534 = tpu.vector_load %arg6[%get3A_1531, %get3A_1532, %get3A_1533] {strides = array<i32>} : memref<2x104x512xf32, #tpu.memory_space<vmem>>, vector<1x1x16xf32>,
        %get3A_1535 = vector.shape_cast %get3A_1534 : vector<1x1x16xf32> to vector<16xf32>
        %add3A_1536 = arith.addf %scan3A_1475, %get3A_1535 : vector<16xf32>
        %get3A_1537 = arith.constant 0 : i32
        %get3A_1538 = arith.index_cast %get3A_1537 : i32 to index
        %get3A_1539 = arith.index_cast %scan3A_1470 : i32 to index
        %get3A_1540 = arith.constant 80 : index
        %get3A_1541 = tpu.vector_load %arg6[%get3A_1538, %get3A_1539, %get3A_1540] {strides = array<i32>} : memref<2x104x512xf32, #tpu.memory_space<vmem>>, vector<1x1x16xf32>,
        %get3A_1542 = vector.shape_cast %get3A_1541 : vector<1x1x16xf32> to vector<16xf32>
        %add3A_1543 = arith.addf %scan3A_1476, %get3A_1542 : vector<16xf32>
        %get3A_1544 = arith.constant 0 : i32
        %get3A_1545 = arith.index_cast %get3A_1544 : i32 to index
        %get3A_1546 = arith.index_cast %scan3A_1470 : i32 to index
        %get3A_1547 = arith.constant 96 : index
        %get3A_1548 = tpu.vector_load %arg6[%get3A_1545, %get3A_1546, %get3A_1547] {strides = array<i32>} : memref<2x104x512xf32, #tpu.memory_space<vmem>>, vector<1x1x16xf32>,
        %get3A_1549 = vector.shape_cast %get3A_1548 : vector<1x1x16xf32> to vector<16xf32>
        %add3A_1550 = arith.addf %scan3A_1477, %get3A_1549 : vector<16xf32>
        %get3A_1551 = arith.constant 0 : i32
        %get3A_1552 = arith.index_cast %get3A_1551 : i32 to index
        %get3A_1553 = arith.index_cast %scan3A_1470 : i32 to index
        %get3A_1554 = arith.constant 112 : index
        %get3A_1555 = tpu.vector_load %arg6[%get3A_1552, %get3A_1553, %get3A_1554] {strides = array<i32>} : memref<2x104x512xf32, #tpu.memory_space<vmem>>, vector<1x1x16xf32>,
        %get3A_1556 = vector.shape_cast %get3A_1555 : vector<1x1x16xf32> to vector<16xf32>
        %add3A_1557 = arith.addf %scan3A_1478, %get3A_1556 : vector<16xf32>
        %get3A_1558 = arith.constant 0 : i32
        %get3A_1559 = arith.index_cast %get3A_1558 : i32 to index
        %get3A_1560 = arith.index_cast %scan3A_1470 : i32 to index
        %get3A_1561 = arith.constant 128 : index
        %get3A_1562 = tpu.vector_load %arg6[%get3A_1559, %get3A_1560, %get3A_1561] {strides = array<i32>} : memref<2x104x512xf32, #tpu.memory_space<vmem>>, vector<1x1x16xf32>,
        %get3A_1563 = vector.shape_cast %get3A_1562 : vector<1x1x16xf32> to vector<16xf32>
        %add3A_1564 = arith.addf %scan3A_1479, %get3A_1563 : vector<16xf32>
        %get3A_1565 = arith.constant 0 : i32
        %get3A_1566 = arith.index_cast %get3A_1565 : i32 to index
        %get3A_1567 = arith.index_cast %scan3A_1470 : i32 to index
        %get3A_1568 = arith.constant 144 : index
        %get3A_1569 = tpu.vector_load %arg6[%get3A_1566, %get3A_1567, %get3A_1568] {strides = array<i32>} : memref<2x104x512xf32, #tpu.memory_space<vmem>>, vector<1x1x16xf32>,
        %get3A_1570 = vector.shape_cast %get3A_1569 : vector<1x1x16xf32> to vector<16xf32>
        %add3A_1571 = arith.addf %scan3A_1480, %get3A_1570 : vector<16xf32>
        %get3A_1572 = arith.constant 0 : i32
        %get3A_1573 = arith.index_cast %get3A_1572 : i32 to index
        %get3A_1574 = arith.index_cast %scan3A_1470 : i32 to index
        %get3A_1575 = arith.constant 160 : index
        %get3A_1576 = tpu.vector_load %arg6[%get3A_1573, %get3A_1574, %get3A_1575] {strides = array<i32>} : memref<2x104x512xf32, #tpu.memory_space<vmem>>, vector<1x1x16xf32>,
        %get3A_1577 = vector.shape_cast %get3A_1576 : vector<1x1x16xf32> to vector<16xf32>
        %add3A_1578 = arith.addf %scan3A_1481, %get3A_1577 : vector<16xf32>
        %get3A_1579 = arith.constant 0 : i32
        %get3A_1580 = arith.index_cast %get3A_1579 : i32 to index
        %get3A_1581 = arith.index_cast %scan3A_1470 : i32 to index
        %get3A_1582 = arith.constant 176 : index
        %get3A_1583 = tpu.vector_load %arg6[%get3A_1580, %get3A_1581, %get3A_1582] {strides = array<i32>} : memref<2x104x512xf32, #tpu.memory_space<vmem>>, vector<1x1x16xf32>,
        %get3A_1584 = vector.shape_cast %get3A_1583 : vector<1x1x16xf32> to vector<16xf32>
        %add3A_1585 = arith.addf %scan3A_1482, %get3A_1584 : vector<16xf32>
        %get3A_1586 = arith.constant 0 : i32
        %get3A_1587 = arith.index_cast %get3A_1586 : i32 to index
        %get3A_1588 = arith.index_cast %scan3A_1470 : i32 to index
        %get3A_1589 = arith.constant 192 : index
        %get3A_1590 = tpu.vector_load %arg6[%get3A_1587, %get3A_1588, %get3A_1589] {strides = array<i32>} : memref<2x104x512xf32, #tpu.memory_space<vmem>>, vector<1x1x16xf32>,
        %get3A_1591 = vector.shape_cast %get3A_1590 : vector<1x1x16xf32> to vector<16xf32>
        %add3A_1592 = arith.addf %scan3A_1483, %get3A_1591 : vector<16xf32>
        %get3A_1593 = arith.constant 0 : i32
        %get3A_1594 = arith.index_cast %get3A_1593 : i32 to index
        %get3A_1595 = arith.index_cast %scan3A_1470 : i32 to index
        %get3A_1596 = arith.constant 208 : index
        %get3A_1597 = tpu.vector_load %arg6[%get3A_1594, %get3A_1595, %get3A_1596] {strides = array<i32>} : memref<2x104x512xf32, #tpu.memory_space<vmem>>, vector<1x1x16xf32>,
        %get3A_1598 = vector.shape_cast %get3A_1597 : vector<1x1x16xf32> to vector<16xf32>
        %add3A_1599 = arith.addf %scan3A_1484, %get3A_1598 : vector<16xf32>
        %get3A_1600 = arith.constant 0 : i32
        %get3A_1601 = arith.index_cast %get3A_1600 : i32 to index
        %get3A_1602 = arith.index_cast %scan3A_1470 : i32 to index
        %get3A_1603 = arith.constant 224 : index
        %get3A_1604 = tpu.vector_load %arg6[%get3A_1601, %get3A_1602, %get3A_1603] {strides = array<i32>} : memref<2x104x512xf32, #tpu.memory_space<vmem>>, vector<1x1x16xf32>,
        %get3A_1605 = vector.shape_cast %get3A_1604 : vector<1x1x16xf32> to vector<16xf32>
        %add3A_1606 = arith.addf %scan3A_1485, %get3A_1605 : vector<16xf32>
        %get3A_1607 = arith.constant 0 : i32
        %get3A_1608 = arith.index_cast %get3A_1607 : i32 to index
        %get3A_1609 = arith.index_cast %scan3A_1470 : i32 to index
        %get3A_1610 = arith.constant 240 : index
        %get3A_1611 = tpu.vector_load %arg6[%get3A_1608, %get3A_1609, %get3A_1610] {strides = array<i32>} : memref<2x104x512xf32, #tpu.memory_space<vmem>>, vector<1x1x16xf32>,
        %get3A_1612 = vector.shape_cast %get3A_1611 : vector<1x1x16xf32> to vector<16xf32>
        %add3A_1613 = arith.addf %scan3A_1486, %get3A_1612 : vector<16xf32>
        %get3A_1614 = arith.constant 0 : i32
        %get3A_1615 = arith.index_cast %get3A_1614 : i32 to index
        %get3A_1616 = arith.index_cast %scan3A_1470 : i32 to index
        %get3A_1617 = arith.constant 256 : index
        %get3A_1618 = tpu.vector_load %arg6[%get3A_1615, %get3A_1616, %get3A_1617] {strides = array<i32>} : memref<2x104x512xf32, #tpu.memory_space<vmem>>, vector<1x1x16xf32>,
        %get3A_1619 = vector.shape_cast %get3A_1618 : vector<1x1x16xf32> to vector<16xf32>
        %add3A_1620 = arith.addf %scan3A_1487, %get3A_1619 : vector<16xf32>
        %get3A_1621 = arith.constant 0 : i32
        %get3A_1622 = arith.index_cast %get3A_1621 : i32 to index
        %get3A_1623 = arith.index_cast %scan3A_1470 : i32 to index
        %get3A_1624 = arith.constant 272 : index
        %get3A_1625 = tpu.vector_load %arg6[%get3A_1622, %get3A_1623, %get3A_1624] {strides = array<i32>} : memref<2x104x512xf32, #tpu.memory_space<vmem>>, vector<1x1x16xf32>,
        %get3A_1626 = vector.shape_cast %get3A_1625 : vector<1x1x16xf32> to vector<16xf32>
        %add3A_1627 = arith.addf %scan3A_1488, %get3A_1626 : vector<16xf32>
        %get3A_1628 = arith.constant 0 : i32
        %get3A_1629 = arith.index_cast %get3A_1628 : i32 to index
        %get3A_1630 = arith.index_cast %scan3A_1470 : i32 to index
        %get3A_1631 = arith.constant 288 : index
        %get3A_1632 = tpu.vector_load %arg6[%get3A_1629, %get3A_1630, %get3A_1631] {strides = array<i32>} : memref<2x104x512xf32, #tpu.memory_space<vmem>>, vector<1x1x16xf32>,
        %get3A_1633 = vector.shape_cast %get3A_1632 : vector<1x1x16xf32> to vector<16xf32>
        %add3A_1634 = arith.addf %scan3A_1489, %get3A_1633 : vector<16xf32>
        %get3A_1635 = arith.constant 0 : i32
        %get3A_1636 = arith.index_cast %get3A_1635 : i32 to index
        %get3A_1637 = arith.index_cast %scan3A_1470 : i32 to index
        %get3A_1638 = arith.constant 304 : index
        %get3A_1639 = tpu.vector_load %arg6[%get3A_1636, %get3A_1637, %get3A_1638] {strides = array<i32>} : memref<2x104x512xf32, #tpu.memory_space<vmem>>, vector<1x1x16xf32>,
        %get3A_1640 = vector.shape_cast %get3A_1639 : vector<1x1x16xf32> to vector<16xf32>
        %add3A_1641 = arith.addf %scan3A_1490, %get3A_1640 : vector<16xf32>
        %get3A_1642 = arith.constant 0 : i32
        %get3A_1643 = arith.index_cast %get3A_1642 : i32 to index
        %get3A_1644 = arith.index_cast %scan3A_1470 : i32 to index
        %get3A_1645 = arith.constant 320 : index
        %get3A_1646 = tpu.vector_load %arg6[%get3A_1643, %get3A_1644, %get3A_1645] {strides = array<i32>} : memref<2x104x512xf32, #tpu.memory_space<vmem>>, vector<1x1x16xf32>,
        %get3A_1647 = vector.shape_cast %get3A_1646 : vector<1x1x16xf32> to vector<16xf32>
        %add3A_1648 = arith.addf %scan3A_1491, %get3A_1647 : vector<16xf32>
        %get3A_1649 = arith.constant 0 : i32
        %get3A_1650 = arith.index_cast %get3A_1649 : i32 to index
        %get3A_1651 = arith.index_cast %scan3A_1470 : i32 to index
        %get3A_1652 = arith.constant 336 : index
        %get3A_1653 = tpu.vector_load %arg6[%get3A_1650, %get3A_1651, %get3A_1652] {strides = array<i32>} : memref<2x104x512xf32, #tpu.memory_space<vmem>>, vector<1x1x16xf32>,
        %get3A_1654 = vector.shape_cast %get3A_1653 : vector<1x1x16xf32> to vector<16xf32>
        %add3A_1655 = arith.addf %scan3A_1492, %get3A_1654 : vector<16xf32>
        %get3A_1656 = arith.constant 0 : i32
        %get3A_1657 = arith.index_cast %get3A_1656 : i32 to index
        %get3A_1658 = arith.index_cast %scan3A_1470 : i32 to index
        %get3A_1659 = arith.constant 352 : index
        %get3A_1660 = tpu.vector_load %arg6[%get3A_1657, %get3A_1658, %get3A_1659] {strides = array<i32>} : memref<2x104x512xf32, #tpu.memory_space<vmem>>, vector<1x1x16xf32>,
        %get3A_1661 = vector.shape_cast %get3A_1660 : vector<1x1x16xf32> to vector<16xf32>
        %add3A_1662 = arith.addf %scan3A_1493, %get3A_1661 : vector<16xf32>
        %get3A_1663 = arith.constant 0 : i32
        %get3A_1664 = arith.index_cast %get3A_1663 : i32 to index
        %get3A_1665 = arith.index_cast %scan3A_1470 : i32 to index
        %get3A_1666 = arith.constant 368 : index
        %get3A_1667 = tpu.vector_load %arg6[%get3A_1664, %get3A_1665, %get3A_1666] {strides = array<i32>} : memref<2x104x512xf32, #tpu.memory_space<vmem>>, vector<1x1x16xf32>,
        %get3A_1668 = vector.shape_cast %get3A_1667 : vector<1x1x16xf32> to vector<16xf32>
        %add3A_1669 = arith.addf %scan3A_1494, %get3A_1668 : vector<16xf32>
        %get3A_1670 = arith.constant 0 : i32
        %get3A_1671 = arith.index_cast %get3A_1670 : i32 to index
        %get3A_1672 = arith.index_cast %scan3A_1470 : i32 to index
        %get3A_1673 = arith.constant 384 : index
        %get3A_1674 = tpu.vector_load %arg6[%get3A_1671, %get3A_1672, %get3A_1673] {strides = array<i32>} : memref<2x104x512xf32, #tpu.memory_space<vmem>>, vector<1x1x16xf32>,
        %get3A_1675 = vector.shape_cast %get3A_1674 : vector<1x1x16xf32> to vector<16xf32>
        %add3A_1676 = arith.addf %scan3A_1495, %get3A_1675 : vector<16xf32>
        %get3A_1677 = arith.constant 0 : i32
        %get3A_1678 = arith.index_cast %get3A_1677 : i32 to index
        %get3A_1679 = arith.index_cast %scan3A_1470 : i32 to index
        %get3A_1680 = arith.constant 400 : index
        %get3A_1681 = tpu.vector_load %arg6[%get3A_1678, %get3A_1679, %get3A_1680] {strides = array<i32>} : memref<2x104x512xf32, #tpu.memory_space<vmem>>, vector<1x1x16xf32>,
        %get3A_1682 = vector.shape_cast %get3A_1681 : vector<1x1x16xf32> to vector<16xf32>
        %add3A_1683 = arith.addf %scan3A_1496, %get3A_1682 : vector<16xf32>
        %get3A_1684 = arith.constant 0 : i32
        %get3A_1685 = arith.index_cast %get3A_1684 : i32 to index
        %get3A_1686 = arith.index_cast %scan3A_1470 : i32 to index
        %get3A_1687 = arith.constant 416 : index
        %get3A_1688 = tpu.vector_load %arg6[%get3A_1685, %get3A_1686, %get3A_1687] {strides = array<i32>} : memref<2x104x512xf32, #tpu.memory_space<vmem>>, vector<1x1x16xf32>,
        %get3A_1689 = vector.shape_cast %get3A_1688 : vector<1x1x16xf32> to vector<16xf32>
        %add3A_1690 = arith.addf %scan3A_1497, %get3A_1689 : vector<16xf32>
        %get3A_1691 = arith.constant 0 : i32
        %get3A_1692 = arith.index_cast %get3A_1691 : i32 to index
        %get3A_1693 = arith.index_cast %scan3A_1470 : i32 to index
        %get3A_1694 = arith.constant 432 : index
        %get3A_1695 = tpu.vector_load %arg6[%get3A_1692, %get3A_1693, %get3A_1694] {strides = array<i32>} : memref<2x104x512xf32, #tpu.memory_space<vmem>>, vector<1x1x16xf32>,
        %get3A_1696 = vector.shape_cast %get3A_1695 : vector<1x1x16xf32> to vector<16xf32>
        %add3A_1697 = arith.addf %scan3A_1498, %get3A_1696 : vector<16xf32>
        %get3A_1698 = arith.constant 0 : i32
        %get3A_1699 = arith.index_cast %get3A_1698 : i32 to index
        %get3A_1700 = arith.index_cast %scan3A_1470 : i32 to index
        %get3A_1701 = arith.constant 448 : index
        %get3A_1702 = tpu.vector_load %arg6[%get3A_1699, %get3A_1700, %get3A_1701] {strides = array<i32>} : memref<2x104x512xf32, #tpu.memory_space<vmem>>, vector<1x1x16xf32>,
        %get3A_1703 = vector.shape_cast %get3A_1702 : vector<1x1x16xf32> to vector<16xf32>
        %add3A_1704 = arith.addf %scan3A_1499, %get3A_1703 : vector<16xf32>
        %get3A_1705 = arith.constant 0 : i32
        %get3A_1706 = arith.index_cast %get3A_1705 : i32 to index
        %get3A_1707 = arith.index_cast %scan3A_1470 : i32 to index
        %get3A_1708 = arith.constant 464 : index
        %get3A_1709 = tpu.vector_load %arg6[%get3A_1706, %get3A_1707, %get3A_1708] {strides = array<i32>} : memref<2x104x512xf32, #tpu.memory_space<vmem>>, vector<1x1x16xf32>,
        %get3A_1710 = vector.shape_cast %get3A_1709 : vector<1x1x16xf32> to vector<16xf32>
        %add3A_1711 = arith.addf %scan3A_1500, %get3A_1710 : vector<16xf32>
        %get3A_1712 = arith.constant 0 : i32
        %get3A_1713 = arith.index_cast %get3A_1712 : i32 to index
        %get3A_1714 = arith.index_cast %scan3A_1470 : i32 to index
        %get3A_1715 = arith.constant 480 : index
        %get3A_1716 = tpu.vector_load %arg6[%get3A_1713, %get3A_1714, %get3A_1715] {strides = array<i32>} : memref<2x104x512xf32, #tpu.memory_space<vmem>>, vector<1x1x16xf32>,
        %get3A_1717 = vector.shape_cast %get3A_1716 : vector<1x1x16xf32> to vector<16xf32>
        %add3A_1718 = arith.addf %scan3A_1501, %get3A_1717 : vector<16xf32>
        %get3A_1719 = arith.constant 0 : i32
        %get3A_1720 = arith.index_cast %get3A_1719 : i32 to index
        %get3A_1721 = arith.index_cast %scan3A_1470 : i32 to index
        %get3A_1722 = arith.constant 496 : index
        %get3A_1723 = tpu.vector_load %arg6[%get3A_1720, %get3A_1721, %get3A_1722] {strides = array<i32>} : memref<2x104x512xf32, #tpu.memory_space<vmem>>, vector<1x1x16xf32>,
        %get3A_1724 = vector.shape_cast %get3A_1723 : vector<1x1x16xf32> to vector<16xf32>
        %add3A_1725 = arith.addf %scan3A_1502, %get3A_1724 : vector<16xf32>
        scf.yield %add3A_1508, %add3A_1515, %add3A_1522, %add3A_1529, %add3A_1536, %add3A_1543, %add3A_1550, %add3A_1557, %add3A_1564, %add3A_1571, %add3A_1578, %add3A_1585, %add3A_1592, %add3A_1599, %add3A_1606, %add3A_1613, %add3A_1620, %add3A_1627, %add3A_1634, %add3A_1641, %add3A_1648, %add3A_1655, %add3A_1662, %add3A_1669, %add3A_1676, %add3A_1683, %add3A_1690, %add3A_1697, %add3A_1704, %add3A_1711, %add3A_1718, %add3A_1725 : vector<16xf32>, vector<16xf32>, vector<16xf32>, vector<16xf32>, vector<16xf32>, vector<16xf32>, vector<16xf32>, vector<16xf32>, vector<16xf32>, vector<16xf32>, vector<16xf32>, vector<16xf32>, vector<16xf32>, vector<16xf32>, vector<16xf32>, vector<16xf32>, vector<16xf32>, vector<16xf32>, vector<16xf32>, vector<16xf32>, vector<16xf32>, vector<16xf32>, vector<16xf32>, vector<16xf32>, vector<16xf32>, vector<16xf32>, vector<16xf32>, vector<16xf32>, vector<16xf32>, vector<16xf32>, vector<16xf32>, vector<16xf32>
      }
      %scan3A_117 = arith.constant 50 : i32
      %jit3A = arith.constant 8 : i32
      %eq3A = arith.constant 0 : i32
      %eq3A_118 = arith.cmpi eq, %jit3A, %eq3A : i32
      %jit3A_119 = arith.constant 1 : i32
      %select_n3A = arith.select %eq3A_118, %jit3A_119, %jit3A : i32
      %rem3A = arith.remsi %add3A_37, %select_n3A : i32
      %ne3A = arith.constant 0 : i32
      %ne3A_120 = arith.cmpi ne, %rem3A, %ne3A : i32
      %lt3A = arith.constant 0 : i32
      %lt3A_121 = arith.cmpi slt, %rem3A, %lt3A : i32
      %lt3A_122 = arith.constant 0 : i32
      %lt3A_123 = arith.cmpi slt, %select_n3A, %lt3A_122 : i32
      %ne3A_124 = arith.xori %lt3A_121, %lt3A_123 : i1
      %and3A = arith.andi %ne3A_124, %ne3A_120 : i1
      %add3A_125 = arith.addi %rem3A, %select_n3A : i32
      %select_n3A_126 = arith.select %and3A, %add3A_125, %rem3A : i32
      %mul3A_127 = arith.constant 2 : i32
      %mul3A_128 = arith.muli %select_n3A_126, %mul3A_127 : i32
      %add3A_129 = arith.constant 0 : i32
      %add3A_130 = arith.addi %mul3A_128, %add3A_129 : i32
      %mul3A_131 = arith.constant 2.000000e-02 : f32
      %mul3A_132 = vector.broadcast %mul3A_131 : f32 to vector<16xf32>
      %mul3A_133 = arith.mulf %scan3A_116#0, %mul3A_132 : vector<16xf32>
      %swap3A = arith.index_cast %add3A_130 : i32 to index
      %swap3A_134 = arith.constant 0 : index
      %swap3A_135 = tpu.vector_load %arg7[%swap3A, %swap3A_134] {strides = array<i32>} : memref<16x512xf32, #tpu.memory_space<vmem>>, vector<1x16xf32>,
      %swap3A_136 = vector.shape_cast %swap3A_135 : vector<1x16xf32> to vector<16xf32>
      %swap3A_137 = vector.shape_cast %mul3A_133 : vector<16xf32> to vector<1x16xf32>
      tpu.vector_store %arg7[%swap3A, %swap3A_134], %swap3A_137 {strides = array<i32>} : memref<16x512xf32, #tpu.memory_space<vmem>>, vector<1x16xf32>,
      %mul3A_138 = arith.constant 2.000000e-02 : f32
      %mul3A_139 = vector.broadcast %mul3A_138 : f32 to vector<16xf32>
      %mul3A_140 = arith.mulf %scan3A_116#1, %mul3A_139 : vector<16xf32>
      %swap3A_141 = arith.index_cast %add3A_130 : i32 to index
      %swap3A_142 = arith.constant 16 : index
      %swap3A_143 = tpu.vector_load %arg7[%swap3A_141, %swap3A_142] {strides = array<i32>} : memref<16x512xf32, #tpu.memory_space<vmem>>, vector<1x16xf32>,
      %swap3A_144 = vector.shape_cast %swap3A_143 : vector<1x16xf32> to vector<16xf32>
      %swap3A_145 = vector.shape_cast %mul3A_140 : vector<16xf32> to vector<1x16xf32>
      tpu.vector_store %arg7[%swap3A_141, %swap3A_142], %swap3A_145 {strides = array<i32>} : memref<16x512xf32, #tpu.memory_space<vmem>>, vector<1x16xf32>,
      %mul3A_146 = arith.constant 2.000000e-02 : f32
      %mul3A_147 = vector.broadcast %mul3A_146 : f32 to vector<16xf32>
      %mul3A_148 = arith.mulf %scan3A_116#2, %mul3A_147 : vector<16xf32>
      %swap3A_149 = arith.index_cast %add3A_130 : i32 to index
      %swap3A_150 = arith.constant 32 : index
      %swap3A_151 = tpu.vector_load %arg7[%swap3A_149, %swap3A_150] {strides = array<i32>} : memref<16x512xf32, #tpu.memory_space<vmem>>, vector<1x16xf32>,
      %swap3A_152 = vector.shape_cast %swap3A_151 : vector<1x16xf32> to vector<16xf32>
      %swap3A_153 = vector.shape_cast %mul3A_148 : vector<16xf32> to vector<1x16xf32>
      tpu.vector_store %arg7[%swap3A_149, %swap3A_150], %swap3A_153 {strides = array<i32>} : memref<16x512xf32, #tpu.memory_space<vmem>>, vector<1x16xf32>,
      %mul3A_154 = arith.constant 2.000000e-02 : f32
      %mul3A_155 = vector.broadcast %mul3A_154 : f32 to vector<16xf32>
      %mul3A_156 = arith.mulf %scan3A_116#3, %mul3A_155 : vector<16xf32>
      %swap3A_157 = arith.index_cast %add3A_130 : i32 to index
      %swap3A_158 = arith.constant 48 : index
      %swap3A_159 = tpu.vector_load %arg7[%swap3A_157, %swap3A_158] {strides = array<i32>} : memref<16x512xf32, #tpu.memory_space<vmem>>, vector<1x16xf32>,
      %swap3A_160 = vector.shape_cast %swap3A_159 : vector<1x16xf32> to vector<16xf32>
      %swap3A_161 = vector.shape_cast %mul3A_156 : vector<16xf32> to vector<1x16xf32>
      tpu.vector_store %arg7[%swap3A_157, %swap3A_158], %swap3A_161 {strides = array<i32>} : memref<16x512xf32, #tpu.memory_space<vmem>>, vector<1x16xf32>,
      %mul3A_162 = arith.constant 2.000000e-02 : f32
      %mul3A_163 = vector.broadcast %mul3A_162 : f32 to vector<16xf32>
      %mul3A_164 = arith.mulf %scan3A_116#4, %mul3A_163 : vector<16xf32>
      %swap3A_165 = arith.index_cast %add3A_130 : i32 to index
      %swap3A_166 = arith.constant 64 : index
      %swap3A_167 = tpu.vector_load %arg7[%swap3A_165, %swap3A_166] {strides = array<i32>} : memref<16x512xf32, #tpu.memory_space<vmem>>, vector<1x16xf32>,
      %swap3A_168 = vector.shape_cast %swap3A_167 : vector<1x16xf32> to vector<16xf32>
      %swap3A_169 = vector.shape_cast %mul3A_164 : vector<16xf32> to vector<1x16xf32>
      tpu.vector_store %arg7[%swap3A_165, %swap3A_166], %swap3A_169 {strides = array<i32>} : memref<16x512xf32, #tpu.memory_space<vmem>>, vector<1x16xf32>,
      %mul3A_170 = arith.constant 2.000000e-02 : f32
      %mul3A_171 = vector.broadcast %mul3A_170 : f32 to vector<16xf32>
      %mul3A_172 = arith.mulf %scan3A_116#5, %mul3A_171 : vector<16xf32>
      %swap3A_173 = arith.index_cast %add3A_130 : i32 to index
      %swap3A_174 = arith.constant 80 : index
      %swap3A_175 = tpu.vector_load %arg7[%swap3A_173, %swap3A_174] {strides = array<i32>} : memref<16x512xf32, #tpu.memory_space<vmem>>, vector<1x16xf32>,
      %swap3A_176 = vector.shape_cast %swap3A_175 : vector<1x16xf32> to vector<16xf32>
      %swap3A_177 = vector.shape_cast %mul3A_172 : vector<16xf32> to vector<1x16xf32>
      tpu.vector_store %arg7[%swap3A_173, %swap3A_174], %swap3A_177 {strides = array<i32>} : memref<16x512xf32, #tpu.memory_space<vmem>>, vector<1x16xf32>,
      %mul3A_178 = arith.constant 2.000000e-02 : f32
      %mul3A_179 = vector.broadcast %mul3A_178 : f32 to vector<16xf32>
      %mul3A_180 = arith.mulf %scan3A_116#6, %mul3A_179 : vector<16xf32>
      %swap3A_181 = arith.index_cast %add3A_130 : i32 to index
      %swap3A_182 = arith.constant 96 : index
      %swap3A_183 = tpu.vector_load %arg7[%swap3A_181, %swap3A_182] {strides = array<i32>} : memref<16x512xf32, #tpu.memory_space<vmem>>, vector<1x16xf32>,
      %swap3A_184 = vector.shape_cast %swap3A_183 : vector<1x16xf32> to vector<16xf32>
      %swap3A_185 = vector.shape_cast %mul3A_180 : vector<16xf32> to vector<1x16xf32>
      tpu.vector_store %arg7[%swap3A_181, %swap3A_182], %swap3A_185 {strides = array<i32>} : memref<16x512xf32, #tpu.memory_space<vmem>>, vector<1x16xf32>,
      %mul3A_186 = arith.constant 2.000000e-02 : f32
      %mul3A_187 = vector.broadcast %mul3A_186 : f32 to vector<16xf32>
      %mul3A_188 = arith.mulf %scan3A_116#7, %mul3A_187 : vector<16xf32>
      %swap3A_189 = arith.index_cast %add3A_130 : i32 to index
      %swap3A_190 = arith.constant 112 : index
      %swap3A_191 = tpu.vector_load %arg7[%swap3A_189, %swap3A_190] {strides = array<i32>} : memref<16x512xf32, #tpu.memory_space<vmem>>, vector<1x16xf32>,
      %swap3A_192 = vector.shape_cast %swap3A_191 : vector<1x16xf32> to vector<16xf32>
      %swap3A_193 = vector.shape_cast %mul3A_188 : vector<16xf32> to vector<1x16xf32>
      tpu.vector_store %arg7[%swap3A_189, %swap3A_190], %swap3A_193 {strides = array<i32>} : memref<16x512xf32, #tpu.memory_space<vmem>>, vector<1x16xf32>,
      %mul3A_194 = arith.constant 2.000000e-02 : f32
      %mul3A_195 = vector.broadcast %mul3A_194 : f32 to vector<16xf32>
      %mul3A_196 = arith.mulf %scan3A_116#8, %mul3A_195 : vector<16xf32>
      %swap3A_197 = arith.index_cast %add3A_130 : i32 to index
      %swap3A_198 = arith.constant 128 : index
      %swap3A_199 = tpu.vector_load %arg7[%swap3A_197, %swap3A_198] {strides = array<i32>} : memref<16x512xf32, #tpu.memory_space<vmem>>, vector<1x16xf32>,
      %swap3A_200 = vector.shape_cast %swap3A_199 : vector<1x16xf32> to vector<16xf32>
      %swap3A_201 = vector.shape_cast %mul3A_196 : vector<16xf32> to vector<1x16xf32>
      tpu.vector_store %arg7[%swap3A_197, %swap3A_198], %swap3A_201 {strides = array<i32>} : memref<16x512xf32, #tpu.memory_space<vmem>>, vector<1x16xf32>,
      %mul3A_202 = arith.constant 2.000000e-02 : f32
      %mul3A_203 = vector.broadcast %mul3A_202 : f32 to vector<16xf32>
      %mul3A_204 = arith.mulf %scan3A_116#9, %mul3A_203 : vector<16xf32>
      %swap3A_205 = arith.index_cast %add3A_130 : i32 to index
      %swap3A_206 = arith.constant 144 : index
      %swap3A_207 = tpu.vector_load %arg7[%swap3A_205, %swap3A_206] {strides = array<i32>} : memref<16x512xf32, #tpu.memory_space<vmem>>, vector<1x16xf32>,
      %swap3A_208 = vector.shape_cast %swap3A_207 : vector<1x16xf32> to vector<16xf32>
      %swap3A_209 = vector.shape_cast %mul3A_204 : vector<16xf32> to vector<1x16xf32>
      tpu.vector_store %arg7[%swap3A_205, %swap3A_206], %swap3A_209 {strides = array<i32>} : memref<16x512xf32, #tpu.memory_space<vmem>>, vector<1x16xf32>,
      %mul3A_210 = arith.constant 2.000000e-02 : f32
      %mul3A_211 = vector.broadcast %mul3A_210 : f32 to vector<16xf32>
      %mul3A_212 = arith.mulf %scan3A_116#10, %mul3A_211 : vector<16xf32>
      %swap3A_213 = arith.index_cast %add3A_130 : i32 to index
      %swap3A_214 = arith.constant 160 : index
      %swap3A_215 = tpu.vector_load %arg7[%swap3A_213, %swap3A_214] {strides = array<i32>} : memref<16x512xf32, #tpu.memory_space<vmem>>, vector<1x16xf32>,
      %swap3A_216 = vector.shape_cast %swap3A_215 : vector<1x16xf32> to vector<16xf32>
      %swap3A_217 = vector.shape_cast %mul3A_212 : vector<16xf32> to vector<1x16xf32>
      tpu.vector_store %arg7[%swap3A_213, %swap3A_214], %swap3A_217 {strides = array<i32>} : memref<16x512xf32, #tpu.memory_space<vmem>>, vector<1x16xf32>,
      %mul3A_218 = arith.constant 2.000000e-02 : f32
      %mul3A_219 = vector.broadcast %mul3A_218 : f32 to vector<16xf32>
      %mul3A_220 = arith.mulf %scan3A_116#11, %mul3A_219 : vector<16xf32>
      %swap3A_221 = arith.index_cast %add3A_130 : i32 to index
      %swap3A_222 = arith.constant 176 : index
      %swap3A_223 = tpu.vector_load %arg7[%swap3A_221, %swap3A_222] {strides = array<i32>} : memref<16x512xf32, #tpu.memory_space<vmem>>, vector<1x16xf32>,
      %swap3A_224 = vector.shape_cast %swap3A_223 : vector<1x16xf32> to vector<16xf32>
      %swap3A_225 = vector.shape_cast %mul3A_220 : vector<16xf32> to vector<1x16xf32>
      tpu.vector_store %arg7[%swap3A_221, %swap3A_222], %swap3A_225 {strides = array<i32>} : memref<16x512xf32, #tpu.memory_space<vmem>>, vector<1x16xf32>,
      %mul3A_226 = arith.constant 2.000000e-02 : f32
      %mul3A_227 = vector.broadcast %mul3A_226 : f32 to vector<16xf32>
      %mul3A_228 = arith.mulf %scan3A_116#12, %mul3A_227 : vector<16xf32>
      %swap3A_229 = arith.index_cast %add3A_130 : i32 to index
      %swap3A_230 = arith.constant 192 : index
      %swap3A_231 = tpu.vector_load %arg7[%swap3A_229, %swap3A_230] {strides = array<i32>} : memref<16x512xf32, #tpu.memory_space<vmem>>, vector<1x16xf32>,
      %swap3A_232 = vector.shape_cast %swap3A_231 : vector<1x16xf32> to vector<16xf32>
      %swap3A_233 = vector.shape_cast %mul3A_228 : vector<16xf32> to vector<1x16xf32>
      tpu.vector_store %arg7[%swap3A_229, %swap3A_230], %swap3A_233 {strides = array<i32>} : memref<16x512xf32, #tpu.memory_space<vmem>>, vector<1x16xf32>,
      %mul3A_234 = arith.constant 2.000000e-02 : f32
      %mul3A_235 = vector.broadcast %mul3A_234 : f32 to vector<16xf32>
      %mul3A_236 = arith.mulf %scan3A_116#13, %mul3A_235 : vector<16xf32>
      %swap3A_237 = arith.index_cast %add3A_130 : i32 to index
      %swap3A_238 = arith.constant 208 : index
      %swap3A_239 = tpu.vector_load %arg7[%swap3A_237, %swap3A_238] {strides = array<i32>} : memref<16x512xf32, #tpu.memory_space<vmem>>, vector<1x16xf32>,
      %swap3A_240 = vector.shape_cast %swap3A_239 : vector<1x16xf32> to vector<16xf32>
      %swap3A_241 = vector.shape_cast %mul3A_236 : vector<16xf32> to vector<1x16xf32>
      tpu.vector_store %arg7[%swap3A_237, %swap3A_238], %swap3A_241 {strides = array<i32>} : memref<16x512xf32, #tpu.memory_space<vmem>>, vector<1x16xf32>,
      %mul3A_242 = arith.constant 2.000000e-02 : f32
      %mul3A_243 = vector.broadcast %mul3A_242 : f32 to vector<16xf32>
      %mul3A_244 = arith.mulf %scan3A_116#14, %mul3A_243 : vector<16xf32>
      %swap3A_245 = arith.index_cast %add3A_130 : i32 to index
      %swap3A_246 = arith.constant 224 : index
      %swap3A_247 = tpu.vector_load %arg7[%swap3A_245, %swap3A_246] {strides = array<i32>} : memref<16x512xf32, #tpu.memory_space<vmem>>, vector<1x16xf32>,
      %swap3A_248 = vector.shape_cast %swap3A_247 : vector<1x16xf32> to vector<16xf32>
      %swap3A_249 = vector.shape_cast %mul3A_244 : vector<16xf32> to vector<1x16xf32>
      tpu.vector_store %arg7[%swap3A_245, %swap3A_246], %swap3A_249 {strides = array<i32>} : memref<16x512xf32, #tpu.memory_space<vmem>>, vector<1x16xf32>,
      %mul3A_250 = arith.constant 2.000000e-02 : f32
      %mul3A_251 = vector.broadcast %mul3A_250 : f32 to vector<16xf32>
      %mul3A_252 = arith.mulf %scan3A_116#15, %mul3A_251 : vector<16xf32>
      %swap3A_253 = arith.index_cast %add3A_130 : i32 to index
      %swap3A_254 = arith.constant 240 : index
      %swap3A_255 = tpu.vector_load %arg7[%swap3A_253, %swap3A_254] {strides = array<i32>} : memref<16x512xf32, #tpu.memory_space<vmem>>, vector<1x16xf32>,
      %swap3A_256 = vector.shape_cast %swap3A_255 : vector<1x16xf32> to vector<16xf32>
      %swap3A_257 = vector.shape_cast %mul3A_252 : vector<16xf32> to vector<1x16xf32>
      tpu.vector_store %arg7[%swap3A_253, %swap3A_254], %swap3A_257 {strides = array<i32>} : memref<16x512xf32, #tpu.memory_space<vmem>>, vector<1x16xf32>,
      %mul3A_258 = arith.constant 2.000000e-02 : f32
      %mul3A_259 = vector.broadcast %mul3A_258 : f32 to vector<16xf32>
      %mul3A_260 = arith.mulf %scan3A_116#16, %mul3A_259 : vector<16xf32>
      %swap3A_261 = arith.index_cast %add3A_130 : i32 to index
      %swap3A_262 = arith.constant 256 : index
      %swap3A_263 = tpu.vector_load %arg7[%swap3A_261, %swap3A_262] {strides = array<i32>} : memref<16x512xf32, #tpu.memory_space<vmem>>, vector<1x16xf32>,
      %swap3A_264 = vector.shape_cast %swap3A_263 : vector<1x16xf32> to vector<16xf32>
      %swap3A_265 = vector.shape_cast %mul3A_260 : vector<16xf32> to vector<1x16xf32>
      tpu.vector_store %arg7[%swap3A_261, %swap3A_262], %swap3A_265 {strides = array<i32>} : memref<16x512xf32, #tpu.memory_space<vmem>>, vector<1x16xf32>,
      %mul3A_266 = arith.constant 2.000000e-02 : f32
      %mul3A_267 = vector.broadcast %mul3A_266 : f32 to vector<16xf32>
      %mul3A_268 = arith.mulf %scan3A_116#17, %mul3A_267 : vector<16xf32>
      %swap3A_269 = arith.index_cast %add3A_130 : i32 to index
      %swap3A_270 = arith.constant 272 : index
      %swap3A_271 = tpu.vector_load %arg7[%swap3A_269, %swap3A_270] {strides = array<i32>} : memref<16x512xf32, #tpu.memory_space<vmem>>, vector<1x16xf32>,
      %swap3A_272 = vector.shape_cast %swap3A_271 : vector<1x16xf32> to vector<16xf32>
      %swap3A_273 = vector.shape_cast %mul3A_268 : vector<16xf32> to vector<1x16xf32>
      tpu.vector_store %arg7[%swap3A_269, %swap3A_270], %swap3A_273 {strides = array<i32>} : memref<16x512xf32, #tpu.memory_space<vmem>>, vector<1x16xf32>,
      %mul3A_274 = arith.constant 2.000000e-02 : f32
      %mul3A_275 = vector.broadcast %mul3A_274 : f32 to vector<16xf32>
      %mul3A_276 = arith.mulf %scan3A_116#18, %mul3A_275 : vector<16xf32>
      %swap3A_277 = arith.index_cast %add3A_130 : i32 to index
      %swap3A_278 = arith.constant 288 : index
      %swap3A_279 = tpu.vector_load %arg7[%swap3A_277, %swap3A_278] {strides = array<i32>} : memref<16x512xf32, #tpu.memory_space<vmem>>, vector<1x16xf32>,
      %swap3A_280 = vector.shape_cast %swap3A_279 : vector<1x16xf32> to vector<16xf32>
      %swap3A_281 = vector.shape_cast %mul3A_276 : vector<16xf32> to vector<1x16xf32>
      tpu.vector_store %arg7[%swap3A_277, %swap3A_278], %swap3A_281 {strides = array<i32>} : memref<16x512xf32, #tpu.memory_space<vmem>>, vector<1x16xf32>,
      %mul3A_282 = arith.constant 2.000000e-02 : f32
      %mul3A_283 = vector.broadcast %mul3A_282 : f32 to vector<16xf32>
      %mul3A_284 = arith.mulf %scan3A_116#19, %mul3A_283 : vector<16xf32>
      %swap3A_285 = arith.index_cast %add3A_130 : i32 to index
      %swap3A_286 = arith.constant 304 : index
      %swap3A_287 = tpu.vector_load %arg7[%swap3A_285, %swap3A_286] {strides = array<i32>} : memref<16x512xf32, #tpu.memory_space<vmem>>, vector<1x16xf32>,
      %swap3A_288 = vector.shape_cast %swap3A_287 : vector<1x16xf32> to vector<16xf32>
      %swap3A_289 = vector.shape_cast %mul3A_284 : vector<16xf32> to vector<1x16xf32>
      tpu.vector_store %arg7[%swap3A_285, %swap3A_286], %swap3A_289 {strides = array<i32>} : memref<16x512xf32, #tpu.memory_space<vmem>>, vector<1x16xf32>,
      %mul3A_290 = arith.constant 2.000000e-02 : f32
      %mul3A_291 = vector.broadcast %mul3A_290 : f32 to vector<16xf32>
      %mul3A_292 = arith.mulf %scan3A_116#20, %mul3A_291 : vector<16xf32>
      %swap3A_293 = arith.index_cast %add3A_130 : i32 to index
      %swap3A_294 = arith.constant 320 : index
      %swap3A_295 = tpu.vector_load %arg7[%swap3A_293, %swap3A_294] {strides = array<i32>} : memref<16x512xf32, #tpu.memory_space<vmem>>, vector<1x16xf32>,
      %swap3A_296 = vector.shape_cast %swap3A_295 : vector<1x16xf32> to vector<16xf32>
      %swap3A_297 = vector.shape_cast %mul3A_292 : vector<16xf32> to vector<1x16xf32>
      tpu.vector_store %arg7[%swap3A_293, %swap3A_294], %swap3A_297 {strides = array<i32>} : memref<16x512xf32, #tpu.memory_space<vmem>>, vector<1x16xf32>,
      %mul3A_298 = arith.constant 2.000000e-02 : f32
      %mul3A_299 = vector.broadcast %mul3A_298 : f32 to vector<16xf32>
      %mul3A_300 = arith.mulf %scan3A_116#21, %mul3A_299 : vector<16xf32>
      %swap3A_301 = arith.index_cast %add3A_130 : i32 to index
      %swap3A_302 = arith.constant 336 : index
      %swap3A_303 = tpu.vector_load %arg7[%swap3A_301, %swap3A_302] {strides = array<i32>} : memref<16x512xf32, #tpu.memory_space<vmem>>, vector<1x16xf32>,
      %swap3A_304 = vector.shape_cast %swap3A_303 : vector<1x16xf32> to vector<16xf32>
      %swap3A_305 = vector.shape_cast %mul3A_300 : vector<16xf32> to vector<1x16xf32>
      tpu.vector_store %arg7[%swap3A_301, %swap3A_302], %swap3A_305 {strides = array<i32>} : memref<16x512xf32, #tpu.memory_space<vmem>>, vector<1x16xf32>,
      %mul3A_306 = arith.constant 2.000000e-02 : f32
      %mul3A_307 = vector.broadcast %mul3A_306 : f32 to vector<16xf32>
      %mul3A_308 = arith.mulf %scan3A_116#22, %mul3A_307 : vector<16xf32>
      %swap3A_309 = arith.index_cast %add3A_130 : i32 to index
      %swap3A_310 = arith.constant 352 : index
      %swap3A_311 = tpu.vector_load %arg7[%swap3A_309, %swap3A_310] {strides = array<i32>} : memref<16x512xf32, #tpu.memory_space<vmem>>, vector<1x16xf32>,
      %swap3A_312 = vector.shape_cast %swap3A_311 : vector<1x16xf32> to vector<16xf32>
      %swap3A_313 = vector.shape_cast %mul3A_308 : vector<16xf32> to vector<1x16xf32>
      tpu.vector_store %arg7[%swap3A_309, %swap3A_310], %swap3A_313 {strides = array<i32>} : memref<16x512xf32, #tpu.memory_space<vmem>>, vector<1x16xf32>,
      %mul3A_314 = arith.constant 2.000000e-02 : f32
      %mul3A_315 = vector.broadcast %mul3A_314 : f32 to vector<16xf32>
      %mul3A_316 = arith.mulf %scan3A_116#23, %mul3A_315 : vector<16xf32>
      %swap3A_317 = arith.index_cast %add3A_130 : i32 to index
      %swap3A_318 = arith.constant 368 : index
      %swap3A_319 = tpu.vector_load %arg7[%swap3A_317, %swap3A_318] {strides = array<i32>} : memref<16x512xf32, #tpu.memory_space<vmem>>, vector<1x16xf32>,
      %swap3A_320 = vector.shape_cast %swap3A_319 : vector<1x16xf32> to vector<16xf32>
      %swap3A_321 = vector.shape_cast %mul3A_316 : vector<16xf32> to vector<1x16xf32>
      tpu.vector_store %arg7[%swap3A_317, %swap3A_318], %swap3A_321 {strides = array<i32>} : memref<16x512xf32, #tpu.memory_space<vmem>>, vector<1x16xf32>,
      %mul3A_322 = arith.constant 2.000000e-02 : f32
      %mul3A_323 = vector.broadcast %mul3A_322 : f32 to vector<16xf32>
      %mul3A_324 = arith.mulf %scan3A_116#24, %mul3A_323 : vector<16xf32>
      %swap3A_325 = arith.index_cast %add3A_130 : i32 to index
      %swap3A_326 = arith.constant 384 : index
      %swap3A_327 = tpu.vector_load %arg7[%swap3A_325, %swap3A_326] {strides = array<i32>} : memref<16x512xf32, #tpu.memory_space<vmem>>, vector<1x16xf32>,
      %swap3A_328 = vector.shape_cast %swap3A_327 : vector<1x16xf32> to vector<16xf32>
      %swap3A_329 = vector.shape_cast %mul3A_324 : vector<16xf32> to vector<1x16xf32>
      tpu.vector_store %arg7[%swap3A_325, %swap3A_326], %swap3A_329 {strides = array<i32>} : memref<16x512xf32, #tpu.memory_space<vmem>>, vector<1x16xf32>,
      %mul3A_330 = arith.constant 2.000000e-02 : f32
      %mul3A_331 = vector.broadcast %mul3A_330 : f32 to vector<16xf32>
      %mul3A_332 = arith.mulf %scan3A_116#25, %mul3A_331 : vector<16xf32>
      %swap3A_333 = arith.index_cast %add3A_130 : i32 to index
      %swap3A_334 = arith.constant 400 : index
      %swap3A_335 = tpu.vector_load %arg7[%swap3A_333, %swap3A_334] {strides = array<i32>} : memref<16x512xf32, #tpu.memory_space<vmem>>, vector<1x16xf32>,
      %swap3A_336 = vector.shape_cast %swap3A_335 : vector<1x16xf32> to vector<16xf32>
      %swap3A_337 = vector.shape_cast %mul3A_332 : vector<16xf32> to vector<1x16xf32>
      tpu.vector_store %arg7[%swap3A_333, %swap3A_334], %swap3A_337 {strides = array<i32>} : memref<16x512xf32, #tpu.memory_space<vmem>>, vector<1x16xf32>,
      %mul3A_338 = arith.constant 2.000000e-02 : f32
      %mul3A_339 = vector.broadcast %mul3A_338 : f32 to vector<16xf32>
      %mul3A_340 = arith.mulf %scan3A_116#26, %mul3A_339 : vector<16xf32>
      %swap3A_341 = arith.index_cast %add3A_130 : i32 to index
      %swap3A_342 = arith.constant 416 : index
      %swap3A_343 = tpu.vector_load %arg7[%swap3A_341, %swap3A_342] {strides = array<i32>} : memref<16x512xf32, #tpu.memory_space<vmem>>, vector<1x16xf32>,
      %swap3A_344 = vector.shape_cast %swap3A_343 : vector<1x16xf32> to vector<16xf32>
      %swap3A_345 = vector.shape_cast %mul3A_340 : vector<16xf32> to vector<1x16xf32>
      tpu.vector_store %arg7[%swap3A_341, %swap3A_342], %swap3A_345 {strides = array<i32>} : memref<16x512xf32, #tpu.memory_space<vmem>>, vector<1x16xf32>,
      %mul3A_346 = arith.constant 2.000000e-02 : f32
      %mul3A_347 = vector.broadcast %mul3A_346 : f32 to vector<16xf32>
      %mul3A_348 = arith.mulf %scan3A_116#27, %mul3A_347 : vector<16xf32>
      %swap3A_349 = arith.index_cast %add3A_130 : i32 to index
      %swap3A_350 = arith.constant 432 : index
      %swap3A_351 = tpu.vector_load %arg7[%swap3A_349, %swap3A_350] {strides = array<i32>} : memref<16x512xf32, #tpu.memory_space<vmem>>, vector<1x16xf32>,
      %swap3A_352 = vector.shape_cast %swap3A_351 : vector<1x16xf32> to vector<16xf32>
      %swap3A_353 = vector.shape_cast %mul3A_348 : vector<16xf32> to vector<1x16xf32>
      tpu.vector_store %arg7[%swap3A_349, %swap3A_350], %swap3A_353 {strides = array<i32>} : memref<16x512xf32, #tpu.memory_space<vmem>>, vector<1x16xf32>,
      %mul3A_354 = arith.constant 2.000000e-02 : f32
      %mul3A_355 = vector.broadcast %mul3A_354 : f32 to vector<16xf32>
      %mul3A_356 = arith.mulf %scan3A_116#28, %mul3A_355 : vector<16xf32>
      %swap3A_357 = arith.index_cast %add3A_130 : i32 to index
      %swap3A_358 = arith.constant 448 : index
      %swap3A_359 = tpu.vector_load %arg7[%swap3A_357, %swap3A_358] {strides = array<i32>} : memref<16x512xf32, #tpu.memory_space<vmem>>, vector<1x16xf32>,
      %swap3A_360 = vector.shape_cast %swap3A_359 : vector<1x16xf32> to vector<16xf32>
      %swap3A_361 = vector.shape_cast %mul3A_356 : vector<16xf32> to vector<1x16xf32>
      tpu.vector_store %arg7[%swap3A_357, %swap3A_358], %swap3A_361 {strides = array<i32>} : memref<16x512xf32, #tpu.memory_space<vmem>>, vector<1x16xf32>,
      %mul3A_362 = arith.constant 2.000000e-02 : f32
      %mul3A_363 = vector.broadcast %mul3A_362 : f32 to vector<16xf32>
      %mul3A_364 = arith.mulf %scan3A_116#29, %mul3A_363 : vector<16xf32>
      %swap3A_365 = arith.index_cast %add3A_130 : i32 to index
      %swap3A_366 = arith.constant 464 : index
      %swap3A_367 = tpu.vector_load %arg7[%swap3A_365, %swap3A_366] {strides = array<i32>} : memref<16x512xf32, #tpu.memory_space<vmem>>, vector<1x16xf32>,
      %swap3A_368 = vector.shape_cast %swap3A_367 : vector<1x16xf32> to vector<16xf32>
      %swap3A_369 = vector.shape_cast %mul3A_364 : vector<16xf32> to vector<1x16xf32>
      tpu.vector_store %arg7[%swap3A_365, %swap3A_366], %swap3A_369 {strides = array<i32>} : memref<16x512xf32, #tpu.memory_space<vmem>>, vector<1x16xf32>,
      %mul3A_370 = arith.constant 2.000000e-02 : f32
      %mul3A_371 = vector.broadcast %mul3A_370 : f32 to vector<16xf32>
      %mul3A_372 = arith.mulf %scan3A_116#30, %mul3A_371 : vector<16xf32>
      %swap3A_373 = arith.index_cast %add3A_130 : i32 to index
      %swap3A_374 = arith.constant 480 : index
      %swap3A_375 = tpu.vector_load %arg7[%swap3A_373, %swap3A_374] {strides = array<i32>} : memref<16x512xf32, #tpu.memory_space<vmem>>, vector<1x16xf32>,
      %swap3A_376 = vector.shape_cast %swap3A_375 : vector<1x16xf32> to vector<16xf32>
      %swap3A_377 = vector.shape_cast %mul3A_372 : vector<16xf32> to vector<1x16xf32>
      tpu.vector_store %arg7[%swap3A_373, %swap3A_374], %swap3A_377 {strides = array<i32>} : memref<16x512xf32, #tpu.memory_space<vmem>>, vector<1x16xf32>,
      %mul3A_378 = arith.constant 2.000000e-02 : f32
      %mul3A_379 = vector.broadcast %mul3A_378 : f32 to vector<16xf32>
      %mul3A_380 = arith.mulf %scan3A_116#31, %mul3A_379 : vector<16xf32>
      %swap3A_381 = arith.index_cast %add3A_130 : i32 to index
      %swap3A_382 = arith.constant 496 : index
      %swap3A_383 = tpu.vector_load %arg7[%swap3A_381, %swap3A_382] {strides = array<i32>} : memref<16x512xf32, #tpu.memory_space<vmem>>, vector<1x16xf32>,
      %swap3A_384 = vector.shape_cast %swap3A_383 : vector<1x16xf32> to vector<16xf32>
      %swap3A_385 = vector.shape_cast %mul3A_380 : vector<16xf32> to vector<1x16xf32>
      tpu.vector_store %arg7[%swap3A_381, %swap3A_382], %swap3A_385 {strides = array<i32>} : memref<16x512xf32, #tpu.memory_space<vmem>>, vector<1x16xf32>,
      %broadcast_in_dim3A_386 = arith.constant 0.000000e+00 : f32
      %broadcast_in_dim3A_387 = vector.broadcast %broadcast_in_dim3A_386 : f32 to vector<16xf32>
      %broadcast_in_dim3A_388 = arith.constant 0.000000e+00 : f32
      %broadcast_in_dim3A_389 = vector.broadcast %broadcast_in_dim3A_388 : f32 to vector<16xf32>
      %broadcast_in_dim3A_390 = arith.constant 0.000000e+00 : f32
      %broadcast_in_dim3A_391 = vector.broadcast %broadcast_in_dim3A_390 : f32 to vector<16xf32>
      %broadcast_in_dim3A_392 = arith.constant 0.000000e+00 : f32
      %broadcast_in_dim3A_393 = vector.broadcast %broadcast_in_dim3A_392 : f32 to vector<16xf32>
      %broadcast_in_dim3A_394 = arith.constant 0.000000e+00 : f32
      %broadcast_in_dim3A_395 = vector.broadcast %broadcast_in_dim3A_394 : f32 to vector<16xf32>
      %broadcast_in_dim3A_396 = arith.constant 0.000000e+00 : f32
      %broadcast_in_dim3A_397 = vector.broadcast %broadcast_in_dim3A_396 : f32 to vector<16xf32>
      %broadcast_in_dim3A_398 = arith.constant 0.000000e+00 : f32
      %broadcast_in_dim3A_399 = vector.broadcast %broadcast_in_dim3A_398 : f32 to vector<16xf32>
      %broadcast_in_dim3A_400 = arith.constant 0.000000e+00 : f32
      %broadcast_in_dim3A_401 = vector.broadcast %broadcast_in_dim3A_400 : f32 to vector<16xf32>
      %broadcast_in_dim3A_402 = arith.constant 0.000000e+00 : f32
      %broadcast_in_dim3A_403 = vector.broadcast %broadcast_in_dim3A_402 : f32 to vector<16xf32>
      %broadcast_in_dim3A_404 = arith.constant 0.000000e+00 : f32
      %broadcast_in_dim3A_405 = vector.broadcast %broadcast_in_dim3A_404 : f32 to vector<16xf32>
      %broadcast_in_dim3A_406 = arith.constant 0.000000e+00 : f32
      %broadcast_in_dim3A_407 = vector.broadcast %broadcast_in_dim3A_406 : f32 to vector<16xf32>
      %broadcast_in_dim3A_408 = arith.constant 0.000000e+00 : f32
      %broadcast_in_dim3A_409 = vector.broadcast %broadcast_in_dim3A_408 : f32 to vector<16xf32>
      %broadcast_in_dim3A_410 = arith.constant 0.000000e+00 : f32
      %broadcast_in_dim3A_411 = vector.broadcast %broadcast_in_dim3A_410 : f32 to vector<16xf32>
      %broadcast_in_dim3A_412 = arith.constant 0.000000e+00 : f32
      %broadcast_in_dim3A_413 = vector.broadcast %broadcast_in_dim3A_412 : f32 to vector<16xf32>
      %broadcast_in_dim3A_414 = arith.constant 0.000000e+00 : f32
      %broadcast_in_dim3A_415 = vector.broadcast %broadcast_in_dim3A_414 : f32 to vector<16xf32>
      %broadcast_in_dim3A_416 = arith.constant 0.000000e+00 : f32
      %broadcast_in_dim3A_417 = vector.broadcast %broadcast_in_dim3A_416 : f32 to vector<16xf32>
      %broadcast_in_dim3A_418 = arith.constant 0.000000e+00 : f32
      %broadcast_in_dim3A_419 = vector.broadcast %broadcast_in_dim3A_418 : f32 to vector<16xf32>
      %broadcast_in_dim3A_420 = arith.constant 0.000000e+00 : f32
      %broadcast_in_dim3A_421 = vector.broadcast %broadcast_in_dim3A_420 : f32 to vector<16xf32>
      %broadcast_in_dim3A_422 = arith.constant 0.000000e+00 : f32
      %broadcast_in_dim3A_423 = vector.broadcast %broadcast_in_dim3A_422 : f32 to vector<16xf32>
      %broadcast_in_dim3A_424 = arith.constant 0.000000e+00 : f32
      %broadcast_in_dim3A_425 = vector.broadcast %broadcast_in_dim3A_424 : f32 to vector<16xf32>
      %broadcast_in_dim3A_426 = arith.constant 0.000000e+00 : f32
      %broadcast_in_dim3A_427 = vector.broadcast %broadcast_in_dim3A_426 : f32 to vector<16xf32>
      %broadcast_in_dim3A_428 = arith.constant 0.000000e+00 : f32
      %broadcast_in_dim3A_429 = vector.broadcast %broadcast_in_dim3A_428 : f32 to vector<16xf32>
      %broadcast_in_dim3A_430 = arith.constant 0.000000e+00 : f32
      %broadcast_in_dim3A_431 = vector.broadcast %broadcast_in_dim3A_430 : f32 to vector<16xf32>
      %broadcast_in_dim3A_432 = arith.constant 0.000000e+00 : f32
      %broadcast_in_dim3A_433 = vector.broadcast %broadcast_in_dim3A_432 : f32 to vector<16xf32>
      %broadcast_in_dim3A_434 = arith.constant 0.000000e+00 : f32
      %broadcast_in_dim3A_435 = vector.broadcast %broadcast_in_dim3A_434 : f32 to vector<16xf32>
      %broadcast_in_dim3A_436 = arith.constant 0.000000e+00 : f32
      %broadcast_in_dim3A_437 = vector.broadcast %broadcast_in_dim3A_436 : f32 to vector<16xf32>
      %broadcast_in_dim3A_438 = arith.constant 0.000000e+00 : f32
      %broadcast_in_dim3A_439 = vector.broadcast %broadcast_in_dim3A_438 : f32 to vector<16xf32>
      %broadcast_in_dim3A_440 = arith.constant 0.000000e+00 : f32
      %broadcast_in_dim3A_441 = vector.broadcast %broadcast_in_dim3A_440 : f32 to vector<16xf32>
      %broadcast_in_dim3A_442 = arith.constant 0.000000e+00 : f32
      %broadcast_in_dim3A_443 = vector.broadcast %broadcast_in_dim3A_442 : f32 to vector<16xf32>
      %broadcast_in_dim3A_444 = arith.constant 0.000000e+00 : f32
      %broadcast_in_dim3A_445 = vector.broadcast %broadcast_in_dim3A_444 : f32 to vector<16xf32>
      %broadcast_in_dim3A_446 = arith.constant 0.000000e+00 : f32
      %broadcast_in_dim3A_447 = vector.broadcast %broadcast_in_dim3A_446 : f32 to vector<16xf32>
      %broadcast_in_dim3A_448 = arith.constant 0.000000e+00 : f32
      %broadcast_in_dim3A_449 = vector.broadcast %broadcast_in_dim3A_448 : f32 to vector<16xf32>
      %scan3A_450 = arith.constant 50 : i32
      %scan3A_451 = arith.constant 50 : i32
      %scan3A_452 = arith.addi %scan3A_450, %scan3A_451 : i32
      %scan3A_453 = arith.constant 1 : i32
      %scan3A_454:32 = scf.for %scan3A_1470 = %scan3A_450 to %scan3A_452 step %scan3A_453 iter_args(%scan3A_1471 = %broadcast_in_dim3A_387, %scan3A_1472 = %broadcast_in_dim3A_389, %scan3A_1473 = %broadcast_in_dim3A_391, %scan3A_1474 = %broadcast_in_dim3A_393, %scan3A_1475 = %broadcast_in_dim3A_395, %scan3A_1476 = %broadcast_in_dim3A_397, %scan3A_1477 = %broadcast_in_dim3A_399, %scan3A_1478 = %broadcast_in_dim3A_401, %scan3A_1479 = %broadcast_in_dim3A_403, %scan3A_1480 = %broadcast_in_dim3A_405, %scan3A_1481 = %broadcast_in_dim3A_407, %scan3A_1482 = %broadcast_in_dim3A_409, %scan3A_1483 = %broadcast_in_dim3A_411, %scan3A_1484 = %broadcast_in_dim3A_413, %scan3A_1485 = %broadcast_in_dim3A_415, %scan3A_1486 = %broadcast_in_dim3A_417, %scan3A_1487 = %broadcast_in_dim3A_419, %scan3A_1488 = %broadcast_in_dim3A_421, %scan3A_1489 = %broadcast_in_dim3A_423, %scan3A_1490 = %broadcast_in_dim3A_425, %scan3A_1491 = %broadcast_in_dim3A_427, %scan3A_1492 = %broadcast_in_dim3A_429, %scan3A_1493 = %broadcast_in_dim3A_431, %scan3A_1494 = %broadcast_in_dim3A_433, %scan3A_1495 = %broadcast_in_dim3A_435, %scan3A_1496 = %broadcast_in_dim3A_437, %scan3A_1497 = %broadcast_in_dim3A_439, %scan3A_1498 = %broadcast_in_dim3A_441, %scan3A_1499 = %broadcast_in_dim3A_443, %scan3A_1500 = %broadcast_in_dim3A_445, %scan3A_1501 = %broadcast_in_dim3A_447, %scan3A_1502 = %broadcast_in_dim3A_449) -> (vector<16xf32>, vector<16xf32>, vector<16xf32>, vector<16xf32>, vector<16xf32>, vector<16xf32>, vector<16xf32>, vector<16xf32>, vector<16xf32>, vector<16xf32>, vector<16xf32>, vector<16xf32>, vector<16xf32>, vector<16xf32>, vector<16xf32>, vector<16xf32>, vector<16xf32>, vector<16xf32>, vector<16xf32>, vector<16xf32>, vector<16xf32>, vector<16xf32>, vector<16xf32>, vector<16xf32>, vector<16xf32>, vector<16xf32>, vector<16xf32>, vector<16xf32>, vector<16xf32>, vector<16xf32>, vector<16xf32>, vector<16xf32>)  : i32 {
        %get3A = arith.constant 0 : i32
        %get3A_1503 = arith.index_cast %get3A : i32 to index
        %get3A_1504 = arith.index_cast %scan3A_1470 : i32 to index
        %get3A_1505 = arith.constant 0 : index
        %get3A_1506 = tpu.vector_load %arg6[%get3A_1503, %get3A_1504, %get3A_1505] {strides = array<i32>} : memref<2x104x512xf32, #tpu.memory_space<vmem>>, vector<1x1x16xf32>,
        %get3A_1507 = vector.shape_cast %get3A_1506 : vector<1x1x16xf32> to vector<16xf32>
        %add3A_1508 = arith.addf %scan3A_1471, %get3A_1507 : vector<16xf32>
        %get3A_1509 = arith.constant 0 : i32
        %get3A_1510 = arith.index_cast %get3A_1509 : i32 to index
        %get3A_1511 = arith.index_cast %scan3A_1470 : i32 to index
        %get3A_1512 = arith.constant 16 : index
        %get3A_1513 = tpu.vector_load %arg6[%get3A_1510, %get3A_1511, %get3A_1512] {strides = array<i32>} : memref<2x104x512xf32, #tpu.memory_space<vmem>>, vector<1x1x16xf32>,
        %get3A_1514 = vector.shape_cast %get3A_1513 : vector<1x1x16xf32> to vector<16xf32>
        %add3A_1515 = arith.addf %scan3A_1472, %get3A_1514 : vector<16xf32>
        %get3A_1516 = arith.constant 0 : i32
        %get3A_1517 = arith.index_cast %get3A_1516 : i32 to index
        %get3A_1518 = arith.index_cast %scan3A_1470 : i32 to index
        %get3A_1519 = arith.constant 32 : index
        %get3A_1520 = tpu.vector_load %arg6[%get3A_1517, %get3A_1518, %get3A_1519] {strides = array<i32>} : memref<2x104x512xf32, #tpu.memory_space<vmem>>, vector<1x1x16xf32>,
        %get3A_1521 = vector.shape_cast %get3A_1520 : vector<1x1x16xf32> to vector<16xf32>
        %add3A_1522 = arith.addf %scan3A_1473, %get3A_1521 : vector<16xf32>
        %get3A_1523 = arith.constant 0 : i32
        %get3A_1524 = arith.index_cast %get3A_1523 : i32 to index
        %get3A_1525 = arith.index_cast %scan3A_1470 : i32 to index
        %get3A_1526 = arith.constant 48 : index
        %get3A_1527 = tpu.vector_load %arg6[%get3A_1524, %get3A_1525, %get3A_1526] {strides = array<i32>} : memref<2x104x512xf32, #tpu.memory_space<vmem>>, vector<1x1x16xf32>,
        %get3A_1528 = vector.shape_cast %get3A_1527 : vector<1x1x16xf32> to vector<16xf32>
        %add3A_1529 = arith.addf %scan3A_1474, %get3A_1528 : vector<16xf32>
        %get3A_1530 = arith.constant 0 : i32
        %get3A_1531 = arith.index_cast %get3A_1530 : i32 to index
        %get3A_1532 = arith.index_cast %scan3A_1470 : i32 to index
        %get3A_1533 = arith.constant 64 : index
        %get3A_1534 = tpu.vector_load %arg6[%get3A_1531, %get3A_1532, %get3A_1533] {strides = array<i32>} : memref<2x104x512xf32, #tpu.memory_space<vmem>>, vector<1x1x16xf32>,
        %get3A_1535 = vector.shape_cast %get3A_1534 : vector<1x1x16xf32> to vector<16xf32>
        %add3A_1536 = arith.addf %scan3A_1475, %get3A_1535 : vector<16xf32>
        %get3A_1537 = arith.constant 0 : i32
        %get3A_1538 = arith.index_cast %get3A_1537 : i32 to index
        %get3A_1539 = arith.index_cast %scan3A_1470 : i32 to index
        %get3A_1540 = arith.constant 80 : index
        %get3A_1541 = tpu.vector_load %arg6[%get3A_1538, %get3A_1539, %get3A_1540] {strides = array<i32>} : memref<2x104x512xf32, #tpu.memory_space<vmem>>, vector<1x1x16xf32>,
        %get3A_1542 = vector.shape_cast %get3A_1541 : vector<1x1x16xf32> to vector<16xf32>
        %add3A_1543 = arith.addf %scan3A_1476, %get3A_1542 : vector<16xf32>
        %get3A_1544 = arith.constant 0 : i32
        %get3A_1545 = arith.index_cast %get3A_1544 : i32 to index
        %get3A_1546 = arith.index_cast %scan3A_1470 : i32 to index
        %get3A_1547 = arith.constant 96 : index
        %get3A_1548 = tpu.vector_load %arg6[%get3A_1545, %get3A_1546, %get3A_1547] {strides = array<i32>} : memref<2x104x512xf32, #tpu.memory_space<vmem>>, vector<1x1x16xf32>,
        %get3A_1549 = vector.shape_cast %get3A_1548 : vector<1x1x16xf32> to vector<16xf32>
        %add3A_1550 = arith.addf %scan3A_1477, %get3A_1549 : vector<16xf32>
        %get3A_1551 = arith.constant 0 : i32
        %get3A_1552 = arith.index_cast %get3A_1551 : i32 to index
        %get3A_1553 = arith.index_cast %scan3A_1470 : i32 to index
        %get3A_1554 = arith.constant 112 : index
        %get3A_1555 = tpu.vector_load %arg6[%get3A_1552, %get3A_1553, %get3A_1554] {strides = array<i32>} : memref<2x104x512xf32, #tpu.memory_space<vmem>>, vector<1x1x16xf32>,
        %get3A_1556 = vector.shape_cast %get3A_1555 : vector<1x1x16xf32> to vector<16xf32>
        %add3A_1557 = arith.addf %scan3A_1478, %get3A_1556 : vector<16xf32>
        %get3A_1558 = arith.constant 0 : i32
        %get3A_1559 = arith.index_cast %get3A_1558 : i32 to index
        %get3A_1560 = arith.index_cast %scan3A_1470 : i32 to index
        %get3A_1561 = arith.constant 128 : index
        %get3A_1562 = tpu.vector_load %arg6[%get3A_1559, %get3A_1560, %get3A_1561] {strides = array<i32>} : memref<2x104x512xf32, #tpu.memory_space<vmem>>, vector<1x1x16xf32>,
        %get3A_1563 = vector.shape_cast %get3A_1562 : vector<1x1x16xf32> to vector<16xf32>
        %add3A_1564 = arith.addf %scan3A_1479, %get3A_1563 : vector<16xf32>
        %get3A_1565 = arith.constant 0 : i32
        %get3A_1566 = arith.index_cast %get3A_1565 : i32 to index
        %get3A_1567 = arith.index_cast %scan3A_1470 : i32 to index
        %get3A_1568 = arith.constant 144 : index
        %get3A_1569 = tpu.vector_load %arg6[%get3A_1566, %get3A_1567, %get3A_1568] {strides = array<i32>} : memref<2x104x512xf32, #tpu.memory_space<vmem>>, vector<1x1x16xf32>,
        %get3A_1570 = vector.shape_cast %get3A_1569 : vector<1x1x16xf32> to vector<16xf32>
        %add3A_1571 = arith.addf %scan3A_1480, %get3A_1570 : vector<16xf32>
        %get3A_1572 = arith.constant 0 : i32
        %get3A_1573 = arith.index_cast %get3A_1572 : i32 to index
        %get3A_1574 = arith.index_cast %scan3A_1470 : i32 to index
        %get3A_1575 = arith.constant 160 : index
        %get3A_1576 = tpu.vector_load %arg6[%get3A_1573, %get3A_1574, %get3A_1575] {strides = array<i32>} : memref<2x104x512xf32, #tpu.memory_space<vmem>>, vector<1x1x16xf32>,
        %get3A_1577 = vector.shape_cast %get3A_1576 : vector<1x1x16xf32> to vector<16xf32>
        %add3A_1578 = arith.addf %scan3A_1481, %get3A_1577 : vector<16xf32>
        %get3A_1579 = arith.constant 0 : i32
        %get3A_1580 = arith.index_cast %get3A_1579 : i32 to index
        %get3A_1581 = arith.index_cast %scan3A_1470 : i32 to index
        %get3A_1582 = arith.constant 176 : index
        %get3A_1583 = tpu.vector_load %arg6[%get3A_1580, %get3A_1581, %get3A_1582] {strides = array<i32>} : memref<2x104x512xf32, #tpu.memory_space<vmem>>, vector<1x1x16xf32>,
        %get3A_1584 = vector.shape_cast %get3A_1583 : vector<1x1x16xf32> to vector<16xf32>
        %add3A_1585 = arith.addf %scan3A_1482, %get3A_1584 : vector<16xf32>
        %get3A_1586 = arith.constant 0 : i32
        %get3A_1587 = arith.index_cast %get3A_1586 : i32 to index
        %get3A_1588 = arith.index_cast %scan3A_1470 : i32 to index
        %get3A_1589 = arith.constant 192 : index
        %get3A_1590 = tpu.vector_load %arg6[%get3A_1587, %get3A_1588, %get3A_1589] {strides = array<i32>} : memref<2x104x512xf32, #tpu.memory_space<vmem>>, vector<1x1x16xf32>,
        %get3A_1591 = vector.shape_cast %get3A_1590 : vector<1x1x16xf32> to vector<16xf32>
        %add3A_1592 = arith.addf %scan3A_1483, %get3A_1591 : vector<16xf32>
        %get3A_1593 = arith.constant 0 : i32
        %get3A_1594 = arith.index_cast %get3A_1593 : i32 to index
        %get3A_1595 = arith.index_cast %scan3A_1470 : i32 to index
        %get3A_1596 = arith.constant 208 : index
        %get3A_1597 = tpu.vector_load %arg6[%get3A_1594, %get3A_1595, %get3A_1596] {strides = array<i32>} : memref<2x104x512xf32, #tpu.memory_space<vmem>>, vector<1x1x16xf32>,
        %get3A_1598 = vector.shape_cast %get3A_1597 : vector<1x1x16xf32> to vector<16xf32>
        %add3A_1599 = arith.addf %scan3A_1484, %get3A_1598 : vector<16xf32>
        %get3A_1600 = arith.constant 0 : i32
        %get3A_1601 = arith.index_cast %get3A_1600 : i32 to index
        %get3A_1602 = arith.index_cast %scan3A_1470 : i32 to index
        %get3A_1603 = arith.constant 224 : index
        %get3A_1604 = tpu.vector_load %arg6[%get3A_1601, %get3A_1602, %get3A_1603] {strides = array<i32>} : memref<2x104x512xf32, #tpu.memory_space<vmem>>, vector<1x1x16xf32>,
        %get3A_1605 = vector.shape_cast %get3A_1604 : vector<1x1x16xf32> to vector<16xf32>
        %add3A_1606 = arith.addf %scan3A_1485, %get3A_1605 : vector<16xf32>
        %get3A_1607 = arith.constant 0 : i32
        %get3A_1608 = arith.index_cast %get3A_1607 : i32 to index
        %get3A_1609 = arith.index_cast %scan3A_1470 : i32 to index
        %get3A_1610 = arith.constant 240 : index
        %get3A_1611 = tpu.vector_load %arg6[%get3A_1608, %get3A_1609, %get3A_1610] {strides = array<i32>} : memref<2x104x512xf32, #tpu.memory_space<vmem>>, vector<1x1x16xf32>,
        %get3A_1612 = vector.shape_cast %get3A_1611 : vector<1x1x16xf32> to vector<16xf32>
        %add3A_1613 = arith.addf %scan3A_1486, %get3A_1612 : vector<16xf32>
        %get3A_1614 = arith.constant 0 : i32
        %get3A_1615 = arith.index_cast %get3A_1614 : i32 to index
        %get3A_1616 = arith.index_cast %scan3A_1470 : i32 to index
        %get3A_1617 = arith.constant 256 : index
        %get3A_1618 = tpu.vector_load %arg6[%get3A_1615, %get3A_1616, %get3A_1617] {strides = array<i32>} : memref<2x104x512xf32, #tpu.memory_space<vmem>>, vector<1x1x16xf32>,
        %get3A_1619 = vector.shape_cast %get3A_1618 : vector<1x1x16xf32> to vector<16xf32>
        %add3A_1620 = arith.addf %scan3A_1487, %get3A_1619 : vector<16xf32>
        %get3A_1621 = arith.constant 0 : i32
        %get3A_1622 = arith.index_cast %get3A_1621 : i32 to index
        %get3A_1623 = arith.index_cast %scan3A_1470 : i32 to index
        %get3A_1624 = arith.constant 272 : index
        %get3A_1625 = tpu.vector_load %arg6[%get3A_1622, %get3A_1623, %get3A_1624] {strides = array<i32>} : memref<2x104x512xf32, #tpu.memory_space<vmem>>, vector<1x1x16xf32>,
        %get3A_1626 = vector.shape_cast %get3A_1625 : vector<1x1x16xf32> to vector<16xf32>
        %add3A_1627 = arith.addf %scan3A_1488, %get3A_1626 : vector<16xf32>
        %get3A_1628 = arith.constant 0 : i32
        %get3A_1629 = arith.index_cast %get3A_1628 : i32 to index
        %get3A_1630 = arith.index_cast %scan3A_1470 : i32 to index
        %get3A_1631 = arith.constant 288 : index
        %get3A_1632 = tpu.vector_load %arg6[%get3A_1629, %get3A_1630, %get3A_1631] {strides = array<i32>} : memref<2x104x512xf32, #tpu.memory_space<vmem>>, vector<1x1x16xf32>,
        %get3A_1633 = vector.shape_cast %get3A_1632 : vector<1x1x16xf32> to vector<16xf32>
        %add3A_1634 = arith.addf %scan3A_1489, %get3A_1633 : vector<16xf32>
        %get3A_1635 = arith.constant 0 : i32
        %get3A_1636 = arith.index_cast %get3A_1635 : i32 to index
        %get3A_1637 = arith.index_cast %scan3A_1470 : i32 to index
        %get3A_1638 = arith.constant 304 : index
        %get3A_1639 = tpu.vector_load %arg6[%get3A_1636, %get3A_1637, %get3A_1638] {strides = array<i32>} : memref<2x104x512xf32, #tpu.memory_space<vmem>>, vector<1x1x16xf32>,
        %get3A_1640 = vector.shape_cast %get3A_1639 : vector<1x1x16xf32> to vector<16xf32>
        %add3A_1641 = arith.addf %scan3A_1490, %get3A_1640 : vector<16xf32>
        %get3A_1642 = arith.constant 0 : i32
        %get3A_1643 = arith.index_cast %get3A_1642 : i32 to index
        %get3A_1644 = arith.index_cast %scan3A_1470 : i32 to index
        %get3A_1645 = arith.constant 320 : index
        %get3A_1646 = tpu.vector_load %arg6[%get3A_1643, %get3A_1644, %get3A_1645] {strides = array<i32>} : memref<2x104x512xf32, #tpu.memory_space<vmem>>, vector<1x1x16xf32>,
        %get3A_1647 = vector.shape_cast %get3A_1646 : vector<1x1x16xf32> to vector<16xf32>
        %add3A_1648 = arith.addf %scan3A_1491, %get3A_1647 : vector<16xf32>
        %get3A_1649 = arith.constant 0 : i32
        %get3A_1650 = arith.index_cast %get3A_1649 : i32 to index
        %get3A_1651 = arith.index_cast %scan3A_1470 : i32 to index
        %get3A_1652 = arith.constant 336 : index
        %get3A_1653 = tpu.vector_load %arg6[%get3A_1650, %get3A_1651, %get3A_1652] {strides = array<i32>} : memref<2x104x512xf32, #tpu.memory_space<vmem>>, vector<1x1x16xf32>,
        %get3A_1654 = vector.shape_cast %get3A_1653 : vector<1x1x16xf32> to vector<16xf32>
        %add3A_1655 = arith.addf %scan3A_1492, %get3A_1654 : vector<16xf32>
        %get3A_1656 = arith.constant 0 : i32
        %get3A_1657 = arith.index_cast %get3A_1656 : i32 to index
        %get3A_1658 = arith.index_cast %scan3A_1470 : i32 to index
        %get3A_1659 = arith.constant 352 : index
        %get3A_1660 = tpu.vector_load %arg6[%get3A_1657, %get3A_1658, %get3A_1659] {strides = array<i32>} : memref<2x104x512xf32, #tpu.memory_space<vmem>>, vector<1x1x16xf32>,
        %get3A_1661 = vector.shape_cast %get3A_1660 : vector<1x1x16xf32> to vector<16xf32>
        %add3A_1662 = arith.addf %scan3A_1493, %get3A_1661 : vector<16xf32>
        %get3A_1663 = arith.constant 0 : i32
        %get3A_1664 = arith.index_cast %get3A_1663 : i32 to index
        %get3A_1665 = arith.index_cast %scan3A_1470 : i32 to index
        %get3A_1666 = arith.constant 368 : index
        %get3A_1667 = tpu.vector_load %arg6[%get3A_1664, %get3A_1665, %get3A_1666] {strides = array<i32>} : memref<2x104x512xf32, #tpu.memory_space<vmem>>, vector<1x1x16xf32>,
        %get3A_1668 = vector.shape_cast %get3A_1667 : vector<1x1x16xf32> to vector<16xf32>
        %add3A_1669 = arith.addf %scan3A_1494, %get3A_1668 : vector<16xf32>
        %get3A_1670 = arith.constant 0 : i32
        %get3A_1671 = arith.index_cast %get3A_1670 : i32 to index
        %get3A_1672 = arith.index_cast %scan3A_1470 : i32 to index
        %get3A_1673 = arith.constant 384 : index
        %get3A_1674 = tpu.vector_load %arg6[%get3A_1671, %get3A_1672, %get3A_1673] {strides = array<i32>} : memref<2x104x512xf32, #tpu.memory_space<vmem>>, vector<1x1x16xf32>,
        %get3A_1675 = vector.shape_cast %get3A_1674 : vector<1x1x16xf32> to vector<16xf32>
        %add3A_1676 = arith.addf %scan3A_1495, %get3A_1675 : vector<16xf32>
        %get3A_1677 = arith.constant 0 : i32
        %get3A_1678 = arith.index_cast %get3A_1677 : i32 to index
        %get3A_1679 = arith.index_cast %scan3A_1470 : i32 to index
        %get3A_1680 = arith.constant 400 : index
        %get3A_1681 = tpu.vector_load %arg6[%get3A_1678, %get3A_1679, %get3A_1680] {strides = array<i32>} : memref<2x104x512xf32, #tpu.memory_space<vmem>>, vector<1x1x16xf32>,
        %get3A_1682 = vector.shape_cast %get3A_1681 : vector<1x1x16xf32> to vector<16xf32>
        %add3A_1683 = arith.addf %scan3A_1496, %get3A_1682 : vector<16xf32>
        %get3A_1684 = arith.constant 0 : i32
        %get3A_1685 = arith.index_cast %get3A_1684 : i32 to index
        %get3A_1686 = arith.index_cast %scan3A_1470 : i32 to index
        %get3A_1687 = arith.constant 416 : index
        %get3A_1688 = tpu.vector_load %arg6[%get3A_1685, %get3A_1686, %get3A_1687] {strides = array<i32>} : memref<2x104x512xf32, #tpu.memory_space<vmem>>, vector<1x1x16xf32>,
        %get3A_1689 = vector.shape_cast %get3A_1688 : vector<1x1x16xf32> to vector<16xf32>
        %add3A_1690 = arith.addf %scan3A_1497, %get3A_1689 : vector<16xf32>
        %get3A_1691 = arith.constant 0 : i32
        %get3A_1692 = arith.index_cast %get3A_1691 : i32 to index
        %get3A_1693 = arith.index_cast %scan3A_1470 : i32 to index
        %get3A_1694 = arith.constant 432 : index
        %get3A_1695 = tpu.vector_load %arg6[%get3A_1692, %get3A_1693, %get3A_1694] {strides = array<i32>} : memref<2x104x512xf32, #tpu.memory_space<vmem>>, vector<1x1x16xf32>,
        %get3A_1696 = vector.shape_cast %get3A_1695 : vector<1x1x16xf32> to vector<16xf32>
        %add3A_1697 = arith.addf %scan3A_1498, %get3A_1696 : vector<16xf32>
        %get3A_1698 = arith.constant 0 : i32
        %get3A_1699 = arith.index_cast %get3A_1698 : i32 to index
        %get3A_1700 = arith.index_cast %scan3A_1470 : i32 to index
        %get3A_1701 = arith.constant 448 : index
        %get3A_1702 = tpu.vector_load %arg6[%get3A_1699, %get3A_1700, %get3A_1701] {strides = array<i32>} : memref<2x104x512xf32, #tpu.memory_space<vmem>>, vector<1x1x16xf32>,
        %get3A_1703 = vector.shape_cast %get3A_1702 : vector<1x1x16xf32> to vector<16xf32>
        %add3A_1704 = arith.addf %scan3A_1499, %get3A_1703 : vector<16xf32>
        %get3A_1705 = arith.constant 0 : i32
        %get3A_1706 = arith.index_cast %get3A_1705 : i32 to index
        %get3A_1707 = arith.index_cast %scan3A_1470 : i32 to index
        %get3A_1708 = arith.constant 464 : index
        %get3A_1709 = tpu.vector_load %arg6[%get3A_1706, %get3A_1707, %get3A_1708] {strides = array<i32>} : memref<2x104x512xf32, #tpu.memory_space<vmem>>, vector<1x1x16xf32>,
        %get3A_1710 = vector.shape_cast %get3A_1709 : vector<1x1x16xf32> to vector<16xf32>
        %add3A_1711 = arith.addf %scan3A_1500, %get3A_1710 : vector<16xf32>
        %get3A_1712 = arith.constant 0 : i32
        %get3A_1713 = arith.index_cast %get3A_1712 : i32 to index
        %get3A_1714 = arith.index_cast %scan3A_1470 : i32 to index
        %get3A_1715 = arith.constant 480 : index
        %get3A_1716 = tpu.vector_load %arg6[%get3A_1713, %get3A_1714, %get3A_1715] {strides = array<i32>} : memref<2x104x512xf32, #tpu.memory_space<vmem>>, vector<1x1x16xf32>,
        %get3A_1717 = vector.shape_cast %get3A_1716 : vector<1x1x16xf32> to vector<16xf32>
        %add3A_1718 = arith.addf %scan3A_1501, %get3A_1717 : vector<16xf32>
        %get3A_1719 = arith.constant 0 : i32
        %get3A_1720 = arith.index_cast %get3A_1719 : i32 to index
        %get3A_1721 = arith.index_cast %scan3A_1470 : i32 to index
        %get3A_1722 = arith.constant 496 : index
        %get3A_1723 = tpu.vector_load %arg6[%get3A_1720, %get3A_1721, %get3A_1722] {strides = array<i32>} : memref<2x104x512xf32, #tpu.memory_space<vmem>>, vector<1x1x16xf32>,
        %get3A_1724 = vector.shape_cast %get3A_1723 : vector<1x1x16xf32> to vector<16xf32>
        %add3A_1725 = arith.addf %scan3A_1502, %get3A_1724 : vector<16xf32>
        scf.yield %add3A_1508, %add3A_1515, %add3A_1522, %add3A_1529, %add3A_1536, %add3A_1543, %add3A_1550, %add3A_1557, %add3A_1564, %add3A_1571, %add3A_1578, %add3A_1585, %add3A_1592, %add3A_1599, %add3A_1606, %add3A_1613, %add3A_1620, %add3A_1627, %add3A_1634, %add3A_1641, %add3A_1648, %add3A_1655, %add3A_1662, %add3A_1669, %add3A_1676, %add3A_1683, %add3A_1690, %add3A_1697, %add3A_1704, %add3A_1711, %add3A_1718, %add3A_1725 : vector<16xf32>, vector<16xf32>, vector<16xf32>, vector<16xf32>, vector<16xf32>, vector<16xf32>, vector<16xf32>, vector<16xf32>, vector<16xf32>, vector<16xf32>, vector<16xf32>, vector<16xf32>, vector<16xf32>, vector<16xf32>, vector<16xf32>, vector<16xf32>, vector<16xf32>, vector<16xf32>, vector<16xf32>, vector<16xf32>, vector<16xf32>, vector<16xf32>, vector<16xf32>, vector<16xf32>, vector<16xf32>, vector<16xf32>, vector<16xf32>, vector<16xf32>, vector<16xf32>, vector<16xf32>, vector<16xf32>, vector<16xf32>
      }
      %scan3A_455 = arith.constant 50 : i32
      %jit3A_456 = arith.constant 8 : i32
      %eq3A_457 = arith.constant 0 : i32
      %eq3A_458 = arith.cmpi eq, %jit3A_456, %eq3A_457 : i32
      %jit3A_459 = arith.constant 1 : i32
      %select_n3A_460 = arith.select %eq3A_458, %jit3A_459, %jit3A_456 : i32
      %rem3A_461 = arith.remsi %add3A_37, %select_n3A_460 : i32
      %ne3A_462 = arith.constant 0 : i32
      %ne3A_463 = arith.cmpi ne, %rem3A_461, %ne3A_462 : i32
      %lt3A_464 = arith.constant 0 : i32
      %lt3A_465 = arith.cmpi slt, %rem3A_461, %lt3A_464 : i32
      %lt3A_466 = arith.constant 0 : i32
      %lt3A_467 = arith.cmpi slt, %select_n3A_460, %lt3A_466 : i32
      %ne3A_468 = arith.xori %lt3A_465, %lt3A_467 : i1
      %and3A_469 = arith.andi %ne3A_468, %ne3A_463 : i1
      %add3A_470 = arith.addi %rem3A_461, %select_n3A_460 : i32
      %select_n3A_471 = arith.select %and3A_469, %add3A_470, %rem3A_461 : i32
      %mul3A_472 = arith.constant 2 : i32
      %mul3A_473 = arith.muli %select_n3A_471, %mul3A_472 : i32
      %add3A_474 = arith.constant 1 : i32
      %add3A_475 = arith.addi %mul3A_473, %add3A_474 : i32
      %mul3A_476 = arith.constant 2.000000e-02 : f32
      %mul3A_477 = vector.broadcast %mul3A_476 : f32 to vector<16xf32>
      %mul3A_478 = arith.mulf %scan3A_454#0, %mul3A_477 : vector<16xf32>
      %swap3A_479 = arith.index_cast %add3A_475 : i32 to index
      %swap3A_480 = arith.constant 0 : index
      %swap3A_481 = tpu.vector_load %arg7[%swap3A_479, %swap3A_480] {strides = array<i32>} : memref<16x512xf32, #tpu.memory_space<vmem>>, vector<1x16xf32>,
      %swap3A_482 = vector.shape_cast %swap3A_481 : vector<1x16xf32> to vector<16xf32>
      %swap3A_483 = vector.shape_cast %mul3A_478 : vector<16xf32> to vector<1x16xf32>
      tpu.vector_store %arg7[%swap3A_479, %swap3A_480], %swap3A_483 {strides = array<i32>} : memref<16x512xf32, #tpu.memory_space<vmem>>, vector<1x16xf32>,
      %mul3A_484 = arith.constant 2.000000e-02 : f32
      %mul3A_485 = vector.broadcast %mul3A_484 : f32 to vector<16xf32>
      %mul3A_486 = arith.mulf %scan3A_454#1, %mul3A_485 : vector<16xf32>
      %swap3A_487 = arith.index_cast %add3A_475 : i32 to index
      %swap3A_488 = arith.constant 16 : index
      %swap3A_489 = tpu.vector_load %arg7[%swap3A_487, %swap3A_488] {strides = array<i32>} : memref<16x512xf32, #tpu.memory_space<vmem>>, vector<1x16xf32>,
      %swap3A_490 = vector.shape_cast %swap3A_489 : vector<1x16xf32> to vector<16xf32>
      %swap3A_491 = vector.shape_cast %mul3A_486 : vector<16xf32> to vector<1x16xf32>
      tpu.vector_store %arg7[%swap3A_487, %swap3A_488], %swap3A_491 {strides = array<i32>} : memref<16x512xf32, #tpu.memory_space<vmem>>, vector<1x16xf32>,
      %mul3A_492 = arith.constant 2.000000e-02 : f32
      %mul3A_493 = vector.broadcast %mul3A_492 : f32 to vector<16xf32>
      %mul3A_494 = arith.mulf %scan3A_454#2, %mul3A_493 : vector<16xf32>
      %swap3A_495 = arith.index_cast %add3A_475 : i32 to index
      %swap3A_496 = arith.constant 32 : index
      %swap3A_497 = tpu.vector_load %arg7[%swap3A_495, %swap3A_496] {strides = array<i32>} : memref<16x512xf32, #tpu.memory_space<vmem>>, vector<1x16xf32>,
      %swap3A_498 = vector.shape_cast %swap3A_497 : vector<1x16xf32> to vector<16xf32>
      %swap3A_499 = vector.shape_cast %mul3A_494 : vector<16xf32> to vector<1x16xf32>
      tpu.vector_store %arg7[%swap3A_495, %swap3A_496], %swap3A_499 {strides = array<i32>} : memref<16x512xf32, #tpu.memory_space<vmem>>, vector<1x16xf32>,
      %mul3A_500 = arith.constant 2.000000e-02 : f32
      %mul3A_501 = vector.broadcast %mul3A_500 : f32 to vector<16xf32>
      %mul3A_502 = arith.mulf %scan3A_454#3, %mul3A_501 : vector<16xf32>
      %swap3A_503 = arith.index_cast %add3A_475 : i32 to index
      %swap3A_504 = arith.constant 48 : index
      %swap3A_505 = tpu.vector_load %arg7[%swap3A_503, %swap3A_504] {strides = array<i32>} : memref<16x512xf32, #tpu.memory_space<vmem>>, vector<1x16xf32>,
      %swap3A_506 = vector.shape_cast %swap3A_505 : vector<1x16xf32> to vector<16xf32>
      %swap3A_507 = vector.shape_cast %mul3A_502 : vector<16xf32> to vector<1x16xf32>
      tpu.vector_store %arg7[%swap3A_503, %swap3A_504], %swap3A_507 {strides = array<i32>} : memref<16x512xf32, #tpu.memory_space<vmem>>, vector<1x16xf32>,
      %mul3A_508 = arith.constant 2.000000e-02 : f32
      %mul3A_509 = vector.broadcast %mul3A_508 : f32 to vector<16xf32>
      %mul3A_510 = arith.mulf %scan3A_454#4, %mul3A_509 : vector<16xf32>
      %swap3A_511 = arith.index_cast %add3A_475 : i32 to index
      %swap3A_512 = arith.constant 64 : index
      %swap3A_513 = tpu.vector_load %arg7[%swap3A_511, %swap3A_512] {strides = array<i32>} : memref<16x512xf32, #tpu.memory_space<vmem>>, vector<1x16xf32>,
      %swap3A_514 = vector.shape_cast %swap3A_513 : vector<1x16xf32> to vector<16xf32>
      %swap3A_515 = vector.shape_cast %mul3A_510 : vector<16xf32> to vector<1x16xf32>
      tpu.vector_store %arg7[%swap3A_511, %swap3A_512], %swap3A_515 {strides = array<i32>} : memref<16x512xf32, #tpu.memory_space<vmem>>, vector<1x16xf32>,
      %mul3A_516 = arith.constant 2.000000e-02 : f32
      %mul3A_517 = vector.broadcast %mul3A_516 : f32 to vector<16xf32>
      %mul3A_518 = arith.mulf %scan3A_454#5, %mul3A_517 : vector<16xf32>
      %swap3A_519 = arith.index_cast %add3A_475 : i32 to index
      %swap3A_520 = arith.constant 80 : index
      %swap3A_521 = tpu.vector_load %arg7[%swap3A_519, %swap3A_520] {strides = array<i32>} : memref<16x512xf32, #tpu.memory_space<vmem>>, vector<1x16xf32>,
      %swap3A_522 = vector.shape_cast %swap3A_521 : vector<1x16xf32> to vector<16xf32>
      %swap3A_523 = vector.shape_cast %mul3A_518 : vector<16xf32> to vector<1x16xf32>
      tpu.vector_store %arg7[%swap3A_519, %swap3A_520], %swap3A_523 {strides = array<i32>} : memref<16x512xf32, #tpu.memory_space<vmem>>, vector<1x16xf32>,
      %mul3A_524 = arith.constant 2.000000e-02 : f32
      %mul3A_525 = vector.broadcast %mul3A_524 : f32 to vector<16xf32>
      %mul3A_526 = arith.mulf %scan3A_454#6, %mul3A_525 : vector<16xf32>
      %swap3A_527 = arith.index_cast %add3A_475 : i32 to index
      %swap3A_528 = arith.constant 96 : index
      %swap3A_529 = tpu.vector_load %arg7[%swap3A_527, %swap3A_528] {strides = array<i32>} : memref<16x512xf32, #tpu.memory_space<vmem>>, vector<1x16xf32>,
      %swap3A_530 = vector.shape_cast %swap3A_529 : vector<1x16xf32> to vector<16xf32>
      %swap3A_531 = vector.shape_cast %mul3A_526 : vector<16xf32> to vector<1x16xf32>
      tpu.vector_store %arg7[%swap3A_527, %swap3A_528], %swap3A_531 {strides = array<i32>} : memref<16x512xf32, #tpu.memory_space<vmem>>, vector<1x16xf32>,
      %mul3A_532 = arith.constant 2.000000e-02 : f32
      %mul3A_533 = vector.broadcast %mul3A_532 : f32 to vector<16xf32>
      %mul3A_534 = arith.mulf %scan3A_454#7, %mul3A_533 : vector<16xf32>
      %swap3A_535 = arith.index_cast %add3A_475 : i32 to index
      %swap3A_536 = arith.constant 112 : index
      %swap3A_537 = tpu.vector_load %arg7[%swap3A_535, %swap3A_536] {strides = array<i32>} : memref<16x512xf32, #tpu.memory_space<vmem>>, vector<1x16xf32>,
      %swap3A_538 = vector.shape_cast %swap3A_537 : vector<1x16xf32> to vector<16xf32>
      %swap3A_539 = vector.shape_cast %mul3A_534 : vector<16xf32> to vector<1x16xf32>
      tpu.vector_store %arg7[%swap3A_535, %swap3A_536], %swap3A_539 {strides = array<i32>} : memref<16x512xf32, #tpu.memory_space<vmem>>, vector<1x16xf32>,
      %mul3A_540 = arith.constant 2.000000e-02 : f32
      %mul3A_541 = vector.broadcast %mul3A_540 : f32 to vector<16xf32>
      %mul3A_542 = arith.mulf %scan3A_454#8, %mul3A_541 : vector<16xf32>
      %swap3A_543 = arith.index_cast %add3A_475 : i32 to index
      %swap3A_544 = arith.constant 128 : index
      %swap3A_545 = tpu.vector_load %arg7[%swap3A_543, %swap3A_544] {strides = array<i32>} : memref<16x512xf32, #tpu.memory_space<vmem>>, vector<1x16xf32>,
      %swap3A_546 = vector.shape_cast %swap3A_545 : vector<1x16xf32> to vector<16xf32>
      %swap3A_547 = vector.shape_cast %mul3A_542 : vector<16xf32> to vector<1x16xf32>
      tpu.vector_store %arg7[%swap3A_543, %swap3A_544], %swap3A_547 {strides = array<i32>} : memref<16x512xf32, #tpu.memory_space<vmem>>, vector<1x16xf32>,
      %mul3A_548 = arith.constant 2.000000e-02 : f32
      %mul3A_549 = vector.broadcast %mul3A_548 : f32 to vector<16xf32>
      %mul3A_550 = arith.mulf %scan3A_454#9, %mul3A_549 : vector<16xf32>
      %swap3A_551 = arith.index_cast %add3A_475 : i32 to index
      %swap3A_552 = arith.constant 144 : index
      %swap3A_553 = tpu.vector_load %arg7[%swap3A_551, %swap3A_552] {strides = array<i32>} : memref<16x512xf32, #tpu.memory_space<vmem>>, vector<1x16xf32>,
      %swap3A_554 = vector.shape_cast %swap3A_553 : vector<1x16xf32> to vector<16xf32>
      %swap3A_555 = vector.shape_cast %mul3A_550 : vector<16xf32> to vector<1x16xf32>
      tpu.vector_store %arg7[%swap3A_551, %swap3A_552], %swap3A_555 {strides = array<i32>} : memref<16x512xf32, #tpu.memory_space<vmem>>, vector<1x16xf32>,
      %mul3A_556 = arith.constant 2.000000e-02 : f32
      %mul3A_557 = vector.broadcast %mul3A_556 : f32 to vector<16xf32>
      %mul3A_558 = arith.mulf %scan3A_454#10, %mul3A_557 : vector<16xf32>
      %swap3A_559 = arith.index_cast %add3A_475 : i32 to index
      %swap3A_560 = arith.constant 160 : index
      %swap3A_561 = tpu.vector_load %arg7[%swap3A_559, %swap3A_560] {strides = array<i32>} : memref<16x512xf32, #tpu.memory_space<vmem>>, vector<1x16xf32>,
      %swap3A_562 = vector.shape_cast %swap3A_561 : vector<1x16xf32> to vector<16xf32>
      %swap3A_563 = vector.shape_cast %mul3A_558 : vector<16xf32> to vector<1x16xf32>
      tpu.vector_store %arg7[%swap3A_559, %swap3A_560], %swap3A_563 {strides = array<i32>} : memref<16x512xf32, #tpu.memory_space<vmem>>, vector<1x16xf32>,
      %mul3A_564 = arith.constant 2.000000e-02 : f32
      %mul3A_565 = vector.broadcast %mul3A_564 : f32 to vector<16xf32>
      %mul3A_566 = arith.mulf %scan3A_454#11, %mul3A_565 : vector<16xf32>
      %swap3A_567 = arith.index_cast %add3A_475 : i32 to index
      %swap3A_568 = arith.constant 176 : index
      %swap3A_569 = tpu.vector_load %arg7[%swap3A_567, %swap3A_568] {strides = array<i32>} : memref<16x512xf32, #tpu.memory_space<vmem>>, vector<1x16xf32>,
      %swap3A_570 = vector.shape_cast %swap3A_569 : vector<1x16xf32> to vector<16xf32>
      %swap3A_571 = vector.shape_cast %mul3A_566 : vector<16xf32> to vector<1x16xf32>
      tpu.vector_store %arg7[%swap3A_567, %swap3A_568], %swap3A_571 {strides = array<i32>} : memref<16x512xf32, #tpu.memory_space<vmem>>, vector<1x16xf32>,
      %mul3A_572 = arith.constant 2.000000e-02 : f32
      %mul3A_573 = vector.broadcast %mul3A_572 : f32 to vector<16xf32>
      %mul3A_574 = arith.mulf %scan3A_454#12, %mul3A_573 : vector<16xf32>
      %swap3A_575 = arith.index_cast %add3A_475 : i32 to index
      %swap3A_576 = arith.constant 192 : index
      %swap3A_577 = tpu.vector_load %arg7[%swap3A_575, %swap3A_576] {strides = array<i32>} : memref<16x512xf32, #tpu.memory_space<vmem>>, vector<1x16xf32>,
      %swap3A_578 = vector.shape_cast %swap3A_577 : vector<1x16xf32> to vector<16xf32>
      %swap3A_579 = vector.shape_cast %mul3A_574 : vector<16xf32> to vector<1x16xf32>
      tpu.vector_store %arg7[%swap3A_575, %swap3A_576], %swap3A_579 {strides = array<i32>} : memref<16x512xf32, #tpu.memory_space<vmem>>, vector<1x16xf32>,
      %mul3A_580 = arith.constant 2.000000e-02 : f32
      %mul3A_581 = vector.broadcast %mul3A_580 : f32 to vector<16xf32>
      %mul3A_582 = arith.mulf %scan3A_454#13, %mul3A_581 : vector<16xf32>
      %swap3A_583 = arith.index_cast %add3A_475 : i32 to index
      %swap3A_584 = arith.constant 208 : index
      %swap3A_585 = tpu.vector_load %arg7[%swap3A_583, %swap3A_584] {strides = array<i32>} : memref<16x512xf32, #tpu.memory_space<vmem>>, vector<1x16xf32>,
      %swap3A_586 = vector.shape_cast %swap3A_585 : vector<1x16xf32> to vector<16xf32>
      %swap3A_587 = vector.shape_cast %mul3A_582 : vector<16xf32> to vector<1x16xf32>
      tpu.vector_store %arg7[%swap3A_583, %swap3A_584], %swap3A_587 {strides = array<i32>} : memref<16x512xf32, #tpu.memory_space<vmem>>, vector<1x16xf32>,
      %mul3A_588 = arith.constant 2.000000e-02 : f32
      %mul3A_589 = vector.broadcast %mul3A_588 : f32 to vector<16xf32>
      %mul3A_590 = arith.mulf %scan3A_454#14, %mul3A_589 : vector<16xf32>
      %swap3A_591 = arith.index_cast %add3A_475 : i32 to index
      %swap3A_592 = arith.constant 224 : index
      %swap3A_593 = tpu.vector_load %arg7[%swap3A_591, %swap3A_592] {strides = array<i32>} : memref<16x512xf32, #tpu.memory_space<vmem>>, vector<1x16xf32>,
      %swap3A_594 = vector.shape_cast %swap3A_593 : vector<1x16xf32> to vector<16xf32>
      %swap3A_595 = vector.shape_cast %mul3A_590 : vector<16xf32> to vector<1x16xf32>
      tpu.vector_store %arg7[%swap3A_591, %swap3A_592], %swap3A_595 {strides = array<i32>} : memref<16x512xf32, #tpu.memory_space<vmem>>, vector<1x16xf32>,
      %mul3A_596 = arith.constant 2.000000e-02 : f32
      %mul3A_597 = vector.broadcast %mul3A_596 : f32 to vector<16xf32>
      %mul3A_598 = arith.mulf %scan3A_454#15, %mul3A_597 : vector<16xf32>
      %swap3A_599 = arith.index_cast %add3A_475 : i32 to index
      %swap3A_600 = arith.constant 240 : index
      %swap3A_601 = tpu.vector_load %arg7[%swap3A_599, %swap3A_600] {strides = array<i32>} : memref<16x512xf32, #tpu.memory_space<vmem>>, vector<1x16xf32>,
      %swap3A_602 = vector.shape_cast %swap3A_601 : vector<1x16xf32> to vector<16xf32>
      %swap3A_603 = vector.shape_cast %mul3A_598 : vector<16xf32> to vector<1x16xf32>
      tpu.vector_store %arg7[%swap3A_599, %swap3A_600], %swap3A_603 {strides = array<i32>} : memref<16x512xf32, #tpu.memory_space<vmem>>, vector<1x16xf32>,
      %mul3A_604 = arith.constant 2.000000e-02 : f32
      %mul3A_605 = vector.broadcast %mul3A_604 : f32 to vector<16xf32>
      %mul3A_606 = arith.mulf %scan3A_454#16, %mul3A_605 : vector<16xf32>
      %swap3A_607 = arith.index_cast %add3A_475 : i32 to index
      %swap3A_608 = arith.constant 256 : index
      %swap3A_609 = tpu.vector_load %arg7[%swap3A_607, %swap3A_608] {strides = array<i32>} : memref<16x512xf32, #tpu.memory_space<vmem>>, vector<1x16xf32>,
      %swap3A_610 = vector.shape_cast %swap3A_609 : vector<1x16xf32> to vector<16xf32>
      %swap3A_611 = vector.shape_cast %mul3A_606 : vector<16xf32> to vector<1x16xf32>
      tpu.vector_store %arg7[%swap3A_607, %swap3A_608], %swap3A_611 {strides = array<i32>} : memref<16x512xf32, #tpu.memory_space<vmem>>, vector<1x16xf32>,
      %mul3A_612 = arith.constant 2.000000e-02 : f32
      %mul3A_613 = vector.broadcast %mul3A_612 : f32 to vector<16xf32>
      %mul3A_614 = arith.mulf %scan3A_454#17, %mul3A_613 : vector<16xf32>
      %swap3A_615 = arith.index_cast %add3A_475 : i32 to index
      %swap3A_616 = arith.constant 272 : index
      %swap3A_617 = tpu.vector_load %arg7[%swap3A_615, %swap3A_616] {strides = array<i32>} : memref<16x512xf32, #tpu.memory_space<vmem>>, vector<1x16xf32>,
      %swap3A_618 = vector.shape_cast %swap3A_617 : vector<1x16xf32> to vector<16xf32>
      %swap3A_619 = vector.shape_cast %mul3A_614 : vector<16xf32> to vector<1x16xf32>
      tpu.vector_store %arg7[%swap3A_615, %swap3A_616], %swap3A_619 {strides = array<i32>} : memref<16x512xf32, #tpu.memory_space<vmem>>, vector<1x16xf32>,
      %mul3A_620 = arith.constant 2.000000e-02 : f32
      %mul3A_621 = vector.broadcast %mul3A_620 : f32 to vector<16xf32>
      %mul3A_622 = arith.mulf %scan3A_454#18, %mul3A_621 : vector<16xf32>
      %swap3A_623 = arith.index_cast %add3A_475 : i32 to index
      %swap3A_624 = arith.constant 288 : index
      %swap3A_625 = tpu.vector_load %arg7[%swap3A_623, %swap3A_624] {strides = array<i32>} : memref<16x512xf32, #tpu.memory_space<vmem>>, vector<1x16xf32>,
      %swap3A_626 = vector.shape_cast %swap3A_625 : vector<1x16xf32> to vector<16xf32>
      %swap3A_627 = vector.shape_cast %mul3A_622 : vector<16xf32> to vector<1x16xf32>
      tpu.vector_store %arg7[%swap3A_623, %swap3A_624], %swap3A_627 {strides = array<i32>} : memref<16x512xf32, #tpu.memory_space<vmem>>, vector<1x16xf32>,
      %mul3A_628 = arith.constant 2.000000e-02 : f32
      %mul3A_629 = vector.broadcast %mul3A_628 : f32 to vector<16xf32>
      %mul3A_630 = arith.mulf %scan3A_454#19, %mul3A_629 : vector<16xf32>
      %swap3A_631 = arith.index_cast %add3A_475 : i32 to index
      %swap3A_632 = arith.constant 304 : index
      %swap3A_633 = tpu.vector_load %arg7[%swap3A_631, %swap3A_632] {strides = array<i32>} : memref<16x512xf32, #tpu.memory_space<vmem>>, vector<1x16xf32>,
      %swap3A_634 = vector.shape_cast %swap3A_633 : vector<1x16xf32> to vector<16xf32>
      %swap3A_635 = vector.shape_cast %mul3A_630 : vector<16xf32> to vector<1x16xf32>
      tpu.vector_store %arg7[%swap3A_631, %swap3A_632], %swap3A_635 {strides = array<i32>} : memref<16x512xf32, #tpu.memory_space<vmem>>, vector<1x16xf32>,
      %mul3A_636 = arith.constant 2.000000e-02 : f32
      %mul3A_637 = vector.broadcast %mul3A_636 : f32 to vector<16xf32>
      %mul3A_638 = arith.mulf %scan3A_454#20, %mul3A_637 : vector<16xf32>
      %swap3A_639 = arith.index_cast %add3A_475 : i32 to index
      %swap3A_640 = arith.constant 320 : index
      %swap3A_641 = tpu.vector_load %arg7[%swap3A_639, %swap3A_640] {strides = array<i32>} : memref<16x512xf32, #tpu.memory_space<vmem>>, vector<1x16xf32>,
      %swap3A_642 = vector.shape_cast %swap3A_641 : vector<1x16xf32> to vector<16xf32>
      %swap3A_643 = vector.shape_cast %mul3A_638 : vector<16xf32> to vector<1x16xf32>
      tpu.vector_store %arg7[%swap3A_639, %swap3A_640], %swap3A_643 {strides = array<i32>} : memref<16x512xf32, #tpu.memory_space<vmem>>, vector<1x16xf32>,
      %mul3A_644 = arith.constant 2.000000e-02 : f32
      %mul3A_645 = vector.broadcast %mul3A_644 : f32 to vector<16xf32>
      %mul3A_646 = arith.mulf %scan3A_454#21, %mul3A_645 : vector<16xf32>
      %swap3A_647 = arith.index_cast %add3A_475 : i32 to index
      %swap3A_648 = arith.constant 336 : index
      %swap3A_649 = tpu.vector_load %arg7[%swap3A_647, %swap3A_648] {strides = array<i32>} : memref<16x512xf32, #tpu.memory_space<vmem>>, vector<1x16xf32>,
      %swap3A_650 = vector.shape_cast %swap3A_649 : vector<1x16xf32> to vector<16xf32>
      %swap3A_651 = vector.shape_cast %mul3A_646 : vector<16xf32> to vector<1x16xf32>
      tpu.vector_store %arg7[%swap3A_647, %swap3A_648], %swap3A_651 {strides = array<i32>} : memref<16x512xf32, #tpu.memory_space<vmem>>, vector<1x16xf32>,
      %mul3A_652 = arith.constant 2.000000e-02 : f32
      %mul3A_653 = vector.broadcast %mul3A_652 : f32 to vector<16xf32>
      %mul3A_654 = arith.mulf %scan3A_454#22, %mul3A_653 : vector<16xf32>
      %swap3A_655 = arith.index_cast %add3A_475 : i32 to index
      %swap3A_656 = arith.constant 352 : index
      %swap3A_657 = tpu.vector_load %arg7[%swap3A_655, %swap3A_656] {strides = array<i32>} : memref<16x512xf32, #tpu.memory_space<vmem>>, vector<1x16xf32>,
      %swap3A_658 = vector.shape_cast %swap3A_657 : vector<1x16xf32> to vector<16xf32>
      %swap3A_659 = vector.shape_cast %mul3A_654 : vector<16xf32> to vector<1x16xf32>
      tpu.vector_store %arg7[%swap3A_655, %swap3A_656], %swap3A_659 {strides = array<i32>} : memref<16x512xf32, #tpu.memory_space<vmem>>, vector<1x16xf32>,
      %mul3A_660 = arith.constant 2.000000e-02 : f32
      %mul3A_661 = vector.broadcast %mul3A_660 : f32 to vector<16xf32>
      %mul3A_662 = arith.mulf %scan3A_454#23, %mul3A_661 : vector<16xf32>
      %swap3A_663 = arith.index_cast %add3A_475 : i32 to index
      %swap3A_664 = arith.constant 368 : index
      %swap3A_665 = tpu.vector_load %arg7[%swap3A_663, %swap3A_664] {strides = array<i32>} : memref<16x512xf32, #tpu.memory_space<vmem>>, vector<1x16xf32>,
      %swap3A_666 = vector.shape_cast %swap3A_665 : vector<1x16xf32> to vector<16xf32>
      %swap3A_667 = vector.shape_cast %mul3A_662 : vector<16xf32> to vector<1x16xf32>
      tpu.vector_store %arg7[%swap3A_663, %swap3A_664], %swap3A_667 {strides = array<i32>} : memref<16x512xf32, #tpu.memory_space<vmem>>, vector<1x16xf32>,
      %mul3A_668 = arith.constant 2.000000e-02 : f32
      %mul3A_669 = vector.broadcast %mul3A_668 : f32 to vector<16xf32>
      %mul3A_670 = arith.mulf %scan3A_454#24, %mul3A_669 : vector<16xf32>
      %swap3A_671 = arith.index_cast %add3A_475 : i32 to index
      %swap3A_672 = arith.constant 384 : index
      %swap3A_673 = tpu.vector_load %arg7[%swap3A_671, %swap3A_672] {strides = array<i32>} : memref<16x512xf32, #tpu.memory_space<vmem>>, vector<1x16xf32>,
      %swap3A_674 = vector.shape_cast %swap3A_673 : vector<1x16xf32> to vector<16xf32>
      %swap3A_675 = vector.shape_cast %mul3A_670 : vector<16xf32> to vector<1x16xf32>
      tpu.vector_store %arg7[%swap3A_671, %swap3A_672], %swap3A_675 {strides = array<i32>} : memref<16x512xf32, #tpu.memory_space<vmem>>, vector<1x16xf32>,
      %mul3A_676 = arith.constant 2.000000e-02 : f32
      %mul3A_677 = vector.broadcast %mul3A_676 : f32 to vector<16xf32>
      %mul3A_678 = arith.mulf %scan3A_454#25, %mul3A_677 : vector<16xf32>
      %swap3A_679 = arith.index_cast %add3A_475 : i32 to index
      %swap3A_680 = arith.constant 400 : index
      %swap3A_681 = tpu.vector_load %arg7[%swap3A_679, %swap3A_680] {strides = array<i32>} : memref<16x512xf32, #tpu.memory_space<vmem>>, vector<1x16xf32>,
      %swap3A_682 = vector.shape_cast %swap3A_681 : vector<1x16xf32> to vector<16xf32>
      %swap3A_683 = vector.shape_cast %mul3A_678 : vector<16xf32> to vector<1x16xf32>
      tpu.vector_store %arg7[%swap3A_679, %swap3A_680], %swap3A_683 {strides = array<i32>} : memref<16x512xf32, #tpu.memory_space<vmem>>, vector<1x16xf32>,
      %mul3A_684 = arith.constant 2.000000e-02 : f32
      %mul3A_685 = vector.broadcast %mul3A_684 : f32 to vector<16xf32>
      %mul3A_686 = arith.mulf %scan3A_454#26, %mul3A_685 : vector<16xf32>
      %swap3A_687 = arith.index_cast %add3A_475 : i32 to index
      %swap3A_688 = arith.constant 416 : index
      %swap3A_689 = tpu.vector_load %arg7[%swap3A_687, %swap3A_688] {strides = array<i32>} : memref<16x512xf32, #tpu.memory_space<vmem>>, vector<1x16xf32>,
      %swap3A_690 = vector.shape_cast %swap3A_689 : vector<1x16xf32> to vector<16xf32>
      %swap3A_691 = vector.shape_cast %mul3A_686 : vector<16xf32> to vector<1x16xf32>
      tpu.vector_store %arg7[%swap3A_687, %swap3A_688], %swap3A_691 {strides = array<i32>} : memref<16x512xf32, #tpu.memory_space<vmem>>, vector<1x16xf32>,
      %mul3A_692 = arith.constant 2.000000e-02 : f32
      %mul3A_693 = vector.broadcast %mul3A_692 : f32 to vector<16xf32>
      %mul3A_694 = arith.mulf %scan3A_454#27, %mul3A_693 : vector<16xf32>
      %swap3A_695 = arith.index_cast %add3A_475 : i32 to index
      %swap3A_696 = arith.constant 432 : index
      %swap3A_697 = tpu.vector_load %arg7[%swap3A_695, %swap3A_696] {strides = array<i32>} : memref<16x512xf32, #tpu.memory_space<vmem>>, vector<1x16xf32>,
      %swap3A_698 = vector.shape_cast %swap3A_697 : vector<1x16xf32> to vector<16xf32>
      %swap3A_699 = vector.shape_cast %mul3A_694 : vector<16xf32> to vector<1x16xf32>
      tpu.vector_store %arg7[%swap3A_695, %swap3A_696], %swap3A_699 {strides = array<i32>} : memref<16x512xf32, #tpu.memory_space<vmem>>, vector<1x16xf32>,
      %mul3A_700 = arith.constant 2.000000e-02 : f32
      %mul3A_701 = vector.broadcast %mul3A_700 : f32 to vector<16xf32>
      %mul3A_702 = arith.mulf %scan3A_454#28, %mul3A_701 : vector<16xf32>
      %swap3A_703 = arith.index_cast %add3A_475 : i32 to index
      %swap3A_704 = arith.constant 448 : index
      %swap3A_705 = tpu.vector_load %arg7[%swap3A_703, %swap3A_704] {strides = array<i32>} : memref<16x512xf32, #tpu.memory_space<vmem>>, vector<1x16xf32>,
      %swap3A_706 = vector.shape_cast %swap3A_705 : vector<1x16xf32> to vector<16xf32>
      %swap3A_707 = vector.shape_cast %mul3A_702 : vector<16xf32> to vector<1x16xf32>
      tpu.vector_store %arg7[%swap3A_703, %swap3A_704], %swap3A_707 {strides = array<i32>} : memref<16x512xf32, #tpu.memory_space<vmem>>, vector<1x16xf32>,
      %mul3A_708 = arith.constant 2.000000e-02 : f32
      %mul3A_709 = vector.broadcast %mul3A_708 : f32 to vector<16xf32>
      %mul3A_710 = arith.mulf %scan3A_454#29, %mul3A_709 : vector<16xf32>
      %swap3A_711 = arith.index_cast %add3A_475 : i32 to index
      %swap3A_712 = arith.constant 464 : index
      %swap3A_713 = tpu.vector_load %arg7[%swap3A_711, %swap3A_712] {strides = array<i32>} : memref<16x512xf32, #tpu.memory_space<vmem>>, vector<1x16xf32>,
      %swap3A_714 = vector.shape_cast %swap3A_713 : vector<1x16xf32> to vector<16xf32>
      %swap3A_715 = vector.shape_cast %mul3A_710 : vector<16xf32> to vector<1x16xf32>
      tpu.vector_store %arg7[%swap3A_711, %swap3A_712], %swap3A_715 {strides = array<i32>} : memref<16x512xf32, #tpu.memory_space<vmem>>, vector<1x16xf32>,
      %mul3A_716 = arith.constant 2.000000e-02 : f32
      %mul3A_717 = vector.broadcast %mul3A_716 : f32 to vector<16xf32>
      %mul3A_718 = arith.mulf %scan3A_454#30, %mul3A_717 : vector<16xf32>
      %swap3A_719 = arith.index_cast %add3A_475 : i32 to index
      %swap3A_720 = arith.constant 480 : index
      %swap3A_721 = tpu.vector_load %arg7[%swap3A_719, %swap3A_720] {strides = array<i32>} : memref<16x512xf32, #tpu.memory_space<vmem>>, vector<1x16xf32>,
      %swap3A_722 = vector.shape_cast %swap3A_721 : vector<1x16xf32> to vector<16xf32>
      %swap3A_723 = vector.shape_cast %mul3A_718 : vector<16xf32> to vector<1x16xf32>
      tpu.vector_store %arg7[%swap3A_719, %swap3A_720], %swap3A_723 {strides = array<i32>} : memref<16x512xf32, #tpu.memory_space<vmem>>, vector<1x16xf32>,
      %mul3A_724 = arith.constant 2.000000e-02 : f32
      %mul3A_725 = vector.broadcast %mul3A_724 : f32 to vector<16xf32>
      %mul3A_726 = arith.mulf %scan3A_454#31, %mul3A_725 : vector<16xf32>
      %swap3A_727 = arith.index_cast %add3A_475 : i32 to index
      %swap3A_728 = arith.constant 496 : index
      %swap3A_729 = tpu.vector_load %arg7[%swap3A_727, %swap3A_728] {strides = array<i32>} : memref<16x512xf32, #tpu.memory_space<vmem>>, vector<1x16xf32>,
      %swap3A_730 = vector.shape_cast %swap3A_729 : vector<1x16xf32> to vector<16xf32>
      %swap3A_731 = vector.shape_cast %mul3A_726 : vector<16xf32> to vector<1x16xf32>
      tpu.vector_store %arg7[%swap3A_727, %swap3A_728], %swap3A_731 {strides = array<i32>} : memref<16x512xf32, #tpu.memory_space<vmem>>, vector<1x16xf32>,
      %lt3A_732 = arith.constant 31 : i32
      %lt3A_733 = arith.cmpi slt, %scan3A_32, %lt3A_732 : i32
      %convert_element_type3A = arith.extui %lt3A_733 : i1 to i32
      %cond3A = arith.constant 0 : i32
      %cond3A_734 = arith.cmpi ne, %convert_element_type3A, %cond3A : i32
      scf.if %cond3A_734 {
        %add3A_1470 = arith.constant 2 : i32
        %add3A_1471 = arith.addi %add3A_37, %add3A_1470 : i32
        %dma_start3A_1472 = arith.constant 0 : i32
        %dma_start3A_1473 = arith.constant 0 : i32
        %dma_start3A_1474 = arith.constant 0 : i32
        %dma_start3A_1475 = tpu.memref_slice %arg6[%dma_start3A_1472, %dma_start3A_1473, %dma_start3A_1474] : memref<2x104x512xf32, #tpu.memory_space<vmem>> -> memref<1x104x512xf32, #tpu.memory_space<vmem>>
        %dma_start3A_1476 = tpu.memref_squeeze %dma_start3A_1475 : memref<1x104x512xf32, #tpu.memory_space<vmem>> -> memref<104x512xf32, #tpu.memory_space<vmem>>
        %dma_start3A_1477 = arith.constant 0 : i32
        %dma_start3A_1478 = tpu.memref_slice %arg5[%add3A_1471, %dma_start3A_1477] : memref<64x104xi32, #tpu.memory_space<vmem>> -> memref<1x104xi32, #tpu.memory_space<vmem>>
        %dma_start3A_1479 = tpu.memref_squeeze %dma_start3A_1478 : memref<1x104xi32, #tpu.memory_space<vmem>> -> memref<104xi32, #tpu.memory_space<vmem>>
        %dma_start3A_1480 = arith.constant 0 : i32
        %dma_start3A_1481 = arith.constant 0 : i32
        %dma_start3A_1482 = tpu.memref_slice %arg3[%dma_start3A_1480, %dma_start3A_1481] : memref<100000x512xf32, #tpu.memory_space<hbm>> -> memref<100000x512xf32, #tpu.memory_space<hbm>>
        tpu.enqueue_indirect_dma source(%dma_start3A_1482 : memref<100000x512xf32, #tpu.memory_space<hbm>>) target(%dma_start3A_1476 : memref<104x512xf32, #tpu.memory_space<vmem>>) offsets(%dma_start3A_1479 : memref<104xi32, #tpu.memory_space<vmem>>) semaphore(%arg8 : memref<!tpu.dma_semaphore, #tpu.memory_space<semaphore_mem>>)
      } else {
      }
      %mul3A_735 = arith.constant 2 : i32
      %mul3A_736 = arith.muli %scan3A_32, %mul3A_735 : i32
      %add3A_737 = arith.constant 1 : i32
      %add3A_738 = arith.addi %mul3A_736, %add3A_737 : i32
      %dma_wait3A_739 = arith.constant 0 : i32
      %dma_wait3A_740 = arith.constant 1 : i32
      %dma_wait3A_741 = arith.constant 0 : i32
      %dma_wait3A_742 = arith.constant 0 : i32
      %dma_wait3A_743 = tpu.memref_slice %arg6[%dma_wait3A_740, %dma_wait3A_741, %dma_wait3A_742] : memref<2x104x512xf32, #tpu.memory_space<vmem>> -> memref<1x104x512xf32, #tpu.memory_space<vmem>>
      %dma_wait3A_744 = tpu.memref_squeeze %dma_wait3A_743 : memref<1x104x512xf32, #tpu.memory_space<vmem>> -> memref<104x512xf32, #tpu.memory_space<vmem>>
      %dma_wait3A_745 = arith.constant 0 : i32
      %dma_wait3A_746 = tpu.memref_slice %arg5[%dma_wait3A_739, %dma_wait3A_745] : memref<64x104xi32, #tpu.memory_space<vmem>> -> memref<1x104xi32, #tpu.memory_space<vmem>>
      %dma_wait3A_747 = tpu.memref_squeeze %dma_wait3A_746 : memref<1x104xi32, #tpu.memory_space<vmem>> -> memref<104xi32, #tpu.memory_space<vmem>>
      %dma_wait3A_748 = arith.constant 0 : i32
      %dma_wait3A_749 = arith.constant 0 : i32
      %dma_wait3A_750 = tpu.memref_slice %arg3[%dma_wait3A_748, %dma_wait3A_749] : memref<100000x512xf32, #tpu.memory_space<hbm>> -> memref<100000x512xf32, #tpu.memory_space<hbm>>
      tpu.wait_indirect_dma semaphore(%arg9 : memref<!tpu.dma_semaphore, #tpu.memory_space<semaphore_mem>>) src(%dma_wait3A_750 : memref<100000x512xf32, #tpu.memory_space<hbm>>) dst(%dma_wait3A_744 : memref<104x512xf32, #tpu.memory_space<vmem>>)
      %broadcast_in_dim3A_751 = arith.constant 0.000000e+00 : f32
      %broadcast_in_dim3A_752 = vector.broadcast %broadcast_in_dim3A_751 : f32 to vector<16xf32>
      %broadcast_in_dim3A_753 = arith.constant 0.000000e+00 : f32
      %broadcast_in_dim3A_754 = vector.broadcast %broadcast_in_dim3A_753 : f32 to vector<16xf32>
      %broadcast_in_dim3A_755 = arith.constant 0.000000e+00 : f32
      %broadcast_in_dim3A_756 = vector.broadcast %broadcast_in_dim3A_755 : f32 to vector<16xf32>
      %broadcast_in_dim3A_757 = arith.constant 0.000000e+00 : f32
      %broadcast_in_dim3A_758 = vector.broadcast %broadcast_in_dim3A_757 : f32 to vector<16xf32>
      %broadcast_in_dim3A_759 = arith.constant 0.000000e+00 : f32
      %broadcast_in_dim3A_760 = vector.broadcast %broadcast_in_dim3A_759 : f32 to vector<16xf32>
      %broadcast_in_dim3A_761 = arith.constant 0.000000e+00 : f32
      %broadcast_in_dim3A_762 = vector.broadcast %broadcast_in_dim3A_761 : f32 to vector<16xf32>
      %broadcast_in_dim3A_763 = arith.constant 0.000000e+00 : f32
      %broadcast_in_dim3A_764 = vector.broadcast %broadcast_in_dim3A_763 : f32 to vector<16xf32>
      %broadcast_in_dim3A_765 = arith.constant 0.000000e+00 : f32
      %broadcast_in_dim3A_766 = vector.broadcast %broadcast_in_dim3A_765 : f32 to vector<16xf32>
      %broadcast_in_dim3A_767 = arith.constant 0.000000e+00 : f32
      %broadcast_in_dim3A_768 = vector.broadcast %broadcast_in_dim3A_767 : f32 to vector<16xf32>
      %broadcast_in_dim3A_769 = arith.constant 0.000000e+00 : f32
      %broadcast_in_dim3A_770 = vector.broadcast %broadcast_in_dim3A_769 : f32 to vector<16xf32>
      %broadcast_in_dim3A_771 = arith.constant 0.000000e+00 : f32
      %broadcast_in_dim3A_772 = vector.broadcast %broadcast_in_dim3A_771 : f32 to vector<16xf32>
      %broadcast_in_dim3A_773 = arith.constant 0.000000e+00 : f32
      %broadcast_in_dim3A_774 = vector.broadcast %broadcast_in_dim3A_773 : f32 to vector<16xf32>
      %broadcast_in_dim3A_775 = arith.constant 0.000000e+00 : f32
      %broadcast_in_dim3A_776 = vector.broadcast %broadcast_in_dim3A_775 : f32 to vector<16xf32>
      %broadcast_in_dim3A_777 = arith.constant 0.000000e+00 : f32
      %broadcast_in_dim3A_778 = vector.broadcast %broadcast_in_dim3A_777 : f32 to vector<16xf32>
      %broadcast_in_dim3A_779 = arith.constant 0.000000e+00 : f32
      %broadcast_in_dim3A_780 = vector.broadcast %broadcast_in_dim3A_779 : f32 to vector<16xf32>
      %broadcast_in_dim3A_781 = arith.constant 0.000000e+00 : f32
      %broadcast_in_dim3A_782 = vector.broadcast %broadcast_in_dim3A_781 : f32 to vector<16xf32>
      %broadcast_in_dim3A_783 = arith.constant 0.000000e+00 : f32
      %broadcast_in_dim3A_784 = vector.broadcast %broadcast_in_dim3A_783 : f32 to vector<16xf32>
      %broadcast_in_dim3A_785 = arith.constant 0.000000e+00 : f32
      %broadcast_in_dim3A_786 = vector.broadcast %broadcast_in_dim3A_785 : f32 to vector<16xf32>
      %broadcast_in_dim3A_787 = arith.constant 0.000000e+00 : f32
      %broadcast_in_dim3A_788 = vector.broadcast %broadcast_in_dim3A_787 : f32 to vector<16xf32>
      %broadcast_in_dim3A_789 = arith.constant 0.000000e+00 : f32
      %broadcast_in_dim3A_790 = vector.broadcast %broadcast_in_dim3A_789 : f32 to vector<16xf32>
      %broadcast_in_dim3A_791 = arith.constant 0.000000e+00 : f32
      %broadcast_in_dim3A_792 = vector.broadcast %broadcast_in_dim3A_791 : f32 to vector<16xf32>
      %broadcast_in_dim3A_793 = arith.constant 0.000000e+00 : f32
      %broadcast_in_dim3A_794 = vector.broadcast %broadcast_in_dim3A_793 : f32 to vector<16xf32>
      %broadcast_in_dim3A_795 = arith.constant 0.000000e+00 : f32
      %broadcast_in_dim3A_796 = vector.broadcast %broadcast_in_dim3A_795 : f32 to vector<16xf32>
      %broadcast_in_dim3A_797 = arith.constant 0.000000e+00 : f32
      %broadcast_in_dim3A_798 = vector.broadcast %broadcast_in_dim3A_797 : f32 to vector<16xf32>
      %broadcast_in_dim3A_799 = arith.constant 0.000000e+00 : f32
      %broadcast_in_dim3A_800 = vector.broadcast %broadcast_in_dim3A_799 : f32 to vector<16xf32>
      %broadcast_in_dim3A_801 = arith.constant 0.000000e+00 : f32
      %broadcast_in_dim3A_802 = vector.broadcast %broadcast_in_dim3A_801 : f32 to vector<16xf32>
      %broadcast_in_dim3A_803 = arith.constant 0.000000e+00 : f32
      %broadcast_in_dim3A_804 = vector.broadcast %broadcast_in_dim3A_803 : f32 to vector<16xf32>
      %broadcast_in_dim3A_805 = arith.constant 0.000000e+00 : f32
      %broadcast_in_dim3A_806 = vector.broadcast %broadcast_in_dim3A_805 : f32 to vector<16xf32>
      %broadcast_in_dim3A_807 = arith.constant 0.000000e+00 : f32
      %broadcast_in_dim3A_808 = vector.broadcast %broadcast_in_dim3A_807 : f32 to vector<16xf32>
      %broadcast_in_dim3A_809 = arith.constant 0.000000e+00 : f32
      %broadcast_in_dim3A_810 = vector.broadcast %broadcast_in_dim3A_809 : f32 to vector<16xf32>
      %broadcast_in_dim3A_811 = arith.constant 0.000000e+00 : f32
      %broadcast_in_dim3A_812 = vector.broadcast %broadcast_in_dim3A_811 : f32 to vector<16xf32>
      %broadcast_in_dim3A_813 = arith.constant 0.000000e+00 : f32
      %broadcast_in_dim3A_814 = vector.broadcast %broadcast_in_dim3A_813 : f32 to vector<16xf32>
      %scan3A_815 = arith.constant 0 : i32
      %scan3A_816 = arith.constant 50 : i32
      %scan3A_817 = arith.addi %scan3A_815, %scan3A_816 : i32
      %scan3A_818 = arith.constant 1 : i32
      %scan3A_819:32 = scf.for %scan3A_1470 = %scan3A_815 to %scan3A_817 step %scan3A_818 iter_args(%scan3A_1471 = %broadcast_in_dim3A_752, %scan3A_1472 = %broadcast_in_dim3A_754, %scan3A_1473 = %broadcast_in_dim3A_756, %scan3A_1474 = %broadcast_in_dim3A_758, %scan3A_1475 = %broadcast_in_dim3A_760, %scan3A_1476 = %broadcast_in_dim3A_762, %scan3A_1477 = %broadcast_in_dim3A_764, %scan3A_1478 = %broadcast_in_dim3A_766, %scan3A_1479 = %broadcast_in_dim3A_768, %scan3A_1480 = %broadcast_in_dim3A_770, %scan3A_1481 = %broadcast_in_dim3A_772, %scan3A_1482 = %broadcast_in_dim3A_774, %scan3A_1483 = %broadcast_in_dim3A_776, %scan3A_1484 = %broadcast_in_dim3A_778, %scan3A_1485 = %broadcast_in_dim3A_780, %scan3A_1486 = %broadcast_in_dim3A_782, %scan3A_1487 = %broadcast_in_dim3A_784, %scan3A_1488 = %broadcast_in_dim3A_786, %scan3A_1489 = %broadcast_in_dim3A_788, %scan3A_1490 = %broadcast_in_dim3A_790, %scan3A_1491 = %broadcast_in_dim3A_792, %scan3A_1492 = %broadcast_in_dim3A_794, %scan3A_1493 = %broadcast_in_dim3A_796, %scan3A_1494 = %broadcast_in_dim3A_798, %scan3A_1495 = %broadcast_in_dim3A_800, %scan3A_1496 = %broadcast_in_dim3A_802, %scan3A_1497 = %broadcast_in_dim3A_804, %scan3A_1498 = %broadcast_in_dim3A_806, %scan3A_1499 = %broadcast_in_dim3A_808, %scan3A_1500 = %broadcast_in_dim3A_810, %scan3A_1501 = %broadcast_in_dim3A_812, %scan3A_1502 = %broadcast_in_dim3A_814) -> (vector<16xf32>, vector<16xf32>, vector<16xf32>, vector<16xf32>, vector<16xf32>, vector<16xf32>, vector<16xf32>, vector<16xf32>, vector<16xf32>, vector<16xf32>, vector<16xf32>, vector<16xf32>, vector<16xf32>, vector<16xf32>, vector<16xf32>, vector<16xf32>, vector<16xf32>, vector<16xf32>, vector<16xf32>, vector<16xf32>, vector<16xf32>, vector<16xf32>, vector<16xf32>, vector<16xf32>, vector<16xf32>, vector<16xf32>, vector<16xf32>, vector<16xf32>, vector<16xf32>, vector<16xf32>, vector<16xf32>, vector<16xf32>)  : i32 {
        %get3A = arith.constant 1 : i32
        %get3A_1503 = arith.index_cast %get3A : i32 to index
        %get3A_1504 = arith.index_cast %scan3A_1470 : i32 to index
        %get3A_1505 = arith.constant 0 : index
        %get3A_1506 = tpu.vector_load %arg6[%get3A_1503, %get3A_1504, %get3A_1505] {strides = array<i32>} : memref<2x104x512xf32, #tpu.memory_space<vmem>>, vector<1x1x16xf32>,
        %get3A_1507 = vector.shape_cast %get3A_1506 : vector<1x1x16xf32> to vector<16xf32>
        %add3A_1508 = arith.addf %scan3A_1471, %get3A_1507 : vector<16xf32>
        %get3A_1509 = arith.constant 1 : i32
        %get3A_1510 = arith.index_cast %get3A_1509 : i32 to index
        %get3A_1511 = arith.index_cast %scan3A_1470 : i32 to index
        %get3A_1512 = arith.constant 16 : index
        %get3A_1513 = tpu.vector_load %arg6[%get3A_1510, %get3A_1511, %get3A_1512] {strides = array<i32>} : memref<2x104x512xf32, #tpu.memory_space<vmem>>, vector<1x1x16xf32>,
        %get3A_1514 = vector.shape_cast %get3A_1513 : vector<1x1x16xf32> to vector<16xf32>
        %add3A_1515 = arith.addf %scan3A_1472, %get3A_1514 : vector<16xf32>
        %get3A_1516 = arith.constant 1 : i32
        %get3A_1517 = arith.index_cast %get3A_1516 : i32 to index
        %get3A_1518 = arith.index_cast %scan3A_1470 : i32 to index
        %get3A_1519 = arith.constant 32 : index
        %get3A_1520 = tpu.vector_load %arg6[%get3A_1517, %get3A_1518, %get3A_1519] {strides = array<i32>} : memref<2x104x512xf32, #tpu.memory_space<vmem>>, vector<1x1x16xf32>,
        %get3A_1521 = vector.shape_cast %get3A_1520 : vector<1x1x16xf32> to vector<16xf32>
        %add3A_1522 = arith.addf %scan3A_1473, %get3A_1521 : vector<16xf32>
        %get3A_1523 = arith.constant 1 : i32
        %get3A_1524 = arith.index_cast %get3A_1523 : i32 to index
        %get3A_1525 = arith.index_cast %scan3A_1470 : i32 to index
        %get3A_1526 = arith.constant 48 : index
        %get3A_1527 = tpu.vector_load %arg6[%get3A_1524, %get3A_1525, %get3A_1526] {strides = array<i32>} : memref<2x104x512xf32, #tpu.memory_space<vmem>>, vector<1x1x16xf32>,
        %get3A_1528 = vector.shape_cast %get3A_1527 : vector<1x1x16xf32> to vector<16xf32>
        %add3A_1529 = arith.addf %scan3A_1474, %get3A_1528 : vector<16xf32>
        %get3A_1530 = arith.constant 1 : i32
        %get3A_1531 = arith.index_cast %get3A_1530 : i32 to index
        %get3A_1532 = arith.index_cast %scan3A_1470 : i32 to index
        %get3A_1533 = arith.constant 64 : index
        %get3A_1534 = tpu.vector_load %arg6[%get3A_1531, %get3A_1532, %get3A_1533] {strides = array<i32>} : memref<2x104x512xf32, #tpu.memory_space<vmem>>, vector<1x1x16xf32>,
        %get3A_1535 = vector.shape_cast %get3A_1534 : vector<1x1x16xf32> to vector<16xf32>
        %add3A_1536 = arith.addf %scan3A_1475, %get3A_1535 : vector<16xf32>
        %get3A_1537 = arith.constant 1 : i32
        %get3A_1538 = arith.index_cast %get3A_1537 : i32 to index
        %get3A_1539 = arith.index_cast %scan3A_1470 : i32 to index
        %get3A_1540 = arith.constant 80 : index
        %get3A_1541 = tpu.vector_load %arg6[%get3A_1538, %get3A_1539, %get3A_1540] {strides = array<i32>} : memref<2x104x512xf32, #tpu.memory_space<vmem>>, vector<1x1x16xf32>,
        %get3A_1542 = vector.shape_cast %get3A_1541 : vector<1x1x16xf32> to vector<16xf32>
        %add3A_1543 = arith.addf %scan3A_1476, %get3A_1542 : vector<16xf32>
        %get3A_1544 = arith.constant 1 : i32
        %get3A_1545 = arith.index_cast %get3A_1544 : i32 to index
        %get3A_1546 = arith.index_cast %scan3A_1470 : i32 to index
        %get3A_1547 = arith.constant 96 : index
        %get3A_1548 = tpu.vector_load %arg6[%get3A_1545, %get3A_1546, %get3A_1547] {strides = array<i32>} : memref<2x104x512xf32, #tpu.memory_space<vmem>>, vector<1x1x16xf32>,
        %get3A_1549 = vector.shape_cast %get3A_1548 : vector<1x1x16xf32> to vector<16xf32>
        %add3A_1550 = arith.addf %scan3A_1477, %get3A_1549 : vector<16xf32>
        %get3A_1551 = arith.constant 1 : i32
        %get3A_1552 = arith.index_cast %get3A_1551 : i32 to index
        %get3A_1553 = arith.index_cast %scan3A_1470 : i32 to index
        %get3A_1554 = arith.constant 112 : index
        %get3A_1555 = tpu.vector_load %arg6[%get3A_1552, %get3A_1553, %get3A_1554] {strides = array<i32>} : memref<2x104x512xf32, #tpu.memory_space<vmem>>, vector<1x1x16xf32>,
        %get3A_1556 = vector.shape_cast %get3A_1555 : vector<1x1x16xf32> to vector<16xf32>
        %add3A_1557 = arith.addf %scan3A_1478, %get3A_1556 : vector<16xf32>
        %get3A_1558 = arith.constant 1 : i32
        %get3A_1559 = arith.index_cast %get3A_1558 : i32 to index
        %get3A_1560 = arith.index_cast %scan3A_1470 : i32 to index
        %get3A_1561 = arith.constant 128 : index
        %get3A_1562 = tpu.vector_load %arg6[%get3A_1559, %get3A_1560, %get3A_1561] {strides = array<i32>} : memref<2x104x512xf32, #tpu.memory_space<vmem>>, vector<1x1x16xf32>,
        %get3A_1563 = vector.shape_cast %get3A_1562 : vector<1x1x16xf32> to vector<16xf32>
        %add3A_1564 = arith.addf %scan3A_1479, %get3A_1563 : vector<16xf32>
        %get3A_1565 = arith.constant 1 : i32
        %get3A_1566 = arith.index_cast %get3A_1565 : i32 to index
        %get3A_1567 = arith.index_cast %scan3A_1470 : i32 to index
        %get3A_1568 = arith.constant 144 : index
        %get3A_1569 = tpu.vector_load %arg6[%get3A_1566, %get3A_1567, %get3A_1568] {strides = array<i32>} : memref<2x104x512xf32, #tpu.memory_space<vmem>>, vector<1x1x16xf32>,
        %get3A_1570 = vector.shape_cast %get3A_1569 : vector<1x1x16xf32> to vector<16xf32>
        %add3A_1571 = arith.addf %scan3A_1480, %get3A_1570 : vector<16xf32>
        %get3A_1572 = arith.constant 1 : i32
        %get3A_1573 = arith.index_cast %get3A_1572 : i32 to index
        %get3A_1574 = arith.index_cast %scan3A_1470 : i32 to index
        %get3A_1575 = arith.constant 160 : index
        %get3A_1576 = tpu.vector_load %arg6[%get3A_1573, %get3A_1574, %get3A_1575] {strides = array<i32>} : memref<2x104x512xf32, #tpu.memory_space<vmem>>, vector<1x1x16xf32>,
        %get3A_1577 = vector.shape_cast %get3A_1576 : vector<1x1x16xf32> to vector<16xf32>
        %add3A_1578 = arith.addf %scan3A_1481, %get3A_1577 : vector<16xf32>
        %get3A_1579 = arith.constant 1 : i32
        %get3A_1580 = arith.index_cast %get3A_1579 : i32 to index
        %get3A_1581 = arith.index_cast %scan3A_1470 : i32 to index
        %get3A_1582 = arith.constant 176 : index
        %get3A_1583 = tpu.vector_load %arg6[%get3A_1580, %get3A_1581, %get3A_1582] {strides = array<i32>} : memref<2x104x512xf32, #tpu.memory_space<vmem>>, vector<1x1x16xf32>,
        %get3A_1584 = vector.shape_cast %get3A_1583 : vector<1x1x16xf32> to vector<16xf32>
        %add3A_1585 = arith.addf %scan3A_1482, %get3A_1584 : vector<16xf32>
        %get3A_1586 = arith.constant 1 : i32
        %get3A_1587 = arith.index_cast %get3A_1586 : i32 to index
        %get3A_1588 = arith.index_cast %scan3A_1470 : i32 to index
        %get3A_1589 = arith.constant 192 : index
        %get3A_1590 = tpu.vector_load %arg6[%get3A_1587, %get3A_1588, %get3A_1589] {strides = array<i32>} : memref<2x104x512xf32, #tpu.memory_space<vmem>>, vector<1x1x16xf32>,
        %get3A_1591 = vector.shape_cast %get3A_1590 : vector<1x1x16xf32> to vector<16xf32>
        %add3A_1592 = arith.addf %scan3A_1483, %get3A_1591 : vector<16xf32>
        %get3A_1593 = arith.constant 1 : i32
        %get3A_1594 = arith.index_cast %get3A_1593 : i32 to index
        %get3A_1595 = arith.index_cast %scan3A_1470 : i32 to index
        %get3A_1596 = arith.constant 208 : index
        %get3A_1597 = tpu.vector_load %arg6[%get3A_1594, %get3A_1595, %get3A_1596] {strides = array<i32>} : memref<2x104x512xf32, #tpu.memory_space<vmem>>, vector<1x1x16xf32>,
        %get3A_1598 = vector.shape_cast %get3A_1597 : vector<1x1x16xf32> to vector<16xf32>
        %add3A_1599 = arith.addf %scan3A_1484, %get3A_1598 : vector<16xf32>
        %get3A_1600 = arith.constant 1 : i32
        %get3A_1601 = arith.index_cast %get3A_1600 : i32 to index
        %get3A_1602 = arith.index_cast %scan3A_1470 : i32 to index
        %get3A_1603 = arith.constant 224 : index
        %get3A_1604 = tpu.vector_load %arg6[%get3A_1601, %get3A_1602, %get3A_1603] {strides = array<i32>} : memref<2x104x512xf32, #tpu.memory_space<vmem>>, vector<1x1x16xf32>,
        %get3A_1605 = vector.shape_cast %get3A_1604 : vector<1x1x16xf32> to vector<16xf32>
        %add3A_1606 = arith.addf %scan3A_1485, %get3A_1605 : vector<16xf32>
        %get3A_1607 = arith.constant 1 : i32
        %get3A_1608 = arith.index_cast %get3A_1607 : i32 to index
        %get3A_1609 = arith.index_cast %scan3A_1470 : i32 to index
        %get3A_1610 = arith.constant 240 : index
        %get3A_1611 = tpu.vector_load %arg6[%get3A_1608, %get3A_1609, %get3A_1610] {strides = array<i32>} : memref<2x104x512xf32, #tpu.memory_space<vmem>>, vector<1x1x16xf32>,
        %get3A_1612 = vector.shape_cast %get3A_1611 : vector<1x1x16xf32> to vector<16xf32>
        %add3A_1613 = arith.addf %scan3A_1486, %get3A_1612 : vector<16xf32>
        %get3A_1614 = arith.constant 1 : i32
        %get3A_1615 = arith.index_cast %get3A_1614 : i32 to index
        %get3A_1616 = arith.index_cast %scan3A_1470 : i32 to index
        %get3A_1617 = arith.constant 256 : index
        %get3A_1618 = tpu.vector_load %arg6[%get3A_1615, %get3A_1616, %get3A_1617] {strides = array<i32>} : memref<2x104x512xf32, #tpu.memory_space<vmem>>, vector<1x1x16xf32>,
        %get3A_1619 = vector.shape_cast %get3A_1618 : vector<1x1x16xf32> to vector<16xf32>
        %add3A_1620 = arith.addf %scan3A_1487, %get3A_1619 : vector<16xf32>
        %get3A_1621 = arith.constant 1 : i32
        %get3A_1622 = arith.index_cast %get3A_1621 : i32 to index
        %get3A_1623 = arith.index_cast %scan3A_1470 : i32 to index
        %get3A_1624 = arith.constant 272 : index
        %get3A_1625 = tpu.vector_load %arg6[%get3A_1622, %get3A_1623, %get3A_1624] {strides = array<i32>} : memref<2x104x512xf32, #tpu.memory_space<vmem>>, vector<1x1x16xf32>,
        %get3A_1626 = vector.shape_cast %get3A_1625 : vector<1x1x16xf32> to vector<16xf32>
        %add3A_1627 = arith.addf %scan3A_1488, %get3A_1626 : vector<16xf32>
        %get3A_1628 = arith.constant 1 : i32
        %get3A_1629 = arith.index_cast %get3A_1628 : i32 to index
        %get3A_1630 = arith.index_cast %scan3A_1470 : i32 to index
        %get3A_1631 = arith.constant 288 : index
        %get3A_1632 = tpu.vector_load %arg6[%get3A_1629, %get3A_1630, %get3A_1631] {strides = array<i32>} : memref<2x104x512xf32, #tpu.memory_space<vmem>>, vector<1x1x16xf32>,
        %get3A_1633 = vector.shape_cast %get3A_1632 : vector<1x1x16xf32> to vector<16xf32>
        %add3A_1634 = arith.addf %scan3A_1489, %get3A_1633 : vector<16xf32>
        %get3A_1635 = arith.constant 1 : i32
        %get3A_1636 = arith.index_cast %get3A_1635 : i32 to index
        %get3A_1637 = arith.index_cast %scan3A_1470 : i32 to index
        %get3A_1638 = arith.constant 304 : index
        %get3A_1639 = tpu.vector_load %arg6[%get3A_1636, %get3A_1637, %get3A_1638] {strides = array<i32>} : memref<2x104x512xf32, #tpu.memory_space<vmem>>, vector<1x1x16xf32>,
        %get3A_1640 = vector.shape_cast %get3A_1639 : vector<1x1x16xf32> to vector<16xf32>
        %add3A_1641 = arith.addf %scan3A_1490, %get3A_1640 : vector<16xf32>
        %get3A_1642 = arith.constant 1 : i32
        %get3A_1643 = arith.index_cast %get3A_1642 : i32 to index
        %get3A_1644 = arith.index_cast %scan3A_1470 : i32 to index
        %get3A_1645 = arith.constant 320 : index
        %get3A_1646 = tpu.vector_load %arg6[%get3A_1643, %get3A_1644, %get3A_1645] {strides = array<i32>} : memref<2x104x512xf32, #tpu.memory_space<vmem>>, vector<1x1x16xf32>,
        %get3A_1647 = vector.shape_cast %get3A_1646 : vector<1x1x16xf32> to vector<16xf32>
        %add3A_1648 = arith.addf %scan3A_1491, %get3A_1647 : vector<16xf32>
        %get3A_1649 = arith.constant 1 : i32
        %get3A_1650 = arith.index_cast %get3A_1649 : i32 to index
        %get3A_1651 = arith.index_cast %scan3A_1470 : i32 to index
        %get3A_1652 = arith.constant 336 : index
        %get3A_1653 = tpu.vector_load %arg6[%get3A_1650, %get3A_1651, %get3A_1652] {strides = array<i32>} : memref<2x104x512xf32, #tpu.memory_space<vmem>>, vector<1x1x16xf32>,
        %get3A_1654 = vector.shape_cast %get3A_1653 : vector<1x1x16xf32> to vector<16xf32>
        %add3A_1655 = arith.addf %scan3A_1492, %get3A_1654 : vector<16xf32>
        %get3A_1656 = arith.constant 1 : i32
        %get3A_1657 = arith.index_cast %get3A_1656 : i32 to index
        %get3A_1658 = arith.index_cast %scan3A_1470 : i32 to index
        %get3A_1659 = arith.constant 352 : index
        %get3A_1660 = tpu.vector_load %arg6[%get3A_1657, %get3A_1658, %get3A_1659] {strides = array<i32>} : memref<2x104x512xf32, #tpu.memory_space<vmem>>, vector<1x1x16xf32>,
        %get3A_1661 = vector.shape_cast %get3A_1660 : vector<1x1x16xf32> to vector<16xf32>
        %add3A_1662 = arith.addf %scan3A_1493, %get3A_1661 : vector<16xf32>
        %get3A_1663 = arith.constant 1 : i32
        %get3A_1664 = arith.index_cast %get3A_1663 : i32 to index
        %get3A_1665 = arith.index_cast %scan3A_1470 : i32 to index
        %get3A_1666 = arith.constant 368 : index
        %get3A_1667 = tpu.vector_load %arg6[%get3A_1664, %get3A_1665, %get3A_1666] {strides = array<i32>} : memref<2x104x512xf32, #tpu.memory_space<vmem>>, vector<1x1x16xf32>,
        %get3A_1668 = vector.shape_cast %get3A_1667 : vector<1x1x16xf32> to vector<16xf32>
        %add3A_1669 = arith.addf %scan3A_1494, %get3A_1668 : vector<16xf32>
        %get3A_1670 = arith.constant 1 : i32
        %get3A_1671 = arith.index_cast %get3A_1670 : i32 to index
        %get3A_1672 = arith.index_cast %scan3A_1470 : i32 to index
        %get3A_1673 = arith.constant 384 : index
        %get3A_1674 = tpu.vector_load %arg6[%get3A_1671, %get3A_1672, %get3A_1673] {strides = array<i32>} : memref<2x104x512xf32, #tpu.memory_space<vmem>>, vector<1x1x16xf32>,
        %get3A_1675 = vector.shape_cast %get3A_1674 : vector<1x1x16xf32> to vector<16xf32>
        %add3A_1676 = arith.addf %scan3A_1495, %get3A_1675 : vector<16xf32>
        %get3A_1677 = arith.constant 1 : i32
        %get3A_1678 = arith.index_cast %get3A_1677 : i32 to index
        %get3A_1679 = arith.index_cast %scan3A_1470 : i32 to index
        %get3A_1680 = arith.constant 400 : index
        %get3A_1681 = tpu.vector_load %arg6[%get3A_1678, %get3A_1679, %get3A_1680] {strides = array<i32>} : memref<2x104x512xf32, #tpu.memory_space<vmem>>, vector<1x1x16xf32>,
        %get3A_1682 = vector.shape_cast %get3A_1681 : vector<1x1x16xf32> to vector<16xf32>
        %add3A_1683 = arith.addf %scan3A_1496, %get3A_1682 : vector<16xf32>
        %get3A_1684 = arith.constant 1 : i32
        %get3A_1685 = arith.index_cast %get3A_1684 : i32 to index
        %get3A_1686 = arith.index_cast %scan3A_1470 : i32 to index
        %get3A_1687 = arith.constant 416 : index
        %get3A_1688 = tpu.vector_load %arg6[%get3A_1685, %get3A_1686, %get3A_1687] {strides = array<i32>} : memref<2x104x512xf32, #tpu.memory_space<vmem>>, vector<1x1x16xf32>,
        %get3A_1689 = vector.shape_cast %get3A_1688 : vector<1x1x16xf32> to vector<16xf32>
        %add3A_1690 = arith.addf %scan3A_1497, %get3A_1689 : vector<16xf32>
        %get3A_1691 = arith.constant 1 : i32
        %get3A_1692 = arith.index_cast %get3A_1691 : i32 to index
        %get3A_1693 = arith.index_cast %scan3A_1470 : i32 to index
        %get3A_1694 = arith.constant 432 : index
        %get3A_1695 = tpu.vector_load %arg6[%get3A_1692, %get3A_1693, %get3A_1694] {strides = array<i32>} : memref<2x104x512xf32, #tpu.memory_space<vmem>>, vector<1x1x16xf32>,
        %get3A_1696 = vector.shape_cast %get3A_1695 : vector<1x1x16xf32> to vector<16xf32>
        %add3A_1697 = arith.addf %scan3A_1498, %get3A_1696 : vector<16xf32>
        %get3A_1698 = arith.constant 1 : i32
        %get3A_1699 = arith.index_cast %get3A_1698 : i32 to index
        %get3A_1700 = arith.index_cast %scan3A_1470 : i32 to index
        %get3A_1701 = arith.constant 448 : index
        %get3A_1702 = tpu.vector_load %arg6[%get3A_1699, %get3A_1700, %get3A_1701] {strides = array<i32>} : memref<2x104x512xf32, #tpu.memory_space<vmem>>, vector<1x1x16xf32>,
        %get3A_1703 = vector.shape_cast %get3A_1702 : vector<1x1x16xf32> to vector<16xf32>
        %add3A_1704 = arith.addf %scan3A_1499, %get3A_1703 : vector<16xf32>
        %get3A_1705 = arith.constant 1 : i32
        %get3A_1706 = arith.index_cast %get3A_1705 : i32 to index
        %get3A_1707 = arith.index_cast %scan3A_1470 : i32 to index
        %get3A_1708 = arith.constant 464 : index
        %get3A_1709 = tpu.vector_load %arg6[%get3A_1706, %get3A_1707, %get3A_1708] {strides = array<i32>} : memref<2x104x512xf32, #tpu.memory_space<vmem>>, vector<1x1x16xf32>,
        %get3A_1710 = vector.shape_cast %get3A_1709 : vector<1x1x16xf32> to vector<16xf32>
        %add3A_1711 = arith.addf %scan3A_1500, %get3A_1710 : vector<16xf32>
        %get3A_1712 = arith.constant 1 : i32
        %get3A_1713 = arith.index_cast %get3A_1712 : i32 to index
        %get3A_1714 = arith.index_cast %scan3A_1470 : i32 to index
        %get3A_1715 = arith.constant 480 : index
        %get3A_1716 = tpu.vector_load %arg6[%get3A_1713, %get3A_1714, %get3A_1715] {strides = array<i32>} : memref<2x104x512xf32, #tpu.memory_space<vmem>>, vector<1x1x16xf32>,
        %get3A_1717 = vector.shape_cast %get3A_1716 : vector<1x1x16xf32> to vector<16xf32>
        %add3A_1718 = arith.addf %scan3A_1501, %get3A_1717 : vector<16xf32>
        %get3A_1719 = arith.constant 1 : i32
        %get3A_1720 = arith.index_cast %get3A_1719 : i32 to index
        %get3A_1721 = arith.index_cast %scan3A_1470 : i32 to index
        %get3A_1722 = arith.constant 496 : index
        %get3A_1723 = tpu.vector_load %arg6[%get3A_1720, %get3A_1721, %get3A_1722] {strides = array<i32>} : memref<2x104x512xf32, #tpu.memory_space<vmem>>, vector<1x1x16xf32>,
        %get3A_1724 = vector.shape_cast %get3A_1723 : vector<1x1x16xf32> to vector<16xf32>
        %add3A_1725 = arith.addf %scan3A_1502, %get3A_1724 : vector<16xf32>
        scf.yield %add3A_1508, %add3A_1515, %add3A_1522, %add3A_1529, %add3A_1536, %add3A_1543, %add3A_1550, %add3A_1557, %add3A_1564, %add3A_1571, %add3A_1578, %add3A_1585, %add3A_1592, %add3A_1599, %add3A_1606, %add3A_1613, %add3A_1620, %add3A_1627, %add3A_1634, %add3A_1641, %add3A_1648, %add3A_1655, %add3A_1662, %add3A_1669, %add3A_1676, %add3A_1683, %add3A_1690, %add3A_1697, %add3A_1704, %add3A_1711, %add3A_1718, %add3A_1725 : vector<16xf32>, vector<16xf32>, vector<16xf32>, vector<16xf32>, vector<16xf32>, vector<16xf32>, vector<16xf32>, vector<16xf32>, vector<16xf32>, vector<16xf32>, vector<16xf32>, vector<16xf32>, vector<16xf32>, vector<16xf32>, vector<16xf32>, vector<16xf32>, vector<16xf32>, vector<16xf32>, vector<16xf32>, vector<16xf32>, vector<16xf32>, vector<16xf32>, vector<16xf32>, vector<16xf32>, vector<16xf32>, vector<16xf32>, vector<16xf32>, vector<16xf32>, vector<16xf32>, vector<16xf32>, vector<16xf32>, vector<16xf32>
      }
      %scan3A_820 = arith.constant 50 : i32
      %jit3A_821 = arith.constant 8 : i32
      %eq3A_822 = arith.constant 0 : i32
      %eq3A_823 = arith.cmpi eq, %jit3A_821, %eq3A_822 : i32
      %jit3A_824 = arith.constant 1 : i32
      %select_n3A_825 = arith.select %eq3A_823, %jit3A_824, %jit3A_821 : i32
      %rem3A_826 = arith.remsi %add3A_738, %select_n3A_825 : i32
      %ne3A_827 = arith.constant 0 : i32
      %ne3A_828 = arith.cmpi ne, %rem3A_826, %ne3A_827 : i32
      %lt3A_829 = arith.constant 0 : i32
      %lt3A_830 = arith.cmpi slt, %rem3A_826, %lt3A_829 : i32
      %lt3A_831 = arith.constant 0 : i32
      %lt3A_832 = arith.cmpi slt, %select_n3A_825, %lt3A_831 : i32
      %ne3A_833 = arith.xori %lt3A_830, %lt3A_832 : i1
      %and3A_834 = arith.andi %ne3A_833, %ne3A_828 : i1
      %add3A_835 = arith.addi %rem3A_826, %select_n3A_825 : i32
      %select_n3A_836 = arith.select %and3A_834, %add3A_835, %rem3A_826 : i32
      %mul3A_837 = arith.constant 2 : i32
      %mul3A_838 = arith.muli %select_n3A_836, %mul3A_837 : i32
      %add3A_839 = arith.constant 0 : i32
      %add3A_840 = arith.addi %mul3A_838, %add3A_839 : i32
      %mul3A_841 = arith.constant 2.000000e-02 : f32
      %mul3A_842 = vector.broadcast %mul3A_841 : f32 to vector<16xf32>
      %mul3A_843 = arith.mulf %scan3A_819#0, %mul3A_842 : vector<16xf32>
      %swap3A_844 = arith.index_cast %add3A_840 : i32 to index
      %swap3A_845 = arith.constant 0 : index
      %swap3A_846 = tpu.vector_load %arg7[%swap3A_844, %swap3A_845] {strides = array<i32>} : memref<16x512xf32, #tpu.memory_space<vmem>>, vector<1x16xf32>,
      %swap3A_847 = vector.shape_cast %swap3A_846 : vector<1x16xf32> to vector<16xf32>
      %swap3A_848 = vector.shape_cast %mul3A_843 : vector<16xf32> to vector<1x16xf32>
      tpu.vector_store %arg7[%swap3A_844, %swap3A_845], %swap3A_848 {strides = array<i32>} : memref<16x512xf32, #tpu.memory_space<vmem>>, vector<1x16xf32>,
      %mul3A_849 = arith.constant 2.000000e-02 : f32
      %mul3A_850 = vector.broadcast %mul3A_849 : f32 to vector<16xf32>
      %mul3A_851 = arith.mulf %scan3A_819#1, %mul3A_850 : vector<16xf32>
      %swap3A_852 = arith.index_cast %add3A_840 : i32 to index
      %swap3A_853 = arith.constant 16 : index
      %swap3A_854 = tpu.vector_load %arg7[%swap3A_852, %swap3A_853] {strides = array<i32>} : memref<16x512xf32, #tpu.memory_space<vmem>>, vector<1x16xf32>,
      %swap3A_855 = vector.shape_cast %swap3A_854 : vector<1x16xf32> to vector<16xf32>
      %swap3A_856 = vector.shape_cast %mul3A_851 : vector<16xf32> to vector<1x16xf32>
      tpu.vector_store %arg7[%swap3A_852, %swap3A_853], %swap3A_856 {strides = array<i32>} : memref<16x512xf32, #tpu.memory_space<vmem>>, vector<1x16xf32>,
      %mul3A_857 = arith.constant 2.000000e-02 : f32
      %mul3A_858 = vector.broadcast %mul3A_857 : f32 to vector<16xf32>
      %mul3A_859 = arith.mulf %scan3A_819#2, %mul3A_858 : vector<16xf32>
      %swap3A_860 = arith.index_cast %add3A_840 : i32 to index
      %swap3A_861 = arith.constant 32 : index
      %swap3A_862 = tpu.vector_load %arg7[%swap3A_860, %swap3A_861] {strides = array<i32>} : memref<16x512xf32, #tpu.memory_space<vmem>>, vector<1x16xf32>,
      %swap3A_863 = vector.shape_cast %swap3A_862 : vector<1x16xf32> to vector<16xf32>
      %swap3A_864 = vector.shape_cast %mul3A_859 : vector<16xf32> to vector<1x16xf32>
      tpu.vector_store %arg7[%swap3A_860, %swap3A_861], %swap3A_864 {strides = array<i32>} : memref<16x512xf32, #tpu.memory_space<vmem>>, vector<1x16xf32>,
      %mul3A_865 = arith.constant 2.000000e-02 : f32
      %mul3A_866 = vector.broadcast %mul3A_865 : f32 to vector<16xf32>
      %mul3A_867 = arith.mulf %scan3A_819#3, %mul3A_866 : vector<16xf32>
      %swap3A_868 = arith.index_cast %add3A_840 : i32 to index
      %swap3A_869 = arith.constant 48 : index
      %swap3A_870 = tpu.vector_load %arg7[%swap3A_868, %swap3A_869] {strides = array<i32>} : memref<16x512xf32, #tpu.memory_space<vmem>>, vector<1x16xf32>,
      %swap3A_871 = vector.shape_cast %swap3A_870 : vector<1x16xf32> to vector<16xf32>
      %swap3A_872 = vector.shape_cast %mul3A_867 : vector<16xf32> to vector<1x16xf32>
      tpu.vector_store %arg7[%swap3A_868, %swap3A_869], %swap3A_872 {strides = array<i32>} : memref<16x512xf32, #tpu.memory_space<vmem>>, vector<1x16xf32>,
      %mul3A_873 = arith.constant 2.000000e-02 : f32
      %mul3A_874 = vector.broadcast %mul3A_873 : f32 to vector<16xf32>
      %mul3A_875 = arith.mulf %scan3A_819#4, %mul3A_874 : vector<16xf32>
      %swap3A_876 = arith.index_cast %add3A_840 : i32 to index
      %swap3A_877 = arith.constant 64 : index
      %swap3A_878 = tpu.vector_load %arg7[%swap3A_876, %swap3A_877] {strides = array<i32>} : memref<16x512xf32, #tpu.memory_space<vmem>>, vector<1x16xf32>,
      %swap3A_879 = vector.shape_cast %swap3A_878 : vector<1x16xf32> to vector<16xf32>
      %swap3A_880 = vector.shape_cast %mul3A_875 : vector<16xf32> to vector<1x16xf32>
      tpu.vector_store %arg7[%swap3A_876, %swap3A_877], %swap3A_880 {strides = array<i32>} : memref<16x512xf32, #tpu.memory_space<vmem>>, vector<1x16xf32>,
      %mul3A_881 = arith.constant 2.000000e-02 : f32
      %mul3A_882 = vector.broadcast %mul3A_881 : f32 to vector<16xf32>
      %mul3A_883 = arith.mulf %scan3A_819#5, %mul3A_882 : vector<16xf32>
      %swap3A_884 = arith.index_cast %add3A_840 : i32 to index
      %swap3A_885 = arith.constant 80 : index
      %swap3A_886 = tpu.vector_load %arg7[%swap3A_884, %swap3A_885] {strides = array<i32>} : memref<16x512xf32, #tpu.memory_space<vmem>>, vector<1x16xf32>,
      %swap3A_887 = vector.shape_cast %swap3A_886 : vector<1x16xf32> to vector<16xf32>
      %swap3A_888 = vector.shape_cast %mul3A_883 : vector<16xf32> to vector<1x16xf32>
      tpu.vector_store %arg7[%swap3A_884, %swap3A_885], %swap3A_888 {strides = array<i32>} : memref<16x512xf32, #tpu.memory_space<vmem>>, vector<1x16xf32>,
      %mul3A_889 = arith.constant 2.000000e-02 : f32
      %mul3A_890 = vector.broadcast %mul3A_889 : f32 to vector<16xf32>
      %mul3A_891 = arith.mulf %scan3A_819#6, %mul3A_890 : vector<16xf32>
      %swap3A_892 = arith.index_cast %add3A_840 : i32 to index
      %swap3A_893 = arith.constant 96 : index
      %swap3A_894 = tpu.vector_load %arg7[%swap3A_892, %swap3A_893] {strides = array<i32>} : memref<16x512xf32, #tpu.memory_space<vmem>>, vector<1x16xf32>,
      %swap3A_895 = vector.shape_cast %swap3A_894 : vector<1x16xf32> to vector<16xf32>
      %swap3A_896 = vector.shape_cast %mul3A_891 : vector<16xf32> to vector<1x16xf32>
      tpu.vector_store %arg7[%swap3A_892, %swap3A_893], %swap3A_896 {strides = array<i32>} : memref<16x512xf32, #tpu.memory_space<vmem>>, vector<1x16xf32>,
      %mul3A_897 = arith.constant 2.000000e-02 : f32
      %mul3A_898 = vector.broadcast %mul3A_897 : f32 to vector<16xf32>
      %mul3A_899 = arith.mulf %scan3A_819#7, %mul3A_898 : vector<16xf32>
      %swap3A_900 = arith.index_cast %add3A_840 : i32 to index
      %swap3A_901 = arith.constant 112 : index
      %swap3A_902 = tpu.vector_load %arg7[%swap3A_900, %swap3A_901] {strides = array<i32>} : memref<16x512xf32, #tpu.memory_space<vmem>>, vector<1x16xf32>,
      %swap3A_903 = vector.shape_cast %swap3A_902 : vector<1x16xf32> to vector<16xf32>
      %swap3A_904 = vector.shape_cast %mul3A_899 : vector<16xf32> to vector<1x16xf32>
      tpu.vector_store %arg7[%swap3A_900, %swap3A_901], %swap3A_904 {strides = array<i32>} : memref<16x512xf32, #tpu.memory_space<vmem>>, vector<1x16xf32>,
      %mul3A_905 = arith.constant 2.000000e-02 : f32
      %mul3A_906 = vector.broadcast %mul3A_905 : f32 to vector<16xf32>
      %mul3A_907 = arith.mulf %scan3A_819#8, %mul3A_906 : vector<16xf32>
      %swap3A_908 = arith.index_cast %add3A_840 : i32 to index
      %swap3A_909 = arith.constant 128 : index
      %swap3A_910 = tpu.vector_load %arg7[%swap3A_908, %swap3A_909] {strides = array<i32>} : memref<16x512xf32, #tpu.memory_space<vmem>>, vector<1x16xf32>,
      %swap3A_911 = vector.shape_cast %swap3A_910 : vector<1x16xf32> to vector<16xf32>
      %swap3A_912 = vector.shape_cast %mul3A_907 : vector<16xf32> to vector<1x16xf32>
      tpu.vector_store %arg7[%swap3A_908, %swap3A_909], %swap3A_912 {strides = array<i32>} : memref<16x512xf32, #tpu.memory_space<vmem>>, vector<1x16xf32>,
      %mul3A_913 = arith.constant 2.000000e-02 : f32
      %mul3A_914 = vector.broadcast %mul3A_913 : f32 to vector<16xf32>
      %mul3A_915 = arith.mulf %scan3A_819#9, %mul3A_914 : vector<16xf32>
      %swap3A_916 = arith.index_cast %add3A_840 : i32 to index
      %swap3A_917 = arith.constant 144 : index
      %swap3A_918 = tpu.vector_load %arg7[%swap3A_916, %swap3A_917] {strides = array<i32>} : memref<16x512xf32, #tpu.memory_space<vmem>>, vector<1x16xf32>,
      %swap3A_919 = vector.shape_cast %swap3A_918 : vector<1x16xf32> to vector<16xf32>
      %swap3A_920 = vector.shape_cast %mul3A_915 : vector<16xf32> to vector<1x16xf32>
      tpu.vector_store %arg7[%swap3A_916, %swap3A_917], %swap3A_920 {strides = array<i32>} : memref<16x512xf32, #tpu.memory_space<vmem>>, vector<1x16xf32>,
      %mul3A_921 = arith.constant 2.000000e-02 : f32
      %mul3A_922 = vector.broadcast %mul3A_921 : f32 to vector<16xf32>
      %mul3A_923 = arith.mulf %scan3A_819#10, %mul3A_922 : vector<16xf32>
      %swap3A_924 = arith.index_cast %add3A_840 : i32 to index
      %swap3A_925 = arith.constant 160 : index
      %swap3A_926 = tpu.vector_load %arg7[%swap3A_924, %swap3A_925] {strides = array<i32>} : memref<16x512xf32, #tpu.memory_space<vmem>>, vector<1x16xf32>,
      %swap3A_927 = vector.shape_cast %swap3A_926 : vector<1x16xf32> to vector<16xf32>
      %swap3A_928 = vector.shape_cast %mul3A_923 : vector<16xf32> to vector<1x16xf32>
      tpu.vector_store %arg7[%swap3A_924, %swap3A_925], %swap3A_928 {strides = array<i32>} : memref<16x512xf32, #tpu.memory_space<vmem>>, vector<1x16xf32>,
      %mul3A_929 = arith.constant 2.000000e-02 : f32
      %mul3A_930 = vector.broadcast %mul3A_929 : f32 to vector<16xf32>
      %mul3A_931 = arith.mulf %scan3A_819#11, %mul3A_930 : vector<16xf32>
      %swap3A_932 = arith.index_cast %add3A_840 : i32 to index
      %swap3A_933 = arith.constant 176 : index
      %swap3A_934 = tpu.vector_load %arg7[%swap3A_932, %swap3A_933] {strides = array<i32>} : memref<16x512xf32, #tpu.memory_space<vmem>>, vector<1x16xf32>,
      %swap3A_935 = vector.shape_cast %swap3A_934 : vector<1x16xf32> to vector<16xf32>
      %swap3A_936 = vector.shape_cast %mul3A_931 : vector<16xf32> to vector<1x16xf32>
      tpu.vector_store %arg7[%swap3A_932, %swap3A_933], %swap3A_936 {strides = array<i32>} : memref<16x512xf32, #tpu.memory_space<vmem>>, vector<1x16xf32>,
      %mul3A_937 = arith.constant 2.000000e-02 : f32
      %mul3A_938 = vector.broadcast %mul3A_937 : f32 to vector<16xf32>
      %mul3A_939 = arith.mulf %scan3A_819#12, %mul3A_938 : vector<16xf32>
      %swap3A_940 = arith.index_cast %add3A_840 : i32 to index
      %swap3A_941 = arith.constant 192 : index
      %swap3A_942 = tpu.vector_load %arg7[%swap3A_940, %swap3A_941] {strides = array<i32>} : memref<16x512xf32, #tpu.memory_space<vmem>>, vector<1x16xf32>,
      %swap3A_943 = vector.shape_cast %swap3A_942 : vector<1x16xf32> to vector<16xf32>
      %swap3A_944 = vector.shape_cast %mul3A_939 : vector<16xf32> to vector<1x16xf32>
      tpu.vector_store %arg7[%swap3A_940, %swap3A_941], %swap3A_944 {strides = array<i32>} : memref<16x512xf32, #tpu.memory_space<vmem>>, vector<1x16xf32>,
      %mul3A_945 = arith.constant 2.000000e-02 : f32
      %mul3A_946 = vector.broadcast %mul3A_945 : f32 to vector<16xf32>
      %mul3A_947 = arith.mulf %scan3A_819#13, %mul3A_946 : vector<16xf32>
      %swap3A_948 = arith.index_cast %add3A_840 : i32 to index
      %swap3A_949 = arith.constant 208 : index
      %swap3A_950 = tpu.vector_load %arg7[%swap3A_948, %swap3A_949] {strides = array<i32>} : memref<16x512xf32, #tpu.memory_space<vmem>>, vector<1x16xf32>,
      %swap3A_951 = vector.shape_cast %swap3A_950 : vector<1x16xf32> to vector<16xf32>
      %swap3A_952 = vector.shape_cast %mul3A_947 : vector<16xf32> to vector<1x16xf32>
      tpu.vector_store %arg7[%swap3A_948, %swap3A_949], %swap3A_952 {strides = array<i32>} : memref<16x512xf32, #tpu.memory_space<vmem>>, vector<1x16xf32>,
      %mul3A_953 = arith.constant 2.000000e-02 : f32
      %mul3A_954 = vector.broadcast %mul3A_953 : f32 to vector<16xf32>
      %mul3A_955 = arith.mulf %scan3A_819#14, %mul3A_954 : vector<16xf32>
      %swap3A_956 = arith.index_cast %add3A_840 : i32 to index
      %swap3A_957 = arith.constant 224 : index
      %swap3A_958 = tpu.vector_load %arg7[%swap3A_956, %swap3A_957] {strides = array<i32>} : memref<16x512xf32, #tpu.memory_space<vmem>>, vector<1x16xf32>,
      %swap3A_959 = vector.shape_cast %swap3A_958 : vector<1x16xf32> to vector<16xf32>
      %swap3A_960 = vector.shape_cast %mul3A_955 : vector<16xf32> to vector<1x16xf32>
      tpu.vector_store %arg7[%swap3A_956, %swap3A_957], %swap3A_960 {strides = array<i32>} : memref<16x512xf32, #tpu.memory_space<vmem>>, vector<1x16xf32>,
      %mul3A_961 = arith.constant 2.000000e-02 : f32
      %mul3A_962 = vector.broadcast %mul3A_961 : f32 to vector<16xf32>
      %mul3A_963 = arith.mulf %scan3A_819#15, %mul3A_962 : vector<16xf32>
      %swap3A_964 = arith.index_cast %add3A_840 : i32 to index
      %swap3A_965 = arith.constant 240 : index
      %swap3A_966 = tpu.vector_load %arg7[%swap3A_964, %swap3A_965] {strides = array<i32>} : memref<16x512xf32, #tpu.memory_space<vmem>>, vector<1x16xf32>,
      %swap3A_967 = vector.shape_cast %swap3A_966 : vector<1x16xf32> to vector<16xf32>
      %swap3A_968 = vector.shape_cast %mul3A_963 : vector<16xf32> to vector<1x16xf32>
      tpu.vector_store %arg7[%swap3A_964, %swap3A_965], %swap3A_968 {strides = array<i32>} : memref<16x512xf32, #tpu.memory_space<vmem>>, vector<1x16xf32>,
      %mul3A_969 = arith.constant 2.000000e-02 : f32
      %mul3A_970 = vector.broadcast %mul3A_969 : f32 to vector<16xf32>
      %mul3A_971 = arith.mulf %scan3A_819#16, %mul3A_970 : vector<16xf32>
      %swap3A_972 = arith.index_cast %add3A_840 : i32 to index
      %swap3A_973 = arith.constant 256 : index
      %swap3A_974 = tpu.vector_load %arg7[%swap3A_972, %swap3A_973] {strides = array<i32>} : memref<16x512xf32, #tpu.memory_space<vmem>>, vector<1x16xf32>,
      %swap3A_975 = vector.shape_cast %swap3A_974 : vector<1x16xf32> to vector<16xf32>
      %swap3A_976 = vector.shape_cast %mul3A_971 : vector<16xf32> to vector<1x16xf32>
      tpu.vector_store %arg7[%swap3A_972, %swap3A_973], %swap3A_976 {strides = array<i32>} : memref<16x512xf32, #tpu.memory_space<vmem>>, vector<1x16xf32>,
      %mul3A_977 = arith.constant 2.000000e-02 : f32
      %mul3A_978 = vector.broadcast %mul3A_977 : f32 to vector<16xf32>
      %mul3A_979 = arith.mulf %scan3A_819#17, %mul3A_978 : vector<16xf32>
      %swap3A_980 = arith.index_cast %add3A_840 : i32 to index
      %swap3A_981 = arith.constant 272 : index
      %swap3A_982 = tpu.vector_load %arg7[%swap3A_980, %swap3A_981] {strides = array<i32>} : memref<16x512xf32, #tpu.memory_space<vmem>>, vector<1x16xf32>,
      %swap3A_983 = vector.shape_cast %swap3A_982 : vector<1x16xf32> to vector<16xf32>
      %swap3A_984 = vector.shape_cast %mul3A_979 : vector<16xf32> to vector<1x16xf32>
      tpu.vector_store %arg7[%swap3A_980, %swap3A_981], %swap3A_984 {strides = array<i32>} : memref<16x512xf32, #tpu.memory_space<vmem>>, vector<1x16xf32>,
      %mul3A_985 = arith.constant 2.000000e-02 : f32
      %mul3A_986 = vector.broadcast %mul3A_985 : f32 to vector<16xf32>
      %mul3A_987 = arith.mulf %scan3A_819#18, %mul3A_986 : vector<16xf32>
      %swap3A_988 = arith.index_cast %add3A_840 : i32 to index
      %swap3A_989 = arith.constant 288 : index
      %swap3A_990 = tpu.vector_load %arg7[%swap3A_988, %swap3A_989] {strides = array<i32>} : memref<16x512xf32, #tpu.memory_space<vmem>>, vector<1x16xf32>,
      %swap3A_991 = vector.shape_cast %swap3A_990 : vector<1x16xf32> to vector<16xf32>
      %swap3A_992 = vector.shape_cast %mul3A_987 : vector<16xf32> to vector<1x16xf32>
      tpu.vector_store %arg7[%swap3A_988, %swap3A_989], %swap3A_992 {strides = array<i32>} : memref<16x512xf32, #tpu.memory_space<vmem>>, vector<1x16xf32>,
      %mul3A_993 = arith.constant 2.000000e-02 : f32
      %mul3A_994 = vector.broadcast %mul3A_993 : f32 to vector<16xf32>
      %mul3A_995 = arith.mulf %scan3A_819#19, %mul3A_994 : vector<16xf32>
      %swap3A_996 = arith.index_cast %add3A_840 : i32 to index
      %swap3A_997 = arith.constant 304 : index
      %swap3A_998 = tpu.vector_load %arg7[%swap3A_996, %swap3A_997] {strides = array<i32>} : memref<16x512xf32, #tpu.memory_space<vmem>>, vector<1x16xf32>,
      %swap3A_999 = vector.shape_cast %swap3A_998 : vector<1x16xf32> to vector<16xf32>
      %swap3A_1000 = vector.shape_cast %mul3A_995 : vector<16xf32> to vector<1x16xf32>
      tpu.vector_store %arg7[%swap3A_996, %swap3A_997], %swap3A_1000 {strides = array<i32>} : memref<16x512xf32, #tpu.memory_space<vmem>>, vector<1x16xf32>,
      %mul3A_1001 = arith.constant 2.000000e-02 : f32
      %mul3A_1002 = vector.broadcast %mul3A_1001 : f32 to vector<16xf32>
      %mul3A_1003 = arith.mulf %scan3A_819#20, %mul3A_1002 : vector<16xf32>
      %swap3A_1004 = arith.index_cast %add3A_840 : i32 to index
      %swap3A_1005 = arith.constant 320 : index
      %swap3A_1006 = tpu.vector_load %arg7[%swap3A_1004, %swap3A_1005] {strides = array<i32>} : memref<16x512xf32, #tpu.memory_space<vmem>>, vector<1x16xf32>,
      %swap3A_1007 = vector.shape_cast %swap3A_1006 : vector<1x16xf32> to vector<16xf32>
      %swap3A_1008 = vector.shape_cast %mul3A_1003 : vector<16xf32> to vector<1x16xf32>
      tpu.vector_store %arg7[%swap3A_1004, %swap3A_1005], %swap3A_1008 {strides = array<i32>} : memref<16x512xf32, #tpu.memory_space<vmem>>, vector<1x16xf32>,
      %mul3A_1009 = arith.constant 2.000000e-02 : f32
      %mul3A_1010 = vector.broadcast %mul3A_1009 : f32 to vector<16xf32>
      %mul3A_1011 = arith.mulf %scan3A_819#21, %mul3A_1010 : vector<16xf32>
      %swap3A_1012 = arith.index_cast %add3A_840 : i32 to index
      %swap3A_1013 = arith.constant 336 : index
      %swap3A_1014 = tpu.vector_load %arg7[%swap3A_1012, %swap3A_1013] {strides = array<i32>} : memref<16x512xf32, #tpu.memory_space<vmem>>, vector<1x16xf32>,
      %swap3A_1015 = vector.shape_cast %swap3A_1014 : vector<1x16xf32> to vector<16xf32>
      %swap3A_1016 = vector.shape_cast %mul3A_1011 : vector<16xf32> to vector<1x16xf32>
      tpu.vector_store %arg7[%swap3A_1012, %swap3A_1013], %swap3A_1016 {strides = array<i32>} : memref<16x512xf32, #tpu.memory_space<vmem>>, vector<1x16xf32>,
      %mul3A_1017 = arith.constant 2.000000e-02 : f32
      %mul3A_1018 = vector.broadcast %mul3A_1017 : f32 to vector<16xf32>
      %mul3A_1019 = arith.mulf %scan3A_819#22, %mul3A_1018 : vector<16xf32>
      %swap3A_1020 = arith.index_cast %add3A_840 : i32 to index
      %swap3A_1021 = arith.constant 352 : index
      %swap3A_1022 = tpu.vector_load %arg7[%swap3A_1020, %swap3A_1021] {strides = array<i32>} : memref<16x512xf32, #tpu.memory_space<vmem>>, vector<1x16xf32>,
      %swap3A_1023 = vector.shape_cast %swap3A_1022 : vector<1x16xf32> to vector<16xf32>
      %swap3A_1024 = vector.shape_cast %mul3A_1019 : vector<16xf32> to vector<1x16xf32>
      tpu.vector_store %arg7[%swap3A_1020, %swap3A_1021], %swap3A_1024 {strides = array<i32>} : memref<16x512xf32, #tpu.memory_space<vmem>>, vector<1x16xf32>,
      %mul3A_1025 = arith.constant 2.000000e-02 : f32
      %mul3A_1026 = vector.broadcast %mul3A_1025 : f32 to vector<16xf32>
      %mul3A_1027 = arith.mulf %scan3A_819#23, %mul3A_1026 : vector<16xf32>
      %swap3A_1028 = arith.index_cast %add3A_840 : i32 to index
      %swap3A_1029 = arith.constant 368 : index
      %swap3A_1030 = tpu.vector_load %arg7[%swap3A_1028, %swap3A_1029] {strides = array<i32>} : memref<16x512xf32, #tpu.memory_space<vmem>>, vector<1x16xf32>,
      %swap3A_1031 = vector.shape_cast %swap3A_1030 : vector<1x16xf32> to vector<16xf32>
      %swap3A_1032 = vector.shape_cast %mul3A_1027 : vector<16xf32> to vector<1x16xf32>
      tpu.vector_store %arg7[%swap3A_1028, %swap3A_1029], %swap3A_1032 {strides = array<i32>} : memref<16x512xf32, #tpu.memory_space<vmem>>, vector<1x16xf32>,
      %mul3A_1033 = arith.constant 2.000000e-02 : f32
      %mul3A_1034 = vector.broadcast %mul3A_1033 : f32 to vector<16xf32>
      %mul3A_1035 = arith.mulf %scan3A_819#24, %mul3A_1034 : vector<16xf32>
      %swap3A_1036 = arith.index_cast %add3A_840 : i32 to index
      %swap3A_1037 = arith.constant 384 : index
      %swap3A_1038 = tpu.vector_load %arg7[%swap3A_1036, %swap3A_1037] {strides = array<i32>} : memref<16x512xf32, #tpu.memory_space<vmem>>, vector<1x16xf32>,
      %swap3A_1039 = vector.shape_cast %swap3A_1038 : vector<1x16xf32> to vector<16xf32>
      %swap3A_1040 = vector.shape_cast %mul3A_1035 : vector<16xf32> to vector<1x16xf32>
      tpu.vector_store %arg7[%swap3A_1036, %swap3A_1037], %swap3A_1040 {strides = array<i32>} : memref<16x512xf32, #tpu.memory_space<vmem>>, vector<1x16xf32>,
      %mul3A_1041 = arith.constant 2.000000e-02 : f32
      %mul3A_1042 = vector.broadcast %mul3A_1041 : f32 to vector<16xf32>
      %mul3A_1043 = arith.mulf %scan3A_819#25, %mul3A_1042 : vector<16xf32>
      %swap3A_1044 = arith.index_cast %add3A_840 : i32 to index
      %swap3A_1045 = arith.constant 400 : index
      %swap3A_1046 = tpu.vector_load %arg7[%swap3A_1044, %swap3A_1045] {strides = array<i32>} : memref<16x512xf32, #tpu.memory_space<vmem>>, vector<1x16xf32>,
      %swap3A_1047 = vector.shape_cast %swap3A_1046 : vector<1x16xf32> to vector<16xf32>
      %swap3A_1048 = vector.shape_cast %mul3A_1043 : vector<16xf32> to vector<1x16xf32>
      tpu.vector_store %arg7[%swap3A_1044, %swap3A_1045], %swap3A_1048 {strides = array<i32>} : memref<16x512xf32, #tpu.memory_space<vmem>>, vector<1x16xf32>,
      %mul3A_1049 = arith.constant 2.000000e-02 : f32
      %mul3A_1050 = vector.broadcast %mul3A_1049 : f32 to vector<16xf32>
      %mul3A_1051 = arith.mulf %scan3A_819#26, %mul3A_1050 : vector<16xf32>
      %swap3A_1052 = arith.index_cast %add3A_840 : i32 to index
      %swap3A_1053 = arith.constant 416 : index
      %swap3A_1054 = tpu.vector_load %arg7[%swap3A_1052, %swap3A_1053] {strides = array<i32>} : memref<16x512xf32, #tpu.memory_space<vmem>>, vector<1x16xf32>,
      %swap3A_1055 = vector.shape_cast %swap3A_1054 : vector<1x16xf32> to vector<16xf32>
      %swap3A_1056 = vector.shape_cast %mul3A_1051 : vector<16xf32> to vector<1x16xf32>
      tpu.vector_store %arg7[%swap3A_1052, %swap3A_1053], %swap3A_1056 {strides = array<i32>} : memref<16x512xf32, #tpu.memory_space<vmem>>, vector<1x16xf32>,
      %mul3A_1057 = arith.constant 2.000000e-02 : f32
      %mul3A_1058 = vector.broadcast %mul3A_1057 : f32 to vector<16xf32>
      %mul3A_1059 = arith.mulf %scan3A_819#27, %mul3A_1058 : vector<16xf32>
      %swap3A_1060 = arith.index_cast %add3A_840 : i32 to index
      %swap3A_1061 = arith.constant 432 : index
      %swap3A_1062 = tpu.vector_load %arg7[%swap3A_1060, %swap3A_1061] {strides = array<i32>} : memref<16x512xf32, #tpu.memory_space<vmem>>, vector<1x16xf32>,
      %swap3A_1063 = vector.shape_cast %swap3A_1062 : vector<1x16xf32> to vector<16xf32>
      %swap3A_1064 = vector.shape_cast %mul3A_1059 : vector<16xf32> to vector<1x16xf32>
      tpu.vector_store %arg7[%swap3A_1060, %swap3A_1061], %swap3A_1064 {strides = array<i32>} : memref<16x512xf32, #tpu.memory_space<vmem>>, vector<1x16xf32>,
      %mul3A_1065 = arith.constant 2.000000e-02 : f32
      %mul3A_1066 = vector.broadcast %mul3A_1065 : f32 to vector<16xf32>
      %mul3A_1067 = arith.mulf %scan3A_819#28, %mul3A_1066 : vector<16xf32>
      %swap3A_1068 = arith.index_cast %add3A_840 : i32 to index
      %swap3A_1069 = arith.constant 448 : index
      %swap3A_1070 = tpu.vector_load %arg7[%swap3A_1068, %swap3A_1069] {strides = array<i32>} : memref<16x512xf32, #tpu.memory_space<vmem>>, vector<1x16xf32>,
      %swap3A_1071 = vector.shape_cast %swap3A_1070 : vector<1x16xf32> to vector<16xf32>
      %swap3A_1072 = vector.shape_cast %mul3A_1067 : vector<16xf32> to vector<1x16xf32>
      tpu.vector_store %arg7[%swap3A_1068, %swap3A_1069], %swap3A_1072 {strides = array<i32>} : memref<16x512xf32, #tpu.memory_space<vmem>>, vector<1x16xf32>,
      %mul3A_1073 = arith.constant 2.000000e-02 : f32
      %mul3A_1074 = vector.broadcast %mul3A_1073 : f32 to vector<16xf32>
      %mul3A_1075 = arith.mulf %scan3A_819#29, %mul3A_1074 : vector<16xf32>
      %swap3A_1076 = arith.index_cast %add3A_840 : i32 to index
      %swap3A_1077 = arith.constant 464 : index
      %swap3A_1078 = tpu.vector_load %arg7[%swap3A_1076, %swap3A_1077] {strides = array<i32>} : memref<16x512xf32, #tpu.memory_space<vmem>>, vector<1x16xf32>,
      %swap3A_1079 = vector.shape_cast %swap3A_1078 : vector<1x16xf32> to vector<16xf32>
      %swap3A_1080 = vector.shape_cast %mul3A_1075 : vector<16xf32> to vector<1x16xf32>
      tpu.vector_store %arg7[%swap3A_1076, %swap3A_1077], %swap3A_1080 {strides = array<i32>} : memref<16x512xf32, #tpu.memory_space<vmem>>, vector<1x16xf32>,
      %mul3A_1081 = arith.constant 2.000000e-02 : f32
      %mul3A_1082 = vector.broadcast %mul3A_1081 : f32 to vector<16xf32>
      %mul3A_1083 = arith.mulf %scan3A_819#30, %mul3A_1082 : vector<16xf32>
      %swap3A_1084 = arith.index_cast %add3A_840 : i32 to index
      %swap3A_1085 = arith.constant 480 : index
      %swap3A_1086 = tpu.vector_load %arg7[%swap3A_1084, %swap3A_1085] {strides = array<i32>} : memref<16x512xf32, #tpu.memory_space<vmem>>, vector<1x16xf32>,
      %swap3A_1087 = vector.shape_cast %swap3A_1086 : vector<1x16xf32> to vector<16xf32>
      %swap3A_1088 = vector.shape_cast %mul3A_1083 : vector<16xf32> to vector<1x16xf32>
      tpu.vector_store %arg7[%swap3A_1084, %swap3A_1085], %swap3A_1088 {strides = array<i32>} : memref<16x512xf32, #tpu.memory_space<vmem>>, vector<1x16xf32>,
      %mul3A_1089 = arith.constant 2.000000e-02 : f32
      %mul3A_1090 = vector.broadcast %mul3A_1089 : f32 to vector<16xf32>
      %mul3A_1091 = arith.mulf %scan3A_819#31, %mul3A_1090 : vector<16xf32>
      %swap3A_1092 = arith.index_cast %add3A_840 : i32 to index
      %swap3A_1093 = arith.constant 496 : index
      %swap3A_1094 = tpu.vector_load %arg7[%swap3A_1092, %swap3A_1093] {strides = array<i32>} : memref<16x512xf32, #tpu.memory_space<vmem>>, vector<1x16xf32>,
      %swap3A_1095 = vector.shape_cast %swap3A_1094 : vector<1x16xf32> to vector<16xf32>
      %swap3A_1096 = vector.shape_cast %mul3A_1091 : vector<16xf32> to vector<1x16xf32>
      tpu.vector_store %arg7[%swap3A_1092, %swap3A_1093], %swap3A_1096 {strides = array<i32>} : memref<16x512xf32, #tpu.memory_space<vmem>>, vector<1x16xf32>,
      %broadcast_in_dim3A_1097 = arith.constant 0.000000e+00 : f32
      %broadcast_in_dim3A_1098 = vector.broadcast %broadcast_in_dim3A_1097 : f32 to vector<16xf32>
      %broadcast_in_dim3A_1099 = arith.constant 0.000000e+00 : f32
      %broadcast_in_dim3A_1100 = vector.broadcast %broadcast_in_dim3A_1099 : f32 to vector<16xf32>
      %broadcast_in_dim3A_1101 = arith.constant 0.000000e+00 : f32
      %broadcast_in_dim3A_1102 = vector.broadcast %broadcast_in_dim3A_1101 : f32 to vector<16xf32>
      %broadcast_in_dim3A_1103 = arith.constant 0.000000e+00 : f32
      %broadcast_in_dim3A_1104 = vector.broadcast %broadcast_in_dim3A_1103 : f32 to vector<16xf32>
      %broadcast_in_dim3A_1105 = arith.constant 0.000000e+00 : f32
      %broadcast_in_dim3A_1106 = vector.broadcast %broadcast_in_dim3A_1105 : f32 to vector<16xf32>
      %broadcast_in_dim3A_1107 = arith.constant 0.000000e+00 : f32
      %broadcast_in_dim3A_1108 = vector.broadcast %broadcast_in_dim3A_1107 : f32 to vector<16xf32>
      %broadcast_in_dim3A_1109 = arith.constant 0.000000e+00 : f32
      %broadcast_in_dim3A_1110 = vector.broadcast %broadcast_in_dim3A_1109 : f32 to vector<16xf32>
      %broadcast_in_dim3A_1111 = arith.constant 0.000000e+00 : f32
      %broadcast_in_dim3A_1112 = vector.broadcast %broadcast_in_dim3A_1111 : f32 to vector<16xf32>
      %broadcast_in_dim3A_1113 = arith.constant 0.000000e+00 : f32
      %broadcast_in_dim3A_1114 = vector.broadcast %broadcast_in_dim3A_1113 : f32 to vector<16xf32>
      %broadcast_in_dim3A_1115 = arith.constant 0.000000e+00 : f32
      %broadcast_in_dim3A_1116 = vector.broadcast %broadcast_in_dim3A_1115 : f32 to vector<16xf32>
      %broadcast_in_dim3A_1117 = arith.constant 0.000000e+00 : f32
      %broadcast_in_dim3A_1118 = vector.broadcast %broadcast_in_dim3A_1117 : f32 to vector<16xf32>
      %broadcast_in_dim3A_1119 = arith.constant 0.000000e+00 : f32
      %broadcast_in_dim3A_1120 = vector.broadcast %broadcast_in_dim3A_1119 : f32 to vector<16xf32>
      %broadcast_in_dim3A_1121 = arith.constant 0.000000e+00 : f32
      %broadcast_in_dim3A_1122 = vector.broadcast %broadcast_in_dim3A_1121 : f32 to vector<16xf32>
      %broadcast_in_dim3A_1123 = arith.constant 0.000000e+00 : f32
      %broadcast_in_dim3A_1124 = vector.broadcast %broadcast_in_dim3A_1123 : f32 to vector<16xf32>
      %broadcast_in_dim3A_1125 = arith.constant 0.000000e+00 : f32
      %broadcast_in_dim3A_1126 = vector.broadcast %broadcast_in_dim3A_1125 : f32 to vector<16xf32>
      %broadcast_in_dim3A_1127 = arith.constant 0.000000e+00 : f32
      %broadcast_in_dim3A_1128 = vector.broadcast %broadcast_in_dim3A_1127 : f32 to vector<16xf32>
      %broadcast_in_dim3A_1129 = arith.constant 0.000000e+00 : f32
      %broadcast_in_dim3A_1130 = vector.broadcast %broadcast_in_dim3A_1129 : f32 to vector<16xf32>
      %broadcast_in_dim3A_1131 = arith.constant 0.000000e+00 : f32
      %broadcast_in_dim3A_1132 = vector.broadcast %broadcast_in_dim3A_1131 : f32 to vector<16xf32>
      %broadcast_in_dim3A_1133 = arith.constant 0.000000e+00 : f32
      %broadcast_in_dim3A_1134 = vector.broadcast %broadcast_in_dim3A_1133 : f32 to vector<16xf32>
      %broadcast_in_dim3A_1135 = arith.constant 0.000000e+00 : f32
      %broadcast_in_dim3A_1136 = vector.broadcast %broadcast_in_dim3A_1135 : f32 to vector<16xf32>
      %broadcast_in_dim3A_1137 = arith.constant 0.000000e+00 : f32
      %broadcast_in_dim3A_1138 = vector.broadcast %broadcast_in_dim3A_1137 : f32 to vector<16xf32>
      %broadcast_in_dim3A_1139 = arith.constant 0.000000e+00 : f32
      %broadcast_in_dim3A_1140 = vector.broadcast %broadcast_in_dim3A_1139 : f32 to vector<16xf32>
      %broadcast_in_dim3A_1141 = arith.constant 0.000000e+00 : f32
      %broadcast_in_dim3A_1142 = vector.broadcast %broadcast_in_dim3A_1141 : f32 to vector<16xf32>
      %broadcast_in_dim3A_1143 = arith.constant 0.000000e+00 : f32
      %broadcast_in_dim3A_1144 = vector.broadcast %broadcast_in_dim3A_1143 : f32 to vector<16xf32>
      %broadcast_in_dim3A_1145 = arith.constant 0.000000e+00 : f32
      %broadcast_in_dim3A_1146 = vector.broadcast %broadcast_in_dim3A_1145 : f32 to vector<16xf32>
      %broadcast_in_dim3A_1147 = arith.constant 0.000000e+00 : f32
      %broadcast_in_dim3A_1148 = vector.broadcast %broadcast_in_dim3A_1147 : f32 to vector<16xf32>
      %broadcast_in_dim3A_1149 = arith.constant 0.000000e+00 : f32
      %broadcast_in_dim3A_1150 = vector.broadcast %broadcast_in_dim3A_1149 : f32 to vector<16xf32>
      %broadcast_in_dim3A_1151 = arith.constant 0.000000e+00 : f32
      %broadcast_in_dim3A_1152 = vector.broadcast %broadcast_in_dim3A_1151 : f32 to vector<16xf32>
      %broadcast_in_dim3A_1153 = arith.constant 0.000000e+00 : f32
      %broadcast_in_dim3A_1154 = vector.broadcast %broadcast_in_dim3A_1153 : f32 to vector<16xf32>
      %broadcast_in_dim3A_1155 = arith.constant 0.000000e+00 : f32
      %broadcast_in_dim3A_1156 = vector.broadcast %broadcast_in_dim3A_1155 : f32 to vector<16xf32>
      %broadcast_in_dim3A_1157 = arith.constant 0.000000e+00 : f32
      %broadcast_in_dim3A_1158 = vector.broadcast %broadcast_in_dim3A_1157 : f32 to vector<16xf32>
      %broadcast_in_dim3A_1159 = arith.constant 0.000000e+00 : f32
      %broadcast_in_dim3A_1160 = vector.broadcast %broadcast_in_dim3A_1159 : f32 to vector<16xf32>
      %scan3A_1161 = arith.constant 50 : i32
      %scan3A_1162 = arith.constant 50 : i32
      %scan3A_1163 = arith.addi %scan3A_1161, %scan3A_1162 : i32
      %scan3A_1164 = arith.constant 1 : i32
      %scan3A_1165:32 = scf.for %scan3A_1470 = %scan3A_1161 to %scan3A_1163 step %scan3A_1164 iter_args(%scan3A_1471 = %broadcast_in_dim3A_1098, %scan3A_1472 = %broadcast_in_dim3A_1100, %scan3A_1473 = %broadcast_in_dim3A_1102, %scan3A_1474 = %broadcast_in_dim3A_1104, %scan3A_1475 = %broadcast_in_dim3A_1106, %scan3A_1476 = %broadcast_in_dim3A_1108, %scan3A_1477 = %broadcast_in_dim3A_1110, %scan3A_1478 = %broadcast_in_dim3A_1112, %scan3A_1479 = %broadcast_in_dim3A_1114, %scan3A_1480 = %broadcast_in_dim3A_1116, %scan3A_1481 = %broadcast_in_dim3A_1118, %scan3A_1482 = %broadcast_in_dim3A_1120, %scan3A_1483 = %broadcast_in_dim3A_1122, %scan3A_1484 = %broadcast_in_dim3A_1124, %scan3A_1485 = %broadcast_in_dim3A_1126, %scan3A_1486 = %broadcast_in_dim3A_1128, %scan3A_1487 = %broadcast_in_dim3A_1130, %scan3A_1488 = %broadcast_in_dim3A_1132, %scan3A_1489 = %broadcast_in_dim3A_1134, %scan3A_1490 = %broadcast_in_dim3A_1136, %scan3A_1491 = %broadcast_in_dim3A_1138, %scan3A_1492 = %broadcast_in_dim3A_1140, %scan3A_1493 = %broadcast_in_dim3A_1142, %scan3A_1494 = %broadcast_in_dim3A_1144, %scan3A_1495 = %broadcast_in_dim3A_1146, %scan3A_1496 = %broadcast_in_dim3A_1148, %scan3A_1497 = %broadcast_in_dim3A_1150, %scan3A_1498 = %broadcast_in_dim3A_1152, %scan3A_1499 = %broadcast_in_dim3A_1154, %scan3A_1500 = %broadcast_in_dim3A_1156, %scan3A_1501 = %broadcast_in_dim3A_1158, %scan3A_1502 = %broadcast_in_dim3A_1160) -> (vector<16xf32>, vector<16xf32>, vector<16xf32>, vector<16xf32>, vector<16xf32>, vector<16xf32>, vector<16xf32>, vector<16xf32>, vector<16xf32>, vector<16xf32>, vector<16xf32>, vector<16xf32>, vector<16xf32>, vector<16xf32>, vector<16xf32>, vector<16xf32>, vector<16xf32>, vector<16xf32>, vector<16xf32>, vector<16xf32>, vector<16xf32>, vector<16xf32>, vector<16xf32>, vector<16xf32>, vector<16xf32>, vector<16xf32>, vector<16xf32>, vector<16xf32>, vector<16xf32>, vector<16xf32>, vector<16xf32>, vector<16xf32>)  : i32 {
        %get3A = arith.constant 1 : i32
        %get3A_1503 = arith.index_cast %get3A : i32 to index
        %get3A_1504 = arith.index_cast %scan3A_1470 : i32 to index
        %get3A_1505 = arith.constant 0 : index
        %get3A_1506 = tpu.vector_load %arg6[%get3A_1503, %get3A_1504, %get3A_1505] {strides = array<i32>} : memref<2x104x512xf32, #tpu.memory_space<vmem>>, vector<1x1x16xf32>,
        %get3A_1507 = vector.shape_cast %get3A_1506 : vector<1x1x16xf32> to vector<16xf32>
        %add3A_1508 = arith.addf %scan3A_1471, %get3A_1507 : vector<16xf32>
        %get3A_1509 = arith.constant 1 : i32
        %get3A_1510 = arith.index_cast %get3A_1509 : i32 to index
        %get3A_1511 = arith.index_cast %scan3A_1470 : i32 to index
        %get3A_1512 = arith.constant 16 : index
        %get3A_1513 = tpu.vector_load %arg6[%get3A_1510, %get3A_1511, %get3A_1512] {strides = array<i32>} : memref<2x104x512xf32, #tpu.memory_space<vmem>>, vector<1x1x16xf32>,
        %get3A_1514 = vector.shape_cast %get3A_1513 : vector<1x1x16xf32> to vector<16xf32>
        %add3A_1515 = arith.addf %scan3A_1472, %get3A_1514 : vector<16xf32>
        %get3A_1516 = arith.constant 1 : i32
        %get3A_1517 = arith.index_cast %get3A_1516 : i32 to index
        %get3A_1518 = arith.index_cast %scan3A_1470 : i32 to index
        %get3A_1519 = arith.constant 32 : index
        %get3A_1520 = tpu.vector_load %arg6[%get3A_1517, %get3A_1518, %get3A_1519] {strides = array<i32>} : memref<2x104x512xf32, #tpu.memory_space<vmem>>, vector<1x1x16xf32>,
        %get3A_1521 = vector.shape_cast %get3A_1520 : vector<1x1x16xf32> to vector<16xf32>
        %add3A_1522 = arith.addf %scan3A_1473, %get3A_1521 : vector<16xf32>
        %get3A_1523 = arith.constant 1 : i32
        %get3A_1524 = arith.index_cast %get3A_1523 : i32 to index
        %get3A_1525 = arith.index_cast %scan3A_1470 : i32 to index
        %get3A_1526 = arith.constant 48 : index
        %get3A_1527 = tpu.vector_load %arg6[%get3A_1524, %get3A_1525, %get3A_1526] {strides = array<i32>} : memref<2x104x512xf32, #tpu.memory_space<vmem>>, vector<1x1x16xf32>,
        %get3A_1528 = vector.shape_cast %get3A_1527 : vector<1x1x16xf32> to vector<16xf32>
        %add3A_1529 = arith.addf %scan3A_1474, %get3A_1528 : vector<16xf32>
        %get3A_1530 = arith.constant 1 : i32
        %get3A_1531 = arith.index_cast %get3A_1530 : i32 to index
        %get3A_1532 = arith.index_cast %scan3A_1470 : i32 to index
        %get3A_1533 = arith.constant 64 : index
        %get3A_1534 = tpu.vector_load %arg6[%get3A_1531, %get3A_1532, %get3A_1533] {strides = array<i32>} : memref<2x104x512xf32, #tpu.memory_space<vmem>>, vector<1x1x16xf32>,
        %get3A_1535 = vector.shape_cast %get3A_1534 : vector<1x1x16xf32> to vector<16xf32>
        %add3A_1536 = arith.addf %scan3A_1475, %get3A_1535 : vector<16xf32>
        %get3A_1537 = arith.constant 1 : i32
        %get3A_1538 = arith.index_cast %get3A_1537 : i32 to index
        %get3A_1539 = arith.index_cast %scan3A_1470 : i32 to index
        %get3A_1540 = arith.constant 80 : index
        %get3A_1541 = tpu.vector_load %arg6[%get3A_1538, %get3A_1539, %get3A_1540] {strides = array<i32>} : memref<2x104x512xf32, #tpu.memory_space<vmem>>, vector<1x1x16xf32>,
        %get3A_1542 = vector.shape_cast %get3A_1541 : vector<1x1x16xf32> to vector<16xf32>
        %add3A_1543 = arith.addf %scan3A_1476, %get3A_1542 : vector<16xf32>
        %get3A_1544 = arith.constant 1 : i32
        %get3A_1545 = arith.index_cast %get3A_1544 : i32 to index
        %get3A_1546 = arith.index_cast %scan3A_1470 : i32 to index
        %get3A_1547 = arith.constant 96 : index
        %get3A_1548 = tpu.vector_load %arg6[%get3A_1545, %get3A_1546, %get3A_1547] {strides = array<i32>} : memref<2x104x512xf32, #tpu.memory_space<vmem>>, vector<1x1x16xf32>,
        %get3A_1549 = vector.shape_cast %get3A_1548 : vector<1x1x16xf32> to vector<16xf32>
        %add3A_1550 = arith.addf %scan3A_1477, %get3A_1549 : vector<16xf32>
        %get3A_1551 = arith.constant 1 : i32
        %get3A_1552 = arith.index_cast %get3A_1551 : i32 to index
        %get3A_1553 = arith.index_cast %scan3A_1470 : i32 to index
        %get3A_1554 = arith.constant 112 : index
        %get3A_1555 = tpu.vector_load %arg6[%get3A_1552, %get3A_1553, %get3A_1554] {strides = array<i32>} : memref<2x104x512xf32, #tpu.memory_space<vmem>>, vector<1x1x16xf32>,
        %get3A_1556 = vector.shape_cast %get3A_1555 : vector<1x1x16xf32> to vector<16xf32>
        %add3A_1557 = arith.addf %scan3A_1478, %get3A_1556 : vector<16xf32>
        %get3A_1558 = arith.constant 1 : i32
        %get3A_1559 = arith.index_cast %get3A_1558 : i32 to index
        %get3A_1560 = arith.index_cast %scan3A_1470 : i32 to index
        %get3A_1561 = arith.constant 128 : index
        %get3A_1562 = tpu.vector_load %arg6[%get3A_1559, %get3A_1560, %get3A_1561] {strides = array<i32>} : memref<2x104x512xf32, #tpu.memory_space<vmem>>, vector<1x1x16xf32>,
        %get3A_1563 = vector.shape_cast %get3A_1562 : vector<1x1x16xf32> to vector<16xf32>
        %add3A_1564 = arith.addf %scan3A_1479, %get3A_1563 : vector<16xf32>
        %get3A_1565 = arith.constant 1 : i32
        %get3A_1566 = arith.index_cast %get3A_1565 : i32 to index
        %get3A_1567 = arith.index_cast %scan3A_1470 : i32 to index
        %get3A_1568 = arith.constant 144 : index
        %get3A_1569 = tpu.vector_load %arg6[%get3A_1566, %get3A_1567, %get3A_1568] {strides = array<i32>} : memref<2x104x512xf32, #tpu.memory_space<vmem>>, vector<1x1x16xf32>,
        %get3A_1570 = vector.shape_cast %get3A_1569 : vector<1x1x16xf32> to vector<16xf32>
        %add3A_1571 = arith.addf %scan3A_1480, %get3A_1570 : vector<16xf32>
        %get3A_1572 = arith.constant 1 : i32
        %get3A_1573 = arith.index_cast %get3A_1572 : i32 to index
        %get3A_1574 = arith.index_cast %scan3A_1470 : i32 to index
        %get3A_1575 = arith.constant 160 : index
        %get3A_1576 = tpu.vector_load %arg6[%get3A_1573, %get3A_1574, %get3A_1575] {strides = array<i32>} : memref<2x104x512xf32, #tpu.memory_space<vmem>>, vector<1x1x16xf32>,
        %get3A_1577 = vector.shape_cast %get3A_1576 : vector<1x1x16xf32> to vector<16xf32>
        %add3A_1578 = arith.addf %scan3A_1481, %get3A_1577 : vector<16xf32>
        %get3A_1579 = arith.constant 1 : i32
        %get3A_1580 = arith.index_cast %get3A_1579 : i32 to index
        %get3A_1581 = arith.index_cast %scan3A_1470 : i32 to index
        %get3A_1582 = arith.constant 176 : index
        %get3A_1583 = tpu.vector_load %arg6[%get3A_1580, %get3A_1581, %get3A_1582] {strides = array<i32>} : memref<2x104x512xf32, #tpu.memory_space<vmem>>, vector<1x1x16xf32>,
        %get3A_1584 = vector.shape_cast %get3A_1583 : vector<1x1x16xf32> to vector<16xf32>
        %add3A_1585 = arith.addf %scan3A_1482, %get3A_1584 : vector<16xf32>
        %get3A_1586 = arith.constant 1 : i32
        %get3A_1587 = arith.index_cast %get3A_1586 : i32 to index
        %get3A_1588 = arith.index_cast %scan3A_1470 : i32 to index
        %get3A_1589 = arith.constant 192 : index
        %get3A_1590 = tpu.vector_load %arg6[%get3A_1587, %get3A_1588, %get3A_1589] {strides = array<i32>} : memref<2x104x512xf32, #tpu.memory_space<vmem>>, vector<1x1x16xf32>,
        %get3A_1591 = vector.shape_cast %get3A_1590 : vector<1x1x16xf32> to vector<16xf32>
        %add3A_1592 = arith.addf %scan3A_1483, %get3A_1591 : vector<16xf32>
        %get3A_1593 = arith.constant 1 : i32
        %get3A_1594 = arith.index_cast %get3A_1593 : i32 to index
        %get3A_1595 = arith.index_cast %scan3A_1470 : i32 to index
        %get3A_1596 = arith.constant 208 : index
        %get3A_1597 = tpu.vector_load %arg6[%get3A_1594, %get3A_1595, %get3A_1596] {strides = array<i32>} : memref<2x104x512xf32, #tpu.memory_space<vmem>>, vector<1x1x16xf32>,
        %get3A_1598 = vector.shape_cast %get3A_1597 : vector<1x1x16xf32> to vector<16xf32>
        %add3A_1599 = arith.addf %scan3A_1484, %get3A_1598 : vector<16xf32>
        %get3A_1600 = arith.constant 1 : i32
        %get3A_1601 = arith.index_cast %get3A_1600 : i32 to index
        %get3A_1602 = arith.index_cast %scan3A_1470 : i32 to index
        %get3A_1603 = arith.constant 224 : index
        %get3A_1604 = tpu.vector_load %arg6[%get3A_1601, %get3A_1602, %get3A_1603] {strides = array<i32>} : memref<2x104x512xf32, #tpu.memory_space<vmem>>, vector<1x1x16xf32>,
        %get3A_1605 = vector.shape_cast %get3A_1604 : vector<1x1x16xf32> to vector<16xf32>
        %add3A_1606 = arith.addf %scan3A_1485, %get3A_1605 : vector<16xf32>
        %get3A_1607 = arith.constant 1 : i32
        %get3A_1608 = arith.index_cast %get3A_1607 : i32 to index
        %get3A_1609 = arith.index_cast %scan3A_1470 : i32 to index
        %get3A_1610 = arith.constant 240 : index
        %get3A_1611 = tpu.vector_load %arg6[%get3A_1608, %get3A_1609, %get3A_1610] {strides = array<i32>} : memref<2x104x512xf32, #tpu.memory_space<vmem>>, vector<1x1x16xf32>,
        %get3A_1612 = vector.shape_cast %get3A_1611 : vector<1x1x16xf32> to vector<16xf32>
        %add3A_1613 = arith.addf %scan3A_1486, %get3A_1612 : vector<16xf32>
        %get3A_1614 = arith.constant 1 : i32
        %get3A_1615 = arith.index_cast %get3A_1614 : i32 to index
        %get3A_1616 = arith.index_cast %scan3A_1470 : i32 to index
        %get3A_1617 = arith.constant 256 : index
        %get3A_1618 = tpu.vector_load %arg6[%get3A_1615, %get3A_1616, %get3A_1617] {strides = array<i32>} : memref<2x104x512xf32, #tpu.memory_space<vmem>>, vector<1x1x16xf32>,
        %get3A_1619 = vector.shape_cast %get3A_1618 : vector<1x1x16xf32> to vector<16xf32>
        %add3A_1620 = arith.addf %scan3A_1487, %get3A_1619 : vector<16xf32>
        %get3A_1621 = arith.constant 1 : i32
        %get3A_1622 = arith.index_cast %get3A_1621 : i32 to index
        %get3A_1623 = arith.index_cast %scan3A_1470 : i32 to index
        %get3A_1624 = arith.constant 272 : index
        %get3A_1625 = tpu.vector_load %arg6[%get3A_1622, %get3A_1623, %get3A_1624] {strides = array<i32>} : memref<2x104x512xf32, #tpu.memory_space<vmem>>, vector<1x1x16xf32>,
        %get3A_1626 = vector.shape_cast %get3A_1625 : vector<1x1x16xf32> to vector<16xf32>
        %add3A_1627 = arith.addf %scan3A_1488, %get3A_1626 : vector<16xf32>
        %get3A_1628 = arith.constant 1 : i32
        %get3A_1629 = arith.index_cast %get3A_1628 : i32 to index
        %get3A_1630 = arith.index_cast %scan3A_1470 : i32 to index
        %get3A_1631 = arith.constant 288 : index
        %get3A_1632 = tpu.vector_load %arg6[%get3A_1629, %get3A_1630, %get3A_1631] {strides = array<i32>} : memref<2x104x512xf32, #tpu.memory_space<vmem>>, vector<1x1x16xf32>,
        %get3A_1633 = vector.shape_cast %get3A_1632 : vector<1x1x16xf32> to vector<16xf32>
        %add3A_1634 = arith.addf %scan3A_1489, %get3A_1633 : vector<16xf32>
        %get3A_1635 = arith.constant 1 : i32
        %get3A_1636 = arith.index_cast %get3A_1635 : i32 to index
        %get3A_1637 = arith.index_cast %scan3A_1470 : i32 to index
        %get3A_1638 = arith.constant 304 : index
        %get3A_1639 = tpu.vector_load %arg6[%get3A_1636, %get3A_1637, %get3A_1638] {strides = array<i32>} : memref<2x104x512xf32, #tpu.memory_space<vmem>>, vector<1x1x16xf32>,
        %get3A_1640 = vector.shape_cast %get3A_1639 : vector<1x1x16xf32> to vector<16xf32>
        %add3A_1641 = arith.addf %scan3A_1490, %get3A_1640 : vector<16xf32>
        %get3A_1642 = arith.constant 1 : i32
        %get3A_1643 = arith.index_cast %get3A_1642 : i32 to index
        %get3A_1644 = arith.index_cast %scan3A_1470 : i32 to index
        %get3A_1645 = arith.constant 320 : index
        %get3A_1646 = tpu.vector_load %arg6[%get3A_1643, %get3A_1644, %get3A_1645] {strides = array<i32>} : memref<2x104x512xf32, #tpu.memory_space<vmem>>, vector<1x1x16xf32>,
        %get3A_1647 = vector.shape_cast %get3A_1646 : vector<1x1x16xf32> to vector<16xf32>
        %add3A_1648 = arith.addf %scan3A_1491, %get3A_1647 : vector<16xf32>
        %get3A_1649 = arith.constant 1 : i32
        %get3A_1650 = arith.index_cast %get3A_1649 : i32 to index
        %get3A_1651 = arith.index_cast %scan3A_1470 : i32 to index
        %get3A_1652 = arith.constant 336 : index
        %get3A_1653 = tpu.vector_load %arg6[%get3A_1650, %get3A_1651, %get3A_1652] {strides = array<i32>} : memref<2x104x512xf32, #tpu.memory_space<vmem>>, vector<1x1x16xf32>,
        %get3A_1654 = vector.shape_cast %get3A_1653 : vector<1x1x16xf32> to vector<16xf32>
        %add3A_1655 = arith.addf %scan3A_1492, %get3A_1654 : vector<16xf32>
        %get3A_1656 = arith.constant 1 : i32
        %get3A_1657 = arith.index_cast %get3A_1656 : i32 to index
        %get3A_1658 = arith.index_cast %scan3A_1470 : i32 to index
        %get3A_1659 = arith.constant 352 : index
        %get3A_1660 = tpu.vector_load %arg6[%get3A_1657, %get3A_1658, %get3A_1659] {strides = array<i32>} : memref<2x104x512xf32, #tpu.memory_space<vmem>>, vector<1x1x16xf32>,
        %get3A_1661 = vector.shape_cast %get3A_1660 : vector<1x1x16xf32> to vector<16xf32>
        %add3A_1662 = arith.addf %scan3A_1493, %get3A_1661 : vector<16xf32>
        %get3A_1663 = arith.constant 1 : i32
        %get3A_1664 = arith.index_cast %get3A_1663 : i32 to index
        %get3A_1665 = arith.index_cast %scan3A_1470 : i32 to index
        %get3A_1666 = arith.constant 368 : index
        %get3A_1667 = tpu.vector_load %arg6[%get3A_1664, %get3A_1665, %get3A_1666] {strides = array<i32>} : memref<2x104x512xf32, #tpu.memory_space<vmem>>, vector<1x1x16xf32>,
        %get3A_1668 = vector.shape_cast %get3A_1667 : vector<1x1x16xf32> to vector<16xf32>
        %add3A_1669 = arith.addf %scan3A_1494, %get3A_1668 : vector<16xf32>
        %get3A_1670 = arith.constant 1 : i32
        %get3A_1671 = arith.index_cast %get3A_1670 : i32 to index
        %get3A_1672 = arith.index_cast %scan3A_1470 : i32 to index
        %get3A_1673 = arith.constant 384 : index
        %get3A_1674 = tpu.vector_load %arg6[%get3A_1671, %get3A_1672, %get3A_1673] {strides = array<i32>} : memref<2x104x512xf32, #tpu.memory_space<vmem>>, vector<1x1x16xf32>,
        %get3A_1675 = vector.shape_cast %get3A_1674 : vector<1x1x16xf32> to vector<16xf32>
        %add3A_1676 = arith.addf %scan3A_1495, %get3A_1675 : vector<16xf32>
        %get3A_1677 = arith.constant 1 : i32
        %get3A_1678 = arith.index_cast %get3A_1677 : i32 to index
        %get3A_1679 = arith.index_cast %scan3A_1470 : i32 to index
        %get3A_1680 = arith.constant 400 : index
        %get3A_1681 = tpu.vector_load %arg6[%get3A_1678, %get3A_1679, %get3A_1680] {strides = array<i32>} : memref<2x104x512xf32, #tpu.memory_space<vmem>>, vector<1x1x16xf32>,
        %get3A_1682 = vector.shape_cast %get3A_1681 : vector<1x1x16xf32> to vector<16xf32>
        %add3A_1683 = arith.addf %scan3A_1496, %get3A_1682 : vector<16xf32>
        %get3A_1684 = arith.constant 1 : i32
        %get3A_1685 = arith.index_cast %get3A_1684 : i32 to index
        %get3A_1686 = arith.index_cast %scan3A_1470 : i32 to index
        %get3A_1687 = arith.constant 416 : index
        %get3A_1688 = tpu.vector_load %arg6[%get3A_1685, %get3A_1686, %get3A_1687] {strides = array<i32>} : memref<2x104x512xf32, #tpu.memory_space<vmem>>, vector<1x1x16xf32>,
        %get3A_1689 = vector.shape_cast %get3A_1688 : vector<1x1x16xf32> to vector<16xf32>
        %add3A_1690 = arith.addf %scan3A_1497, %get3A_1689 : vector<16xf32>
        %get3A_1691 = arith.constant 1 : i32
        %get3A_1692 = arith.index_cast %get3A_1691 : i32 to index
        %get3A_1693 = arith.index_cast %scan3A_1470 : i32 to index
        %get3A_1694 = arith.constant 432 : index
        %get3A_1695 = tpu.vector_load %arg6[%get3A_1692, %get3A_1693, %get3A_1694] {strides = array<i32>} : memref<2x104x512xf32, #tpu.memory_space<vmem>>, vector<1x1x16xf32>,
        %get3A_1696 = vector.shape_cast %get3A_1695 : vector<1x1x16xf32> to vector<16xf32>
        %add3A_1697 = arith.addf %scan3A_1498, %get3A_1696 : vector<16xf32>
        %get3A_1698 = arith.constant 1 : i32
        %get3A_1699 = arith.index_cast %get3A_1698 : i32 to index
        %get3A_1700 = arith.index_cast %scan3A_1470 : i32 to index
        %get3A_1701 = arith.constant 448 : index
        %get3A_1702 = tpu.vector_load %arg6[%get3A_1699, %get3A_1700, %get3A_1701] {strides = array<i32>} : memref<2x104x512xf32, #tpu.memory_space<vmem>>, vector<1x1x16xf32>,
        %get3A_1703 = vector.shape_cast %get3A_1702 : vector<1x1x16xf32> to vector<16xf32>
        %add3A_1704 = arith.addf %scan3A_1499, %get3A_1703 : vector<16xf32>
        %get3A_1705 = arith.constant 1 : i32
        %get3A_1706 = arith.index_cast %get3A_1705 : i32 to index
        %get3A_1707 = arith.index_cast %scan3A_1470 : i32 to index
        %get3A_1708 = arith.constant 464 : index
        %get3A_1709 = tpu.vector_load %arg6[%get3A_1706, %get3A_1707, %get3A_1708] {strides = array<i32>} : memref<2x104x512xf32, #tpu.memory_space<vmem>>, vector<1x1x16xf32>,
        %get3A_1710 = vector.shape_cast %get3A_1709 : vector<1x1x16xf32> to vector<16xf32>
        %add3A_1711 = arith.addf %scan3A_1500, %get3A_1710 : vector<16xf32>
        %get3A_1712 = arith.constant 1 : i32
        %get3A_1713 = arith.index_cast %get3A_1712 : i32 to index
        %get3A_1714 = arith.index_cast %scan3A_1470 : i32 to index
        %get3A_1715 = arith.constant 480 : index
        %get3A_1716 = tpu.vector_load %arg6[%get3A_1713, %get3A_1714, %get3A_1715] {strides = array<i32>} : memref<2x104x512xf32, #tpu.memory_space<vmem>>, vector<1x1x16xf32>,
        %get3A_1717 = vector.shape_cast %get3A_1716 : vector<1x1x16xf32> to vector<16xf32>
        %add3A_1718 = arith.addf %scan3A_1501, %get3A_1717 : vector<16xf32>
        %get3A_1719 = arith.constant 1 : i32
        %get3A_1720 = arith.index_cast %get3A_1719 : i32 to index
        %get3A_1721 = arith.index_cast %scan3A_1470 : i32 to index
        %get3A_1722 = arith.constant 496 : index
        %get3A_1723 = tpu.vector_load %arg6[%get3A_1720, %get3A_1721, %get3A_1722] {strides = array<i32>} : memref<2x104x512xf32, #tpu.memory_space<vmem>>, vector<1x1x16xf32>,
        %get3A_1724 = vector.shape_cast %get3A_1723 : vector<1x1x16xf32> to vector<16xf32>
        %add3A_1725 = arith.addf %scan3A_1502, %get3A_1724 : vector<16xf32>
        scf.yield %add3A_1508, %add3A_1515, %add3A_1522, %add3A_1529, %add3A_1536, %add3A_1543, %add3A_1550, %add3A_1557, %add3A_1564, %add3A_1571, %add3A_1578, %add3A_1585, %add3A_1592, %add3A_1599, %add3A_1606, %add3A_1613, %add3A_1620, %add3A_1627, %add3A_1634, %add3A_1641, %add3A_1648, %add3A_1655, %add3A_1662, %add3A_1669, %add3A_1676, %add3A_1683, %add3A_1690, %add3A_1697, %add3A_1704, %add3A_1711, %add3A_1718, %add3A_1725 : vector<16xf32>, vector<16xf32>, vector<16xf32>, vector<16xf32>, vector<16xf32>, vector<16xf32>, vector<16xf32>, vector<16xf32>, vector<16xf32>, vector<16xf32>, vector<16xf32>, vector<16xf32>, vector<16xf32>, vector<16xf32>, vector<16xf32>, vector<16xf32>, vector<16xf32>, vector<16xf32>, vector<16xf32>, vector<16xf32>, vector<16xf32>, vector<16xf32>, vector<16xf32>, vector<16xf32>, vector<16xf32>, vector<16xf32>, vector<16xf32>, vector<16xf32>, vector<16xf32>, vector<16xf32>, vector<16xf32>, vector<16xf32>
      }
      %scan3A_1166 = arith.constant 50 : i32
      %jit3A_1167 = arith.constant 8 : i32
      %eq3A_1168 = arith.constant 0 : i32
      %eq3A_1169 = arith.cmpi eq, %jit3A_1167, %eq3A_1168 : i32
      %jit3A_1170 = arith.constant 1 : i32
      %select_n3A_1171 = arith.select %eq3A_1169, %jit3A_1170, %jit3A_1167 : i32
      %rem3A_1172 = arith.remsi %add3A_738, %select_n3A_1171 : i32
      %ne3A_1173 = arith.constant 0 : i32
      %ne3A_1174 = arith.cmpi ne, %rem3A_1172, %ne3A_1173 : i32
      %lt3A_1175 = arith.constant 0 : i32
      %lt3A_1176 = arith.cmpi slt, %rem3A_1172, %lt3A_1175 : i32
      %lt3A_1177 = arith.constant 0 : i32
      %lt3A_1178 = arith.cmpi slt, %select_n3A_1171, %lt3A_1177 : i32
      %ne3A_1179 = arith.xori %lt3A_1176, %lt3A_1178 : i1
      %and3A_1180 = arith.andi %ne3A_1179, %ne3A_1174 : i1
      %add3A_1181 = arith.addi %rem3A_1172, %select_n3A_1171 : i32
      %select_n3A_1182 = arith.select %and3A_1180, %add3A_1181, %rem3A_1172 : i32
      %mul3A_1183 = arith.constant 2 : i32
      %mul3A_1184 = arith.muli %select_n3A_1182, %mul3A_1183 : i32
      %add3A_1185 = arith.constant 1 : i32
      %add3A_1186 = arith.addi %mul3A_1184, %add3A_1185 : i32
      %mul3A_1187 = arith.constant 2.000000e-02 : f32
      %mul3A_1188 = vector.broadcast %mul3A_1187 : f32 to vector<16xf32>
      %mul3A_1189 = arith.mulf %scan3A_1165#0, %mul3A_1188 : vector<16xf32>
      %swap3A_1190 = arith.index_cast %add3A_1186 : i32 to index
      %swap3A_1191 = arith.constant 0 : index
      %swap3A_1192 = tpu.vector_load %arg7[%swap3A_1190, %swap3A_1191] {strides = array<i32>} : memref<16x512xf32, #tpu.memory_space<vmem>>, vector<1x16xf32>,
      %swap3A_1193 = vector.shape_cast %swap3A_1192 : vector<1x16xf32> to vector<16xf32>
      %swap3A_1194 = vector.shape_cast %mul3A_1189 : vector<16xf32> to vector<1x16xf32>
      tpu.vector_store %arg7[%swap3A_1190, %swap3A_1191], %swap3A_1194 {strides = array<i32>} : memref<16x512xf32, #tpu.memory_space<vmem>>, vector<1x16xf32>,
      %mul3A_1195 = arith.constant 2.000000e-02 : f32
      %mul3A_1196 = vector.broadcast %mul3A_1195 : f32 to vector<16xf32>
      %mul3A_1197 = arith.mulf %scan3A_1165#1, %mul3A_1196 : vector<16xf32>
      %swap3A_1198 = arith.index_cast %add3A_1186 : i32 to index
      %swap3A_1199 = arith.constant 16 : index
      %swap3A_1200 = tpu.vector_load %arg7[%swap3A_1198, %swap3A_1199] {strides = array<i32>} : memref<16x512xf32, #tpu.memory_space<vmem>>, vector<1x16xf32>,
      %swap3A_1201 = vector.shape_cast %swap3A_1200 : vector<1x16xf32> to vector<16xf32>
      %swap3A_1202 = vector.shape_cast %mul3A_1197 : vector<16xf32> to vector<1x16xf32>
      tpu.vector_store %arg7[%swap3A_1198, %swap3A_1199], %swap3A_1202 {strides = array<i32>} : memref<16x512xf32, #tpu.memory_space<vmem>>, vector<1x16xf32>,
      %mul3A_1203 = arith.constant 2.000000e-02 : f32
      %mul3A_1204 = vector.broadcast %mul3A_1203 : f32 to vector<16xf32>
      %mul3A_1205 = arith.mulf %scan3A_1165#2, %mul3A_1204 : vector<16xf32>
      %swap3A_1206 = arith.index_cast %add3A_1186 : i32 to index
      %swap3A_1207 = arith.constant 32 : index
      %swap3A_1208 = tpu.vector_load %arg7[%swap3A_1206, %swap3A_1207] {strides = array<i32>} : memref<16x512xf32, #tpu.memory_space<vmem>>, vector<1x16xf32>,
      %swap3A_1209 = vector.shape_cast %swap3A_1208 : vector<1x16xf32> to vector<16xf32>
      %swap3A_1210 = vector.shape_cast %mul3A_1205 : vector<16xf32> to vector<1x16xf32>
      tpu.vector_store %arg7[%swap3A_1206, %swap3A_1207], %swap3A_1210 {strides = array<i32>} : memref<16x512xf32, #tpu.memory_space<vmem>>, vector<1x16xf32>,
      %mul3A_1211 = arith.constant 2.000000e-02 : f32
      %mul3A_1212 = vector.broadcast %mul3A_1211 : f32 to vector<16xf32>
      %mul3A_1213 = arith.mulf %scan3A_1165#3, %mul3A_1212 : vector<16xf32>
      %swap3A_1214 = arith.index_cast %add3A_1186 : i32 to index
      %swap3A_1215 = arith.constant 48 : index
      %swap3A_1216 = tpu.vector_load %arg7[%swap3A_1214, %swap3A_1215] {strides = array<i32>} : memref<16x512xf32, #tpu.memory_space<vmem>>, vector<1x16xf32>,
      %swap3A_1217 = vector.shape_cast %swap3A_1216 : vector<1x16xf32> to vector<16xf32>
      %swap3A_1218 = vector.shape_cast %mul3A_1213 : vector<16xf32> to vector<1x16xf32>
      tpu.vector_store %arg7[%swap3A_1214, %swap3A_1215], %swap3A_1218 {strides = array<i32>} : memref<16x512xf32, #tpu.memory_space<vmem>>, vector<1x16xf32>,
      %mul3A_1219 = arith.constant 2.000000e-02 : f32
      %mul3A_1220 = vector.broadcast %mul3A_1219 : f32 to vector<16xf32>
      %mul3A_1221 = arith.mulf %scan3A_1165#4, %mul3A_1220 : vector<16xf32>
      %swap3A_1222 = arith.index_cast %add3A_1186 : i32 to index
      %swap3A_1223 = arith.constant 64 : index
      %swap3A_1224 = tpu.vector_load %arg7[%swap3A_1222, %swap3A_1223] {strides = array<i32>} : memref<16x512xf32, #tpu.memory_space<vmem>>, vector<1x16xf32>,
      %swap3A_1225 = vector.shape_cast %swap3A_1224 : vector<1x16xf32> to vector<16xf32>
      %swap3A_1226 = vector.shape_cast %mul3A_1221 : vector<16xf32> to vector<1x16xf32>
      tpu.vector_store %arg7[%swap3A_1222, %swap3A_1223], %swap3A_1226 {strides = array<i32>} : memref<16x512xf32, #tpu.memory_space<vmem>>, vector<1x16xf32>,
      %mul3A_1227 = arith.constant 2.000000e-02 : f32
      %mul3A_1228 = vector.broadcast %mul3A_1227 : f32 to vector<16xf32>
      %mul3A_1229 = arith.mulf %scan3A_1165#5, %mul3A_1228 : vector<16xf32>
      %swap3A_1230 = arith.index_cast %add3A_1186 : i32 to index
      %swap3A_1231 = arith.constant 80 : index
      %swap3A_1232 = tpu.vector_load %arg7[%swap3A_1230, %swap3A_1231] {strides = array<i32>} : memref<16x512xf32, #tpu.memory_space<vmem>>, vector<1x16xf32>,
      %swap3A_1233 = vector.shape_cast %swap3A_1232 : vector<1x16xf32> to vector<16xf32>
      %swap3A_1234 = vector.shape_cast %mul3A_1229 : vector<16xf32> to vector<1x16xf32>
      tpu.vector_store %arg7[%swap3A_1230, %swap3A_1231], %swap3A_1234 {strides = array<i32>} : memref<16x512xf32, #tpu.memory_space<vmem>>, vector<1x16xf32>,
      %mul3A_1235 = arith.constant 2.000000e-02 : f32
      %mul3A_1236 = vector.broadcast %mul3A_1235 : f32 to vector<16xf32>
      %mul3A_1237 = arith.mulf %scan3A_1165#6, %mul3A_1236 : vector<16xf32>
      %swap3A_1238 = arith.index_cast %add3A_1186 : i32 to index
      %swap3A_1239 = arith.constant 96 : index
      %swap3A_1240 = tpu.vector_load %arg7[%swap3A_1238, %swap3A_1239] {strides = array<i32>} : memref<16x512xf32, #tpu.memory_space<vmem>>, vector<1x16xf32>,
      %swap3A_1241 = vector.shape_cast %swap3A_1240 : vector<1x16xf32> to vector<16xf32>
      %swap3A_1242 = vector.shape_cast %mul3A_1237 : vector<16xf32> to vector<1x16xf32>
      tpu.vector_store %arg7[%swap3A_1238, %swap3A_1239], %swap3A_1242 {strides = array<i32>} : memref<16x512xf32, #tpu.memory_space<vmem>>, vector<1x16xf32>,
      %mul3A_1243 = arith.constant 2.000000e-02 : f32
      %mul3A_1244 = vector.broadcast %mul3A_1243 : f32 to vector<16xf32>
      %mul3A_1245 = arith.mulf %scan3A_1165#7, %mul3A_1244 : vector<16xf32>
      %swap3A_1246 = arith.index_cast %add3A_1186 : i32 to index
      %swap3A_1247 = arith.constant 112 : index
      %swap3A_1248 = tpu.vector_load %arg7[%swap3A_1246, %swap3A_1247] {strides = array<i32>} : memref<16x512xf32, #tpu.memory_space<vmem>>, vector<1x16xf32>,
      %swap3A_1249 = vector.shape_cast %swap3A_1248 : vector<1x16xf32> to vector<16xf32>
      %swap3A_1250 = vector.shape_cast %mul3A_1245 : vector<16xf32> to vector<1x16xf32>
      tpu.vector_store %arg7[%swap3A_1246, %swap3A_1247], %swap3A_1250 {strides = array<i32>} : memref<16x512xf32, #tpu.memory_space<vmem>>, vector<1x16xf32>,
      %mul3A_1251 = arith.constant 2.000000e-02 : f32
      %mul3A_1252 = vector.broadcast %mul3A_1251 : f32 to vector<16xf32>
      %mul3A_1253 = arith.mulf %scan3A_1165#8, %mul3A_1252 : vector<16xf32>
      %swap3A_1254 = arith.index_cast %add3A_1186 : i32 to index
      %swap3A_1255 = arith.constant 128 : index
      %swap3A_1256 = tpu.vector_load %arg7[%swap3A_1254, %swap3A_1255] {strides = array<i32>} : memref<16x512xf32, #tpu.memory_space<vmem>>, vector<1x16xf32>,
      %swap3A_1257 = vector.shape_cast %swap3A_1256 : vector<1x16xf32> to vector<16xf32>
      %swap3A_1258 = vector.shape_cast %mul3A_1253 : vector<16xf32> to vector<1x16xf32>
      tpu.vector_store %arg7[%swap3A_1254, %swap3A_1255], %swap3A_1258 {strides = array<i32>} : memref<16x512xf32, #tpu.memory_space<vmem>>, vector<1x16xf32>,
      %mul3A_1259 = arith.constant 2.000000e-02 : f32
      %mul3A_1260 = vector.broadcast %mul3A_1259 : f32 to vector<16xf32>
      %mul3A_1261 = arith.mulf %scan3A_1165#9, %mul3A_1260 : vector<16xf32>
      %swap3A_1262 = arith.index_cast %add3A_1186 : i32 to index
      %swap3A_1263 = arith.constant 144 : index
      %swap3A_1264 = tpu.vector_load %arg7[%swap3A_1262, %swap3A_1263] {strides = array<i32>} : memref<16x512xf32, #tpu.memory_space<vmem>>, vector<1x16xf32>,
      %swap3A_1265 = vector.shape_cast %swap3A_1264 : vector<1x16xf32> to vector<16xf32>
      %swap3A_1266 = vector.shape_cast %mul3A_1261 : vector<16xf32> to vector<1x16xf32>
      tpu.vector_store %arg7[%swap3A_1262, %swap3A_1263], %swap3A_1266 {strides = array<i32>} : memref<16x512xf32, #tpu.memory_space<vmem>>, vector<1x16xf32>,
      %mul3A_1267 = arith.constant 2.000000e-02 : f32
      %mul3A_1268 = vector.broadcast %mul3A_1267 : f32 to vector<16xf32>
      %mul3A_1269 = arith.mulf %scan3A_1165#10, %mul3A_1268 : vector<16xf32>
      %swap3A_1270 = arith.index_cast %add3A_1186 : i32 to index
      %swap3A_1271 = arith.constant 160 : index
      %swap3A_1272 = tpu.vector_load %arg7[%swap3A_1270, %swap3A_1271] {strides = array<i32>} : memref<16x512xf32, #tpu.memory_space<vmem>>, vector<1x16xf32>,
      %swap3A_1273 = vector.shape_cast %swap3A_1272 : vector<1x16xf32> to vector<16xf32>
      %swap3A_1274 = vector.shape_cast %mul3A_1269 : vector<16xf32> to vector<1x16xf32>
      tpu.vector_store %arg7[%swap3A_1270, %swap3A_1271], %swap3A_1274 {strides = array<i32>} : memref<16x512xf32, #tpu.memory_space<vmem>>, vector<1x16xf32>,
      %mul3A_1275 = arith.constant 2.000000e-02 : f32
      %mul3A_1276 = vector.broadcast %mul3A_1275 : f32 to vector<16xf32>
      %mul3A_1277 = arith.mulf %scan3A_1165#11, %mul3A_1276 : vector<16xf32>
      %swap3A_1278 = arith.index_cast %add3A_1186 : i32 to index
      %swap3A_1279 = arith.constant 176 : index
      %swap3A_1280 = tpu.vector_load %arg7[%swap3A_1278, %swap3A_1279] {strides = array<i32>} : memref<16x512xf32, #tpu.memory_space<vmem>>, vector<1x16xf32>,
      %swap3A_1281 = vector.shape_cast %swap3A_1280 : vector<1x16xf32> to vector<16xf32>
      %swap3A_1282 = vector.shape_cast %mul3A_1277 : vector<16xf32> to vector<1x16xf32>
      tpu.vector_store %arg7[%swap3A_1278, %swap3A_1279], %swap3A_1282 {strides = array<i32>} : memref<16x512xf32, #tpu.memory_space<vmem>>, vector<1x16xf32>,
      %mul3A_1283 = arith.constant 2.000000e-02 : f32
      %mul3A_1284 = vector.broadcast %mul3A_1283 : f32 to vector<16xf32>
      %mul3A_1285 = arith.mulf %scan3A_1165#12, %mul3A_1284 : vector<16xf32>
      %swap3A_1286 = arith.index_cast %add3A_1186 : i32 to index
      %swap3A_1287 = arith.constant 192 : index
      %swap3A_1288 = tpu.vector_load %arg7[%swap3A_1286, %swap3A_1287] {strides = array<i32>} : memref<16x512xf32, #tpu.memory_space<vmem>>, vector<1x16xf32>,
      %swap3A_1289 = vector.shape_cast %swap3A_1288 : vector<1x16xf32> to vector<16xf32>
      %swap3A_1290 = vector.shape_cast %mul3A_1285 : vector<16xf32> to vector<1x16xf32>
      tpu.vector_store %arg7[%swap3A_1286, %swap3A_1287], %swap3A_1290 {strides = array<i32>} : memref<16x512xf32, #tpu.memory_space<vmem>>, vector<1x16xf32>,
      %mul3A_1291 = arith.constant 2.000000e-02 : f32
      %mul3A_1292 = vector.broadcast %mul3A_1291 : f32 to vector<16xf32>
      %mul3A_1293 = arith.mulf %scan3A_1165#13, %mul3A_1292 : vector<16xf32>
      %swap3A_1294 = arith.index_cast %add3A_1186 : i32 to index
      %swap3A_1295 = arith.constant 208 : index
      %swap3A_1296 = tpu.vector_load %arg7[%swap3A_1294, %swap3A_1295] {strides = array<i32>} : memref<16x512xf32, #tpu.memory_space<vmem>>, vector<1x16xf32>,
      %swap3A_1297 = vector.shape_cast %swap3A_1296 : vector<1x16xf32> to vector<16xf32>
      %swap3A_1298 = vector.shape_cast %mul3A_1293 : vector<16xf32> to vector<1x16xf32>
      tpu.vector_store %arg7[%swap3A_1294, %swap3A_1295], %swap3A_1298 {strides = array<i32>} : memref<16x512xf32, #tpu.memory_space<vmem>>, vector<1x16xf32>,
      %mul3A_1299 = arith.constant 2.000000e-02 : f32
      %mul3A_1300 = vector.broadcast %mul3A_1299 : f32 to vector<16xf32>
      %mul3A_1301 = arith.mulf %scan3A_1165#14, %mul3A_1300 : vector<16xf32>
      %swap3A_1302 = arith.index_cast %add3A_1186 : i32 to index
      %swap3A_1303 = arith.constant 224 : index
      %swap3A_1304 = tpu.vector_load %arg7[%swap3A_1302, %swap3A_1303] {strides = array<i32>} : memref<16x512xf32, #tpu.memory_space<vmem>>, vector<1x16xf32>,
      %swap3A_1305 = vector.shape_cast %swap3A_1304 : vector<1x16xf32> to vector<16xf32>
      %swap3A_1306 = vector.shape_cast %mul3A_1301 : vector<16xf32> to vector<1x16xf32>
      tpu.vector_store %arg7[%swap3A_1302, %swap3A_1303], %swap3A_1306 {strides = array<i32>} : memref<16x512xf32, #tpu.memory_space<vmem>>, vector<1x16xf32>,
      %mul3A_1307 = arith.constant 2.000000e-02 : f32
      %mul3A_1308 = vector.broadcast %mul3A_1307 : f32 to vector<16xf32>
      %mul3A_1309 = arith.mulf %scan3A_1165#15, %mul3A_1308 : vector<16xf32>
      %swap3A_1310 = arith.index_cast %add3A_1186 : i32 to index
      %swap3A_1311 = arith.constant 240 : index
      %swap3A_1312 = tpu.vector_load %arg7[%swap3A_1310, %swap3A_1311] {strides = array<i32>} : memref<16x512xf32, #tpu.memory_space<vmem>>, vector<1x16xf32>,
      %swap3A_1313 = vector.shape_cast %swap3A_1312 : vector<1x16xf32> to vector<16xf32>
      %swap3A_1314 = vector.shape_cast %mul3A_1309 : vector<16xf32> to vector<1x16xf32>
      tpu.vector_store %arg7[%swap3A_1310, %swap3A_1311], %swap3A_1314 {strides = array<i32>} : memref<16x512xf32, #tpu.memory_space<vmem>>, vector<1x16xf32>,
      %mul3A_1315 = arith.constant 2.000000e-02 : f32
      %mul3A_1316 = vector.broadcast %mul3A_1315 : f32 to vector<16xf32>
      %mul3A_1317 = arith.mulf %scan3A_1165#16, %mul3A_1316 : vector<16xf32>
      %swap3A_1318 = arith.index_cast %add3A_1186 : i32 to index
      %swap3A_1319 = arith.constant 256 : index
      %swap3A_1320 = tpu.vector_load %arg7[%swap3A_1318, %swap3A_1319] {strides = array<i32>} : memref<16x512xf32, #tpu.memory_space<vmem>>, vector<1x16xf32>,
      %swap3A_1321 = vector.shape_cast %swap3A_1320 : vector<1x16xf32> to vector<16xf32>
      %swap3A_1322 = vector.shape_cast %mul3A_1317 : vector<16xf32> to vector<1x16xf32>
      tpu.vector_store %arg7[%swap3A_1318, %swap3A_1319], %swap3A_1322 {strides = array<i32>} : memref<16x512xf32, #tpu.memory_space<vmem>>, vector<1x16xf32>,
      %mul3A_1323 = arith.constant 2.000000e-02 : f32
      %mul3A_1324 = vector.broadcast %mul3A_1323 : f32 to vector<16xf32>
      %mul3A_1325 = arith.mulf %scan3A_1165#17, %mul3A_1324 : vector<16xf32>
      %swap3A_1326 = arith.index_cast %add3A_1186 : i32 to index
      %swap3A_1327 = arith.constant 272 : index
      %swap3A_1328 = tpu.vector_load %arg7[%swap3A_1326, %swap3A_1327] {strides = array<i32>} : memref<16x512xf32, #tpu.memory_space<vmem>>, vector<1x16xf32>,
      %swap3A_1329 = vector.shape_cast %swap3A_1328 : vector<1x16xf32> to vector<16xf32>
      %swap3A_1330 = vector.shape_cast %mul3A_1325 : vector<16xf32> to vector<1x16xf32>
      tpu.vector_store %arg7[%swap3A_1326, %swap3A_1327], %swap3A_1330 {strides = array<i32>} : memref<16x512xf32, #tpu.memory_space<vmem>>, vector<1x16xf32>,
      %mul3A_1331 = arith.constant 2.000000e-02 : f32
      %mul3A_1332 = vector.broadcast %mul3A_1331 : f32 to vector<16xf32>
      %mul3A_1333 = arith.mulf %scan3A_1165#18, %mul3A_1332 : vector<16xf32>
      %swap3A_1334 = arith.index_cast %add3A_1186 : i32 to index
      %swap3A_1335 = arith.constant 288 : index
      %swap3A_1336 = tpu.vector_load %arg7[%swap3A_1334, %swap3A_1335] {strides = array<i32>} : memref<16x512xf32, #tpu.memory_space<vmem>>, vector<1x16xf32>,
      %swap3A_1337 = vector.shape_cast %swap3A_1336 : vector<1x16xf32> to vector<16xf32>
      %swap3A_1338 = vector.shape_cast %mul3A_1333 : vector<16xf32> to vector<1x16xf32>
      tpu.vector_store %arg7[%swap3A_1334, %swap3A_1335], %swap3A_1338 {strides = array<i32>} : memref<16x512xf32, #tpu.memory_space<vmem>>, vector<1x16xf32>,
      %mul3A_1339 = arith.constant 2.000000e-02 : f32
      %mul3A_1340 = vector.broadcast %mul3A_1339 : f32 to vector<16xf32>
      %mul3A_1341 = arith.mulf %scan3A_1165#19, %mul3A_1340 : vector<16xf32>
      %swap3A_1342 = arith.index_cast %add3A_1186 : i32 to index
      %swap3A_1343 = arith.constant 304 : index
      %swap3A_1344 = tpu.vector_load %arg7[%swap3A_1342, %swap3A_1343] {strides = array<i32>} : memref<16x512xf32, #tpu.memory_space<vmem>>, vector<1x16xf32>,
      %swap3A_1345 = vector.shape_cast %swap3A_1344 : vector<1x16xf32> to vector<16xf32>
      %swap3A_1346 = vector.shape_cast %mul3A_1341 : vector<16xf32> to vector<1x16xf32>
      tpu.vector_store %arg7[%swap3A_1342, %swap3A_1343], %swap3A_1346 {strides = array<i32>} : memref<16x512xf32, #tpu.memory_space<vmem>>, vector<1x16xf32>,
      %mul3A_1347 = arith.constant 2.000000e-02 : f32
      %mul3A_1348 = vector.broadcast %mul3A_1347 : f32 to vector<16xf32>
      %mul3A_1349 = arith.mulf %scan3A_1165#20, %mul3A_1348 : vector<16xf32>
      %swap3A_1350 = arith.index_cast %add3A_1186 : i32 to index
      %swap3A_1351 = arith.constant 320 : index
      %swap3A_1352 = tpu.vector_load %arg7[%swap3A_1350, %swap3A_1351] {strides = array<i32>} : memref<16x512xf32, #tpu.memory_space<vmem>>, vector<1x16xf32>,
      %swap3A_1353 = vector.shape_cast %swap3A_1352 : vector<1x16xf32> to vector<16xf32>
      %swap3A_1354 = vector.shape_cast %mul3A_1349 : vector<16xf32> to vector<1x16xf32>
      tpu.vector_store %arg7[%swap3A_1350, %swap3A_1351], %swap3A_1354 {strides = array<i32>} : memref<16x512xf32, #tpu.memory_space<vmem>>, vector<1x16xf32>,
      %mul3A_1355 = arith.constant 2.000000e-02 : f32
      %mul3A_1356 = vector.broadcast %mul3A_1355 : f32 to vector<16xf32>
      %mul3A_1357 = arith.mulf %scan3A_1165#21, %mul3A_1356 : vector<16xf32>
      %swap3A_1358 = arith.index_cast %add3A_1186 : i32 to index
      %swap3A_1359 = arith.constant 336 : index
      %swap3A_1360 = tpu.vector_load %arg7[%swap3A_1358, %swap3A_1359] {strides = array<i32>} : memref<16x512xf32, #tpu.memory_space<vmem>>, vector<1x16xf32>,
      %swap3A_1361 = vector.shape_cast %swap3A_1360 : vector<1x16xf32> to vector<16xf32>
      %swap3A_1362 = vector.shape_cast %mul3A_1357 : vector<16xf32> to vector<1x16xf32>
      tpu.vector_store %arg7[%swap3A_1358, %swap3A_1359], %swap3A_1362 {strides = array<i32>} : memref<16x512xf32, #tpu.memory_space<vmem>>, vector<1x16xf32>,
      %mul3A_1363 = arith.constant 2.000000e-02 : f32
      %mul3A_1364 = vector.broadcast %mul3A_1363 : f32 to vector<16xf32>
      %mul3A_1365 = arith.mulf %scan3A_1165#22, %mul3A_1364 : vector<16xf32>
      %swap3A_1366 = arith.index_cast %add3A_1186 : i32 to index
      %swap3A_1367 = arith.constant 352 : index
      %swap3A_1368 = tpu.vector_load %arg7[%swap3A_1366, %swap3A_1367] {strides = array<i32>} : memref<16x512xf32, #tpu.memory_space<vmem>>, vector<1x16xf32>,
      %swap3A_1369 = vector.shape_cast %swap3A_1368 : vector<1x16xf32> to vector<16xf32>
      %swap3A_1370 = vector.shape_cast %mul3A_1365 : vector<16xf32> to vector<1x16xf32>
      tpu.vector_store %arg7[%swap3A_1366, %swap3A_1367], %swap3A_1370 {strides = array<i32>} : memref<16x512xf32, #tpu.memory_space<vmem>>, vector<1x16xf32>,
      %mul3A_1371 = arith.constant 2.000000e-02 : f32
      %mul3A_1372 = vector.broadcast %mul3A_1371 : f32 to vector<16xf32>
      %mul3A_1373 = arith.mulf %scan3A_1165#23, %mul3A_1372 : vector<16xf32>
      %swap3A_1374 = arith.index_cast %add3A_1186 : i32 to index
      %swap3A_1375 = arith.constant 368 : index
      %swap3A_1376 = tpu.vector_load %arg7[%swap3A_1374, %swap3A_1375] {strides = array<i32>} : memref<16x512xf32, #tpu.memory_space<vmem>>, vector<1x16xf32>,
      %swap3A_1377 = vector.shape_cast %swap3A_1376 : vector<1x16xf32> to vector<16xf32>
      %swap3A_1378 = vector.shape_cast %mul3A_1373 : vector<16xf32> to vector<1x16xf32>
      tpu.vector_store %arg7[%swap3A_1374, %swap3A_1375], %swap3A_1378 {strides = array<i32>} : memref<16x512xf32, #tpu.memory_space<vmem>>, vector<1x16xf32>,
      %mul3A_1379 = arith.constant 2.000000e-02 : f32
      %mul3A_1380 = vector.broadcast %mul3A_1379 : f32 to vector<16xf32>
      %mul3A_1381 = arith.mulf %scan3A_1165#24, %mul3A_1380 : vector<16xf32>
      %swap3A_1382 = arith.index_cast %add3A_1186 : i32 to index
      %swap3A_1383 = arith.constant 384 : index
      %swap3A_1384 = tpu.vector_load %arg7[%swap3A_1382, %swap3A_1383] {strides = array<i32>} : memref<16x512xf32, #tpu.memory_space<vmem>>, vector<1x16xf32>,
      %swap3A_1385 = vector.shape_cast %swap3A_1384 : vector<1x16xf32> to vector<16xf32>
      %swap3A_1386 = vector.shape_cast %mul3A_1381 : vector<16xf32> to vector<1x16xf32>
      tpu.vector_store %arg7[%swap3A_1382, %swap3A_1383], %swap3A_1386 {strides = array<i32>} : memref<16x512xf32, #tpu.memory_space<vmem>>, vector<1x16xf32>,
      %mul3A_1387 = arith.constant 2.000000e-02 : f32
      %mul3A_1388 = vector.broadcast %mul3A_1387 : f32 to vector<16xf32>
      %mul3A_1389 = arith.mulf %scan3A_1165#25, %mul3A_1388 : vector<16xf32>
      %swap3A_1390 = arith.index_cast %add3A_1186 : i32 to index
      %swap3A_1391 = arith.constant 400 : index
      %swap3A_1392 = tpu.vector_load %arg7[%swap3A_1390, %swap3A_1391] {strides = array<i32>} : memref<16x512xf32, #tpu.memory_space<vmem>>, vector<1x16xf32>,
      %swap3A_1393 = vector.shape_cast %swap3A_1392 : vector<1x16xf32> to vector<16xf32>
      %swap3A_1394 = vector.shape_cast %mul3A_1389 : vector<16xf32> to vector<1x16xf32>
      tpu.vector_store %arg7[%swap3A_1390, %swap3A_1391], %swap3A_1394 {strides = array<i32>} : memref<16x512xf32, #tpu.memory_space<vmem>>, vector<1x16xf32>,
      %mul3A_1395 = arith.constant 2.000000e-02 : f32
      %mul3A_1396 = vector.broadcast %mul3A_1395 : f32 to vector<16xf32>
      %mul3A_1397 = arith.mulf %scan3A_1165#26, %mul3A_1396 : vector<16xf32>
      %swap3A_1398 = arith.index_cast %add3A_1186 : i32 to index
      %swap3A_1399 = arith.constant 416 : index
      %swap3A_1400 = tpu.vector_load %arg7[%swap3A_1398, %swap3A_1399] {strides = array<i32>} : memref<16x512xf32, #tpu.memory_space<vmem>>, vector<1x16xf32>,
      %swap3A_1401 = vector.shape_cast %swap3A_1400 : vector<1x16xf32> to vector<16xf32>
      %swap3A_1402 = vector.shape_cast %mul3A_1397 : vector<16xf32> to vector<1x16xf32>
      tpu.vector_store %arg7[%swap3A_1398, %swap3A_1399], %swap3A_1402 {strides = array<i32>} : memref<16x512xf32, #tpu.memory_space<vmem>>, vector<1x16xf32>,
      %mul3A_1403 = arith.constant 2.000000e-02 : f32
      %mul3A_1404 = vector.broadcast %mul3A_1403 : f32 to vector<16xf32>
      %mul3A_1405 = arith.mulf %scan3A_1165#27, %mul3A_1404 : vector<16xf32>
      %swap3A_1406 = arith.index_cast %add3A_1186 : i32 to index
      %swap3A_1407 = arith.constant 432 : index
      %swap3A_1408 = tpu.vector_load %arg7[%swap3A_1406, %swap3A_1407] {strides = array<i32>} : memref<16x512xf32, #tpu.memory_space<vmem>>, vector<1x16xf32>,
      %swap3A_1409 = vector.shape_cast %swap3A_1408 : vector<1x16xf32> to vector<16xf32>
      %swap3A_1410 = vector.shape_cast %mul3A_1405 : vector<16xf32> to vector<1x16xf32>
      tpu.vector_store %arg7[%swap3A_1406, %swap3A_1407], %swap3A_1410 {strides = array<i32>} : memref<16x512xf32, #tpu.memory_space<vmem>>, vector<1x16xf32>,
      %mul3A_1411 = arith.constant 2.000000e-02 : f32
      %mul3A_1412 = vector.broadcast %mul3A_1411 : f32 to vector<16xf32>
      %mul3A_1413 = arith.mulf %scan3A_1165#28, %mul3A_1412 : vector<16xf32>
      %swap3A_1414 = arith.index_cast %add3A_1186 : i32 to index
      %swap3A_1415 = arith.constant 448 : index
      %swap3A_1416 = tpu.vector_load %arg7[%swap3A_1414, %swap3A_1415] {strides = array<i32>} : memref<16x512xf32, #tpu.memory_space<vmem>>, vector<1x16xf32>,
      %swap3A_1417 = vector.shape_cast %swap3A_1416 : vector<1x16xf32> to vector<16xf32>
      %swap3A_1418 = vector.shape_cast %mul3A_1413 : vector<16xf32> to vector<1x16xf32>
      tpu.vector_store %arg7[%swap3A_1414, %swap3A_1415], %swap3A_1418 {strides = array<i32>} : memref<16x512xf32, #tpu.memory_space<vmem>>, vector<1x16xf32>,
      %mul3A_1419 = arith.constant 2.000000e-02 : f32
      %mul3A_1420 = vector.broadcast %mul3A_1419 : f32 to vector<16xf32>
      %mul3A_1421 = arith.mulf %scan3A_1165#29, %mul3A_1420 : vector<16xf32>
      %swap3A_1422 = arith.index_cast %add3A_1186 : i32 to index
      %swap3A_1423 = arith.constant 464 : index
      %swap3A_1424 = tpu.vector_load %arg7[%swap3A_1422, %swap3A_1423] {strides = array<i32>} : memref<16x512xf32, #tpu.memory_space<vmem>>, vector<1x16xf32>,
      %swap3A_1425 = vector.shape_cast %swap3A_1424 : vector<1x16xf32> to vector<16xf32>
      %swap3A_1426 = vector.shape_cast %mul3A_1421 : vector<16xf32> to vector<1x16xf32>
      tpu.vector_store %arg7[%swap3A_1422, %swap3A_1423], %swap3A_1426 {strides = array<i32>} : memref<16x512xf32, #tpu.memory_space<vmem>>, vector<1x16xf32>,
      %mul3A_1427 = arith.constant 2.000000e-02 : f32
      %mul3A_1428 = vector.broadcast %mul3A_1427 : f32 to vector<16xf32>
      %mul3A_1429 = arith.mulf %scan3A_1165#30, %mul3A_1428 : vector<16xf32>
      %swap3A_1430 = arith.index_cast %add3A_1186 : i32 to index
      %swap3A_1431 = arith.constant 480 : index
      %swap3A_1432 = tpu.vector_load %arg7[%swap3A_1430, %swap3A_1431] {strides = array<i32>} : memref<16x512xf32, #tpu.memory_space<vmem>>, vector<1x16xf32>,
      %swap3A_1433 = vector.shape_cast %swap3A_1432 : vector<1x16xf32> to vector<16xf32>
      %swap3A_1434 = vector.shape_cast %mul3A_1429 : vector<16xf32> to vector<1x16xf32>
      tpu.vector_store %arg7[%swap3A_1430, %swap3A_1431], %swap3A_1434 {strides = array<i32>} : memref<16x512xf32, #tpu.memory_space<vmem>>, vector<1x16xf32>,
      %mul3A_1435 = arith.constant 2.000000e-02 : f32
      %mul3A_1436 = vector.broadcast %mul3A_1435 : f32 to vector<16xf32>
      %mul3A_1437 = arith.mulf %scan3A_1165#31, %mul3A_1436 : vector<16xf32>
      %swap3A_1438 = arith.index_cast %add3A_1186 : i32 to index
      %swap3A_1439 = arith.constant 496 : index
      %swap3A_1440 = tpu.vector_load %arg7[%swap3A_1438, %swap3A_1439] {strides = array<i32>} : memref<16x512xf32, #tpu.memory_space<vmem>>, vector<1x16xf32>,
      %swap3A_1441 = vector.shape_cast %swap3A_1440 : vector<1x16xf32> to vector<16xf32>
      %swap3A_1442 = vector.shape_cast %mul3A_1437 : vector<16xf32> to vector<1x16xf32>
      tpu.vector_store %arg7[%swap3A_1438, %swap3A_1439], %swap3A_1442 {strides = array<i32>} : memref<16x512xf32, #tpu.memory_space<vmem>>, vector<1x16xf32>,
      %lt3A_1443 = arith.constant 31 : i32
      %lt3A_1444 = arith.cmpi slt, %scan3A_32, %lt3A_1443 : i32
      %convert_element_type3A_1445 = arith.extui %lt3A_1444 : i1 to i32
      %cond3A_1446 = arith.constant 0 : i32
      %cond3A_1447 = arith.cmpi ne, %convert_element_type3A_1445, %cond3A_1446 : i32
      scf.if %cond3A_1447 {
        %add3A_1470 = arith.constant 2 : i32
        %add3A_1471 = arith.addi %add3A_738, %add3A_1470 : i32
        %dma_start3A_1472 = arith.constant 1 : i32
        %dma_start3A_1473 = arith.constant 0 : i32
        %dma_start3A_1474 = arith.constant 0 : i32
        %dma_start3A_1475 = tpu.memref_slice %arg6[%dma_start3A_1472, %dma_start3A_1473, %dma_start3A_1474] : memref<2x104x512xf32, #tpu.memory_space<vmem>> -> memref<1x104x512xf32, #tpu.memory_space<vmem>>
        %dma_start3A_1476 = tpu.memref_squeeze %dma_start3A_1475 : memref<1x104x512xf32, #tpu.memory_space<vmem>> -> memref<104x512xf32, #tpu.memory_space<vmem>>
        %dma_start3A_1477 = arith.constant 0 : i32
        %dma_start3A_1478 = tpu.memref_slice %arg5[%add3A_1471, %dma_start3A_1477] : memref<64x104xi32, #tpu.memory_space<vmem>> -> memref<1x104xi32, #tpu.memory_space<vmem>>
        %dma_start3A_1479 = tpu.memref_squeeze %dma_start3A_1478 : memref<1x104xi32, #tpu.memory_space<vmem>> -> memref<104xi32, #tpu.memory_space<vmem>>
        %dma_start3A_1480 = arith.constant 0 : i32
        %dma_start3A_1481 = arith.constant 0 : i32
        %dma_start3A_1482 = tpu.memref_slice %arg3[%dma_start3A_1480, %dma_start3A_1481] : memref<100000x512xf32, #tpu.memory_space<hbm>> -> memref<100000x512xf32, #tpu.memory_space<hbm>>
        tpu.enqueue_indirect_dma source(%dma_start3A_1482 : memref<100000x512xf32, #tpu.memory_space<hbm>>) target(%dma_start3A_1476 : memref<104x512xf32, #tpu.memory_space<vmem>>) offsets(%dma_start3A_1479 : memref<104xi32, #tpu.memory_space<vmem>>) semaphore(%arg9 : memref<!tpu.dma_semaphore, #tpu.memory_space<semaphore_mem>>)
      } else {
      }
      %jit3A_1448 = arith.constant 4 : i32
      %eq3A_1449 = arith.constant 0 : i32
      %eq3A_1450 = arith.cmpi eq, %jit3A_1448, %eq3A_1449 : i32
      %jit3A_1451 = arith.constant 1 : i32
      %select_n3A_1452 = arith.select %eq3A_1450, %jit3A_1451, %jit3A_1448 : i32
      %rem3A_1453 = arith.remsi %scan3A_32, %select_n3A_1452 : i32
      %ne3A_1454 = arith.constant 0 : i32
      %ne3A_1455 = arith.cmpi ne, %rem3A_1453, %ne3A_1454 : i32
      %lt3A_1456 = arith.constant 0 : i32
      %lt3A_1457 = arith.cmpi slt, %rem3A_1453, %lt3A_1456 : i32
      %lt3A_1458 = arith.constant 0 : i32
      %lt3A_1459 = arith.cmpi slt, %select_n3A_1452, %lt3A_1458 : i32
      %ne3A_1460 = arith.xori %lt3A_1457, %lt3A_1459 : i1
      %and3A_1461 = arith.andi %ne3A_1460, %ne3A_1455 : i1
      %add3A_1462 = arith.addi %rem3A_1453, %select_n3A_1452 : i32
      %select_n3A_1463 = arith.select %and3A_1461, %add3A_1462, %rem3A_1453 : i32
      %eq3A_1464 = arith.constant 3 : i32
      %eq3A_1465 = arith.cmpi eq, %select_n3A_1463, %eq3A_1464 : i32
      %convert_element_type3A_1466 = arith.extui %eq3A_1465 : i1 to i32
      %cond3A_1467 = arith.constant 0 : i32
      %cond3A_1468 = arith.cmpi ne, %convert_element_type3A_1466, %cond3A_1467 : i32
      scf.if %cond3A_1468 {
        %mul3A_1470 = arith.constant 2 : i32
        %mul3A_1471 = arith.muli %multiple_of3A, %mul3A_1470 : i32
        %mul3A_1472 = arith.constant 2 : i32
        %mul3A_1473 = arith.muli %scan3A_32, %mul3A_1472 : i32
        %add3A_1474 = arith.constant 2 : i32
        %add3A_1475 = arith.addi %mul3A_1473, %add3A_1474 : i32
        %mul3A_1476 = arith.constant 2 : i32
        %mul3A_1477 = arith.muli %add3A_1475, %mul3A_1476 : i32
        %add3A_1478 = arith.addi %mul3A_1471, %mul3A_1477 : i32
        %sub3A = arith.constant 16 : i32
        %sub3A_1479 = arith.subi %add3A_1478, %sub3A : i32
        %multiple_of3A_1480 = tpu.assume_multiple %sub3A_1479, 16 : i32
        "tpu.region"() ({
          %run_scoped3A = tpu.sem_alloc : memref<!tpu.dma_semaphore, #tpu.memory_space<semaphore_mem>>
          %dma_start3A_1481 = arith.constant 0 : i32
          %dma_start3A_1482 = tpu.memref_slice %arg4[%multiple_of3A_1480, %dma_start3A_1481] : memref<4096x512xf32, #tpu.memory_space<hbm>> -> memref<16x512xf32, #tpu.memory_space<hbm>>
          %dma_start3A_1483 = arith.constant 0 : i32
          %dma_start3A_1484 = tpu.memref_slice %arg4[%multiple_of3A_1480, %dma_start3A_1483] : memref<4096x512xf32, #tpu.memory_space<hbm>> -> memref<16x512xf32, #tpu.memory_space<hbm>>
          tpu.enqueue_dma source(%arg7 : memref<16x512xf32, #tpu.memory_space<vmem>>) target(%dma_start3A_1484 : memref<16x512xf32, #tpu.memory_space<hbm>>) target_semaphore(%run_scoped3A : memref<!tpu.dma_semaphore, #tpu.memory_space<semaphore_mem>>)
          %dma_wait3A_1485 = arith.constant 0 : i32
          %dma_wait3A_1486 = tpu.memref_slice %arg4[%multiple_of3A_1480, %dma_wait3A_1485] : memref<4096x512xf32, #tpu.memory_space<hbm>> -> memref<16x512xf32, #tpu.memory_space<hbm>>
          %dma_wait3A_1487 = arith.constant 0 : i32
          %dma_wait3A_1488 = tpu.memref_slice %arg4[%multiple_of3A_1480, %dma_wait3A_1487] : memref<4096x512xf32, #tpu.memory_space<hbm>> -> memref<16x512xf32, #tpu.memory_space<hbm>>
          tpu.wait_dma2 semaphore(%run_scoped3A : memref<!tpu.dma_semaphore, #tpu.memory_space<semaphore_mem>>) src(%arg7 : memref<16x512xf32, #tpu.memory_space<vmem>>) dst(%dma_wait3A_1488 : memref<16x512xf32, #tpu.memory_space<hbm>>)
          tpu.yield
        }) : () -> ()
      } else {
      }
      %scan3A_1469 = arith.constant 0 : i32
      scf.yield %scan3A_1469 : i32
    }
    %scan3A_31 = arith.constant 32 : i32
    return
  }
}

</mosaic_0001>

<sc_bundles>
// kernel: kernel.3.cloned.1.call-start
scs
__scs_entry_jumppad:
0x0: {  	(pc) =	sbr.rel $0x88, $3  }
0x1: {  	(tag) =	ssettag $0x0;
	lr =	simm.s32 $0x1  }
0x2: {  	[smem:$0x3F9F] =	sst lr;
	_ =	strace $0xD0000000  }
0x3: {  	_ = 	snop  }
0x4: {  	_ = 	snop  }
0x5: {  	_ = 	snop  }
0x6: {  	_ = 	snop  }
0x7: {  	_ = 	snop  }
__scs_overlays_trampoline_lowered:
0x8: {  	[smem:$0x3FAE] =	sst s0  }
0x9: {  	[smem:$0x3FAF] =	sst s1  }
0xa: {  	[smem:$0x3FB0] =	sst s2  }
0xb: {  	[smem:$0x3FB1] =	sst s3  }
0xc: {  	[smem:$0x3FB2] =	sst s4  }
0xd: {  	[smem:$0x3FB3] =	sst s5  }
0xe: {  	[smem:$0x3FB4] =	sst s6  }
0xf: {  	[smem:$0x3FB5] =	sst s7  }
0x10: {  	[smem:$0x3FB6] =	sst s8  }
0x11: {  	[smem:$0x3FB7] =	sst s9;
	s0 =	simm.s32 @!p0 $0x0  }
0x12: {  	s1 =	sld [smem:$0x3F9D];
	s0 =	simm.s32 @p0 $0x1  }
0x13: {  	[smem:$0x3FB8] =	sst s0;
	s0 =	simm.s32 @!p1 $0x0  }
0x14: {  	s2 =	sld [smem:$0x3F9C];
	s0 =	simm.s32 @p1 $0x1  }
0x15: {  	[smem:$0x3FB9] =	sst s0;
	s0 =	simm.s32 @!p2 $0x0  }
0x16: {  	s3 =	sld [smem:$0x3FDB];
	s0 =	simm.s32 @p2 $0x1  }
0x17: {  	s4 =	simm.s32 $0x1BF5;
	[smem:$0x3FBB] =	sst s0  }
0x18: {  	s0 =	sld [smem:$0x3F9E];
	_ =	swait.ge [sflag:s4], $0x0  }
0x19: {  	s7 =	sld [smem:$0x3F9F]  }
0x1a: {  	s8 =	sadd.s32 $0xFFFFE003, lr  }
0x1b: {  	s9 =	sadd.s32 $0xFFFFFEF7, lr;
	s5 =	simm.s32 $0xFFFFFFFF;
	p2 =	slt.u32 s8, $0xFFFFF086  }
0x1c: {  	p1 =	slt.u32 s9, $0xF7A;
	s5 =	simm.s32 @!p2 $0x0  }
0x1d: {  	s5 =	simm.s32 @p1 $0x1;
	p0 =	seq.s32 s7, s2  }
0x1e: {  	s7 =	smul.u32 @!p0 $0xF7A, s2;
	p2 =	seq.s32 @!p0 s5, $0x0  }
0x1f: {  	s9 =	smul.u32 $0xF7A, s1;
	s8 =	simm.s32 @!p0 $0x1BF5;
	p2 =	por !p2, p0  }
0x20: {  	[sflag:s8] =	ssyncset.s32 @!p0 $0xFFFFF086;
	s6 =	sadd.s32 @!p0 s3, s7;
	s7 =	simm.s32 @!p0 $0x108  }
0x21: {  	s3 =	sadd.s32 s3, s9;
	s6 =	sadd.s32 @!p0 $0x88, s6;
	s7 =	simm.s32 @p2 $0x1082  }
0x22: {  	[simem:s7], [sflag:s8] =	dma.local @!p0 [hbm:s6], $0xF7A  }
0x23: {  	s9 =	sor.u32 $0xD0000000, s2;
	s6 =	simm.s32 $0x108;
	_ =	swait.ge @!p0 [sflag:s8], $0x0  }
0x24: {  	s3 =	sadd.s32 $0x88, s3;
	s6 =	simm.s32 @!p1 $0x1082;
	[sflag:s4] =	ssyncset.s32 $0xFFFFF086  }
0x25: {  	[simem:s6], [sflag:s4] =	dma.local [hbm:s3], $0xF7A  }
0x26: {  	[smem:$0x3F9F] =	sst s1;
	(tag) =	ssettag s2;
	_ =	strace s9  }
0x27: {  	s1 =	sld [smem:$0x3FAF]  }
0x28: {  	s2 =	sld [smem:$0x3FB0]  }
0x29: {  	s4 =	sld [smem:$0x3FB2]  }
0x2a: {  	p0 =	seq.s32 s5, $0x0;
	s5 =	sld [smem:$0x3FB3]  }
0x2b: {  	s6 =	sld [smem:$0x3FB4]  }
0x2c: {  	s7 =	sld [smem:$0x3FB5]  }
0x2d: {  	s3 =	simm.s32 $0x108;
	s8 =	sld [smem:$0x3FB6]  }
0x2e: {  	s3 =	simm.s32 @!p0 $0x1082;
	s9 =	sld [smem:$0x3FB7]  }
0x2f: {  	lr =	sadd.s32 s0, s3;
	s0 =	sld [smem:$0x3FAE]  }
0x30: {  	s3 =	sld [smem:$0x3FB1]  }
0x31: {  	[smem:$0x3FBA] =	sst s10  }
0x32: {  	s10 =	sld [smem:$0x3FB8];
	_ =	sdelay $0x3  }
0x33: {  	p0 =	seq.s32 s10, $0x1;
	s10 =	sld [smem:$0x3FBA];
	_ =	sdelay $0x3  }
0x34: {  	[smem:$0x3FBA] =	sst s10  }
0x35: {  	s10 =	sld [smem:$0x3FB9];
	_ =	sdelay $0x3  }
0x36: {  	p1 =	seq.s32 s10, $0x1;
	s10 =	sld [smem:$0x3FBA];
	_ =	sdelay $0x3  }
0x37: {  	[smem:$0x3FBA] =	sst s10  }
0x38: {  	s10 =	sld [smem:$0x3FBB]  }
0x39: {  	_ = 	snop;
	(pc) =	sbr.ind lr, $3  }
0x3a: {  	_ = 	snop  }
0x3b: {  	_ = 	snop  }
0x3c: {  	p2 =	seq.s32 s10, $0x1;
	s10 =	sld [smem:$0x3FBA]  }
0x3d: {  	_ =	shalt  }
0x3e: {  	_ =	shalt  }
0x3f: {  	_ =	shalt  }
0x40: {  	_ =	shalt  }
0x41: {  	_ =	shalt  }
0x42: {  	_ =	shalt  }
0x43: {  	_ =	shalt  }
0x44: {  	_ =	shalt  }
0x45: {  	_ =	shalt  }
0x46: {  	_ =	shalt  }
0x47: {  	_ =	shalt  }
0x48: {  	_ =	shalt  }
0x49: {  	_ =	shalt  }
0x4a: {  	_ =	shalt  }
0x4b: {  	_ =	shalt  }
0x4c: {  	_ =	shalt  }
0x4d: {  	_ =	shalt  }
0x4e: {  	_ =	shalt  }
0x4f: {  	_ =	shalt  }
0x50: {  	_ =	shalt  }
0x51: {  	_ =	shalt  }
0x52: {  	_ =	shalt  }
0x53: {  	_ =	shalt  }
0x54: {  	_ =	shalt  }
0x55: {  	_ =	shalt  }
0x56: {  	_ =	shalt  }
0x57: {  	_ =	shalt  }
0x58: {  	_ =	shalt  }
0x59: {  	_ =	shalt  }
0x5a: {  	_ =	shalt  }
0x5b: {  	_ =	shalt  }
0x5c: {  	_ =	shalt  }
0x5d: {  	_ =	shalt  }
0x5e: {  	_ =	shalt  }
0x5f: {  	_ =	shalt  }
0x60: {  	_ =	shalt  }
0x61: {  	_ =	shalt  }
0x62: {  	_ =	shalt  }
0x63: {  	_ =	shalt  }
0x64: {  	_ =	shalt  }
0x65: {  	_ =	shalt  }
0x66: {  	_ =	shalt  }
0x67: {  	_ =	shalt  }
0x68: {  	_ =	shalt  }
0x69: {  	_ =	shalt  }
0x6a: {  	_ =	shalt  }
0x6b: {  	_ =	shalt  }
0x6c: {  	_ =	shalt  }
0x6d: {  	_ =	shalt  }
0x6e: {  	_ =	shalt  }
0x6f: {  	_ =	shalt  }
0x70: {  	_ =	shalt  }
0x71: {  	_ =	shalt  }
0x72: {  	_ =	shalt  }
0x73: {  	_ =	shalt  }
0x74: {  	_ =	shalt  }
0x75: {  	_ =	shalt  }
0x76: {  	_ =	shalt  }
0x77: {  	_ =	shalt  }
0x78: {  	_ =	shalt  }
0x79: {  	_ =	shalt  }
0x7a: {  	_ =	shalt  }
0x7b: {  	_ =	shalt  }
0x7c: {  	_ =	shalt  }
0x7d: {  	_ =	shalt  }
0x7e: {  	_ =	shalt  }
0x7f: {  	_ =	shalt  }
0x80: {  	_ =	shalt  }
0x81: {  	_ =	shalt  }
0x82: {  	_ =	shalt  }
0x83: {  	_ =	shalt  }
0x84: {  	_ =	shalt  }
0x85: {  	_ =	shalt  }
0x86: {  	_ =	shalt  }
0x87: {  	_ =	shalt  }
.Lfunc_end0:
.L_simem_size_0:
called_computation.1_lowered:
.L_overlay_start_0:
0x88: {  	s2 =	sld [smem:$0x3FD9]  }
0x89: {  	s3 =	sld [smem:$0x3FFE];
	_ =	sdelay $0x1  }
0x8a: {  	s1 =	srdreg.scid  }
0x8b: {  	s0 =	sand.u32 $0x1, s1  }
0x8c: {  	s17 =	sshll.u32 s0, $0xA;
	s2 =	sadd.s32 s3, s2  }
0x8d: {  	s2 =	sadd.s32 s2, s17  }
0x8e: {  	[smem:$0x3FC6] =	sst s2  }
0x8f: {  	_ = 	snop  }
0x90: {  	s2 =	sld [smem:$0x3FD0];
	(tm) =	ssettm $0x1  }
0x91: {  	s18 =	sld [smem:$0x3FFB];
	_ =	sdelay $0x3  }
0x92: {  	_ =	strace s18  }
0x93: {  	s3 =	sld [smem:$0x3FFC];
	_ =	sdelay $0x3  }
0x94: {  	_ =	strace s3  }
0x95: {  	s3 =	sld [smem:$0x3FFD];
	_ =	sdelay $0x3  }
0x96: {  	_ =	strace s3  }
0x97: {  	_ =	strace $0x8FFFFFFF  }
0x98: {  	s19 =	sld [smem:$0x3FDB];
	_ =	sdelay $0x1  }
0x99: {  	s4 =	simm.s32 $_scs_section_size  }
0x9a: {  	s5 =	simm.s32 $_size__tile_overlayer_lowered;
	s6 =	simm.s32 $_tile_overlayer_lowered  }
0x9b: {  	s22 =	simm.s32 $0x1BFF;
	s21 =	sshll.u32 s6, $0x1;
	s3 =	sadd.s32 s4, s19  }
0x9c: {  	s7 =	simm.s32 $0x0;
	s20 =	sshll.u32 s5, $0x1;
	s5 =	sadd.s32 s21, s3  }
0x9d: {  	[timem:s7], [sflag:s22] =	dma.local [hbm:s5], s20  }
0x9e: {  	_ =	swait.ge [sflag:s22], s20  }
0x9f: {  	s4 =	ssub.s32 $0x0, s20;
	[sflag:s22] =	ssyncset.done $0x0  }
0xa0: {  	[sflag:s22] =	ssyncadd.s32 s4;
	_ =	sdelay $0x1  }
0xa1: {  	s23 =	simm.s32 $0x1B8B  }
0xa2: {  	_ =	swait.ge [sflag:s23], $0x1  }
0xa3: {  	[sflag:s23] =	ssyncset.done $0x0  }
0xa4: {  	s25 =	simm.s32 $0x1B8E;
	s24 =	sld [smem:$0x3FFE];
	[sflag:s23] =	ssyncadd.s32 $0xFFFFFFFF  }
0xa5: {  	s26 =	simm.s32 $execute0_lowered;
	[smem:$0x3FD2] =	sst s25  }
0xa6: {  	s5 =	sshll.u32 s26, $0x1;
	_ =	strace $0x80000049;
	[dreg:$0x1] =	wrdreg $0xFFFFFFFF  }
0xa7: {  	s28 =	simm.s32 $_size_execute0_lowered;
	s3 =	sadd.s32 s3, s5;
	[dreg:$0x0] =	wrdreg $0x0  }
0xa8: {  	s5 =	sshll.u32 s28, $0x1;
	[dreg:$0x2] =	wrdreg s3  }
0xa9: {  	[dreg:$0x3] =	wrdreg s5  }
0xaa: {  	[dreg:$0x4] =	wrdreg $0xC0  }
0xab: {  	_ =	task [dreg:s7], $0x5FFFF  }
0xac: {  	[dreg:$0x1] =	wrdreg $0xFFFFFFFF  }
0xad: {  	[dreg:$0x0] =	wrdreg $0x60  }
0xae: {  	[dreg:$0x2] =	wrdreg s2  }
0xaf: {  	[dreg:$0x3] =	wrdreg s24  }
0xb0: {  	[dreg:$0x4] =	wrdreg $0x9  }
0xb1: {  	_ =	task.clear_ibuf [dreg:s7], $0x5FFFF;
	_ =	strace $0x90000049  }
0xb2: {  	s29 =	simm.s32 $0x9;
	_ =	strace $0x8000004B  }
0xb3: {  	_ =	swait.ge [sflag:s29], $0x1  }
0xb4: {  	[sflag:s29] =	ssyncadd.s32 $0xFFFFFFFF  }
0xb5: {  	_ =	strace $0x9000004B  }
0xb6: {  	_ =	sfence  }
0xb7: {  	s30 =	sld [smem:$0x0];
	_ =	sdelay $0x2  }
0xb8: {  	s31 =	sshll.u32 s1, $0xD;
	s1 =	sshrl.u32 s1, $0x2  }
0xb9: {  	s3 =	sand.u32 $0x4000, s31;
	s1 =	sadd.s32 s1, s30  }
0xba: {  	s0 =	sor.u32 s3, s0;
	s1 =	sshll.u32 s1, $0x11  }
0xbb: {  	s0 =	sor.u32 s1, s0  }
0xbc: {  	s0 =	sadd.s32 $0x8F2B, s0  }
0xbd: {  	[sflag:s0] =	ssyncadd.remote.s32 $0x1  }
0xbe: {  	_ =	sfence.sel $0xFFFF  }
0xbf: {  	[dreg:$0x0] =	wrdreg $0xFFFFFFFF;
	(pc) =	sbr.abs _section_cstart, $3  }
0xc0: {  	[dreg:$0x1] =	wrdreg $0xFFFFFFFF  }
0xc1: {  	_ =	task.clear_ibuf [dreg:s7], $0x2FFFF;
	_ =	strace $0x9FFFFFFF  }
0xc2: {  	(tm) =	ssettm $0x7FFFFFFF  }
0xc3: {  	_ =	shalt  }
tec
execute0_lowered:
.L_overlay_start_1:
0x0: {  	(tag) =	ssettag $0x1  }
0x1: {  	s5 =	rddreg [dreg:$0x0]  }
0x2: {  	s4 =	rddreg [dreg:$0x1]  }
0x3: {  	s0 =	rddreg [dreg:$0x2]  }
0x4: {  	s3 =	srdreg.scid;
	s2 =	simm.s32 $0x0;
	s1 =	stileid.u32  }
0x5: {  	s10 =	simm.s32 $0x1A00;
	s11 =	simm.s32 $0xEA00;
	s12 =	simm.s32 $0x1  }
0x6: {  	s13 =	simm.s32 $0x2;
	s14 =	simm.s32 $0x1BA00;
	s15 =	simm.s32 $0x0  }
0x7: {  	s6 =	sand.u32 $0x1, s3;
	[smem:$0x7FF] =	sst s2;
	s31 =	sshll.u32 s1, $0x7  }
0x8: {  	s3 =	sadd.s32 $0xA00, s4;
	s7 =	sshll.u32 s6, $0x6;
	s6 =	ssub.s32 $0x2, s6  }
0x9: {  	s4 =	sadd.s32 $0x61B200, s4;
	s7 =	sor.u32 s7, s31;
	s9 =	sshrl.u32 s6, $0x1  }
0xa: {  	s8 =	smul.u32 $0xD, s7;
	s7 =	sshll.u32 s7, $0xA;
	s9 =	ssub.s32 s6, s9  }
0xb: {  	_ =	strace $0x8000004A;
	s6 =	sadd.s32 $0xFFFFE800, s7;
	s7 =	smax.u32 s9, $0x1  }
0xc: {  	s9 =	simm.s32 $0x68;
	s5 =	sadd.s32 s5, s8;
	s8 =	simm.s32 $0x3  }
.LBB2_1:
0xd: {  	[tilespmem:s2], [sflag:$0x3] =	stream.linear.gather [hbm4b:s5+s2], $0x1A00, $0x38;
	[tilespmem:$0x1DA00] =	vst v63  }
0xe: {  	_ =	swait.ge [sflag:s8], $0x1A00  }
0xf: {  	[sflag:s8] =	ssyncset.done $0x0  }
0x10: {  	[sflag:s8] =	ssyncadd.s32 $0xFFFFE600  }
0x11: {  	[tilespmem:s10], [sflag:$0x1] =	stream.indirect.gather [hbm4b:s3+s9], $0x200, s2, s9, $0xb8;
	[tilespmem:$0x1DA00] =	vst v63  }
0x12: {  	s16 =	simm.s32 $0x0  }
0x13: {  	[tilespmem:s11], [sflag:$0x2] =	stream.indirect.gather [hbm4b:s3+s9], $0x200, s9, s9, $0xb8;
	[tilespmem:$0x1DA00] =	vst v63  }
.LBB2_2:
0x14: {  	_ =	swait.ge [sflag:s12], $0xD000  }
0x15: {  	[sflag:s12] =	ssyncset.done $0x0  }
0x16: {  	s18 =	simm.s32 $0x0;
	[sflag:s12] =	ssyncadd.s32 $0xFFFF3000  }
0x17: {  	v0 =	vld [tilespmem:s18+$0x1BF0]  }
0x18: {  	v2 =	vld [tilespmem:s18+$0x1A00]  }
0x19: {  	v3 =	vld [tilespmem:s18+$0x1A10]  }
0x1a: {  	v4 =	vld [tilespmem:s18+$0x1A20]  }
0x1b: {  	v5 =	vld [tilespmem:s18+$0x1A30]  }
0x1c: {  	v6 =	vld [tilespmem:s18+$0x1A40]  }
0x1d: {  	v7 =	vld [tilespmem:s18+$0x1A50]  }
0x1e: {  	v8 =	vld [tilespmem:s18+$0x1A60]  }
0x1f: {  	v9 =	vld [tilespmem:s18+$0x1A70]  }
0x20: {  	v10 =	vld [tilespmem:s18+$0x1A80]  }
0x21: {  	v11 =	vld [tilespmem:s18+$0x1A90]  }
0x22: {  	v12 =	vld [tilespmem:s18+$0x1AA0]  }
0x23: {  	v13 =	vld [tilespmem:s18+$0x1AB0]  }
0x24: {  	v14 =	vld [tilespmem:s18+$0x1AC0]  }
0x25: {  	v15 =	vld [tilespmem:s18+$0x1AD0]  }
0x26: {  	v16 =	vld [tilespmem:s18+$0x1AE0]  }
0x27: {  	v32 =	vld [tilespmem:s18+$0x1AF0]  }
0x28: {  	v1 =	vimm.f32 $0.0e+00;
	v33 =	vld [tilespmem:s18+$0x1B00]  }
0x29: {  	v34 =	vld [tilespmem:s18+$0x1B10];
	v0 =	vadd.f32 v0, v1  }
0x2a: {  	v37 =	vld [tilespmem:s18+$0x1B80];
	v31 =	vadd.f32 v2, v1;
	v29 =	vadd.f32 v3, v1  }
0x2b: {  	v2 =	vld [tilespmem:s18+$0x1B20];
	v30 =	vadd.f32 v4, v1;
	v28 =	vadd.f32 v5, v1  }
0x2c: {  	v3 =	vld [tilespmem:s18+$0x1B30];
	v27 =	vadd.f32 v6, v1;
	v26 =	vadd.f32 v7, v1  }
0x2d: {  	v4 =	vld [tilespmem:s18+$0x1B40];
	v25 =	vadd.f32 v8, v1;
	v24 =	vadd.f32 v9, v1  }
0x2e: {  	v5 =	vld [tilespmem:s18+$0x1B50];
	v23 =	vadd.f32 v10, v1;
	v22 =	vadd.f32 v11, v1  }
0x2f: {  	v6 =	vld [tilespmem:s18+$0x1B60];
	v21 =	vadd.f32 v12, v1;
	v20 =	vadd.f32 v13, v1  }
0x30: {  	v7 =	vld [tilespmem:s18+$0x1B70];
	v19 =	vadd.f32 v14, v1;
	v18 =	vadd.f32 v15, v1  }
0x31: {  	v38 =	vld [tilespmem:s18+$0x1B90];
	v17 =	vadd.f32 v16, v1;
	v16 =	vadd.f32 v32, v1  }
0x32: {  	v15 =	vadd.f32 v33, v1;
	v14 =	vadd.f32 v34, v1  }
0x33: {  	v36 =	vld [tilespmem:s18+$0x1BA0];
	v13 =	vadd.f32 v2, v1;
	v12 =	vadd.f32 v3, v1  }
0x34: {  	v35 =	vld [tilespmem:s18+$0x1BB0];
	v11 =	vadd.f32 v4, v1;
	v10 =	vadd.f32 v5, v1  }
0x35: {  	v34 =	vld [tilespmem:s18+$0x1BC0];
	v9 =	vadd.f32 v6, v1;
	v8 =	vadd.f32 v7, v1  }
0x36: {  	v32 =	vld [tilespmem:s18+$0x1BD0];
	v7 =	vadd.f32 v37, v1;
	v4 =	vadd.f32 v38, v1;
	v5 =	vimm.f32 $0.0e+00  }
0x37: {  	s19 =	simm.s32 $0x200;
	s17 =	simm.s32 $0x1000;
	v33 =	vld [tilespmem:s18+$0x1BE0];
	v6 =	vimm.f32 $0.0e+00;
	v3 =	vimm.f32 $0.0e+00;
	v2 =	vimm.f32 $0.0e+00  }
.LBB2_3:
0x38: {  	p0 =	sne.s32 s17, $0x18800;
	v37 =	vld [tilespmem:s19+$0x1BF0];
	v1 =	vadd.f32 v36, v1  }
0x39: {  	v36 =	vld [tilespmem:s19+$0x1A00];
	v5 =	vadd.f32 v35, v5  }
0x3a: {  	v35 =	vld [tilespmem:s19+$0x1A10];
	v6 =	vadd.f32 v34, v6  }
0x3b: {  	v34 =	vld [tilespmem:s19+$0x1A20];
	v3 =	vadd.f32 v32, v3  }
0x3c: {  	v32 =	vld [tilespmem:s19+$0x1A30];
	v2 =	vadd.f32 v33, v2  }
0x3d: {  	v33 =	vld [tilespmem:s19+$0x1A40];
	v0 =	vadd.f32 v37, v0  }
0x3e: {  	v31 =	vadd.f32 v36, v31;
	v36 =	vld [tilespmem:s19+$0x1A50]  }
0x3f: {  	v29 =	vadd.f32 v35, v29;
	v35 =	vld [tilespmem:s19+$0x1A60]  }
0x40: {  	v30 =	vadd.f32 v34, v30;
	v34 =	vld [tilespmem:s19+$0x1A70]  }
0x41: {  	v28 =	vadd.f32 v32, v28;
	v32 =	vld [tilespmem:s19+$0x1A80]  }
0x42: {  	v27 =	vadd.f32 v33, v27;
	v33 =	vld [tilespmem:s19+$0x1A90]  }
0x43: {  	v26 =	vadd.f32 v36, v26;
	v36 =	vld [tilespmem:s19+$0x1AA0]  }
0x44: {  	v25 =	vadd.f32 v35, v25;
	v35 =	vld [tilespmem:s19+$0x1AB0]  }
0x45: {  	v24 =	vadd.f32 v34, v24;
	v34 =	vld [tilespmem:s19+$0x1AC0]  }
0x46: {  	v23 =	vadd.f32 v32, v23;
	v32 =	vld [tilespmem:s19+$0x1AD0]  }
0x47: {  	v22 =	vadd.f32 v33, v22;
	v33 =	vld [tilespmem:s19+$0x1AE0]  }
0x48: {  	v21 =	vadd.f32 v36, v21;
	v36 =	vld [tilespmem:s19+$0x1AF0]  }
0x49: {  	v20 =	vadd.f32 v35, v20;
	v35 =	vld [tilespmem:s19+$0x1B00]  }
0x4a: {  	v19 =	vadd.f32 v34, v19;
	v34 =	vld [tilespmem:s19+$0x1B10]  }
0x4b: {  	v18 =	vadd.f32 v32, v18;
	v32 =	vld [tilespmem:s19+$0x1B20]  }
0x4c: {  	v17 =	vadd.f32 v33, v17;
	v33 =	vld [tilespmem:s19+$0x1B30]  }
0x4d: {  	v16 =	vadd.f32 v36, v16;
	v36 =	vld [tilespmem:s19+$0x1B40]  }
0x4e: {  	v15 =	vadd.f32 v35, v15;
	v35 =	vld [tilespmem:s19+$0x1B50]  }
0x4f: {  	v14 =	vadd.f32 v34, v14;
	v34 =	vld [tilespmem:s19+$0x1B60]  }
0x50: {  	v13 =	vadd.f32 v32, v13;
	v32 =	vld [tilespmem:s19+$0x1B70]  }
0x51: {  	v12 =	vadd.f32 v33, v12;
	v33 =	vld [tilespmem:s19+$0x1B80]  }
0x52: {  	v11 =	vadd.f32 v36, v11;
	v37 =	vld [tilespmem:s19+$0x1B90]  }
.Ltmp0:
0x53: {  	v10 =	vadd.f32 v35, v10;
	v36 =	vld [tilespmem:s19+$0x1BA0];
	(pc) =	sbr.rel @p0 .LBB2_3-.Ltmp0, $4  }
0x54: {  	v9 =	vadd.f32 v34, v9;
	v35 =	vld [tilespmem:s19+$0x1BB0]  }
0x55: {  	v8 =	vadd.f32 v32, v8;
	v34 =	vld [tilespmem:s19+$0x1BC0]  }
0x56: {  	v7 =	vadd.f32 v33, v7;
	v32 =	vld [tilespmem:s19+$0x1BD0]  }
0x57: {  	v4 =	vadd.f32 v37, v4;
	v33 =	vld [tilespmem:s19+$0x1BE0];
	s19 =	sshra.s32 s17, $0x2;
	s17 =	sadd.s32 $0x800, s17  }
0x58: {  	v37 =	vld [tilespmem:s19+$0x1BF0]  }
0x59: {  	v38 =	vld [tilespmem:s19+$0x1A00]  }
0x5a: {  	v39 =	vld [tilespmem:s19+$0x1A10]  }
0x5b: {  	v40 =	vld [tilespmem:s19+$0x1A20]  }
0x5c: {  	v41 =	vld [tilespmem:s19+$0x1A30]  }
0x5d: {  	v42 =	vld [tilespmem:s19+$0x1A40]  }
0x5e: {  	v43 =	vld [tilespmem:s19+$0x1A50]  }
0x5f: {  	v44 =	vld [tilespmem:s19+$0x1A60]  }
0x60: {  	v45 =	vld [tilespmem:s19+$0x1A70]  }
0x61: {  	v46 =	vld [tilespmem:s19+$0x1A80]  }
0x62: {  	v47 =	vld [tilespmem:s19+$0x1A90]  }
0x63: {  	v48 =	vld [tilespmem:s19+$0x1AA0]  }
0x64: {  	v49 =	vld [tilespmem:s19+$0x1AB0]  }
0x65: {  	v50 =	vld [tilespmem:s19+$0x1AC0]  }
0x66: {  	v51 =	vld [tilespmem:s19+$0x1AD0]  }
0x67: {  	v52 =	vld [tilespmem:s19+$0x1AE0]  }
0x68: {  	v53 =	vld [tilespmem:s19+$0x1AF0]  }
0x69: {  	v54 =	vld [tilespmem:s19+$0x1B00]  }
0x6a: {  	v55 =	vld [tilespmem:s19+$0x1B10]  }
0x6b: {  	v56 =	vld [tilespmem:s19+$0x1B20]  }
0x6c: {  	v57 =	vld [tilespmem:s19+$0x1B30]  }
0x6d: {  	v58 =	vld [tilespmem:s19+$0x1B40]  }
0x6e: {  	v59 =	vld [tilespmem:s19+$0x1B50]  }
0x6f: {  	v60 =	vld [tilespmem:s19+$0x1B60]  }
0x70: {  	v61 =	vld [tilespmem:s19+$0x1B70]  }
0x71: {  	v62 =	vld [tilespmem:s19+$0x1B80]  }
0x72: {  	v63 =	vld [tilespmem:s19+$0x1B90]  }
0x73: {  	[tilespmem:$0x1FFF0] =	vst v37;
	v37 =	vld [tilespmem:s19+$0x1BA0];
	v31 =	vadd.f32 v38, v31  }
0x74: {  	v38 =	vld [tilespmem:s19+$0x1BB0];
	v29 =	vadd.f32 v39, v29  }
0x75: {  	s17 =	sshll.u32 s16, $0xB;
	v39 =	vld [tilespmem:s19+$0x1BC0];
	v30 =	vadd.f32 v40, v30;
	v31 =	vmul.f32 $1.999999960e-02, v31  }
0x76: {  	s18 =	sand.u32 $0x1800, s17;
	v40 =	vld [tilespmem:s19+$0x1BD0];
	v28 =	vadd.f32 v41, v28;
	v29 =	vmul.f32 $1.999999960e-02, v29  }
0x77: {  	v41 =	vld [tilespmem:s19+$0x1BE0];
	v27 =	vadd.f32 v42, v27;
	v30 =	vmul.f32 $1.999999960e-02, v30;
	[tilespmem:s18+$0x1BA00] =	vst v31  }
0x78: {  	v26 =	vadd.f32 v43, v26;
	v28 =	vmul.f32 $1.999999960e-02, v28;
	[tilespmem:s18+$0x1BA10] =	vst v29  }
0x79: {  	v25 =	vadd.f32 v44, v25;
	v27 =	vmul.f32 $1.999999960e-02, v27;
	[tilespmem:s18+$0x1BA20] =	vst v30  }
0x7a: {  	v24 =	vadd.f32 v45, v24;
	v26 =	vmul.f32 $1.999999960e-02, v26;
	[tilespmem:s18+$0x1BA30] =	vst v28  }
0x7b: {  	v23 =	vadd.f32 v46, v23;
	v25 =	vmul.f32 $1.999999960e-02, v25;
	[tilespmem:s18+$0x1BA40] =	vst v27  }
0x7c: {  	v22 =	vadd.f32 v47, v22;
	v24 =	vmul.f32 $1.999999960e-02, v24;
	[tilespmem:s18+$0x1BA50] =	vst v26  }
0x7d: {  	v21 =	vadd.f32 v48, v21;
	v23 =	vmul.f32 $1.999999960e-02, v23;
	[tilespmem:s18+$0x1BA60] =	vst v25  }
0x7e: {  	v20 =	vadd.f32 v49, v20;
	v22 =	vmul.f32 $1.999999960e-02, v22;
	[tilespmem:s18+$0x1BA70] =	vst v24  }
0x7f: {  	v19 =	vadd.f32 v50, v19;
	v21 =	vmul.f32 $1.999999960e-02, v21;
	[tilespmem:s18+$0x1BA80] =	vst v23  }
0x80: {  	v18 =	vadd.f32 v51, v18;
	v20 =	vmul.f32 $1.999999960e-02, v20;
	[tilespmem:s18+$0x1BA90] =	vst v22  }
0x81: {  	v17 =	vadd.f32 v52, v17;
	v19 =	vmul.f32 $1.999999960e-02, v19;
	[tilespmem:s18+$0x1BAA0] =	vst v21  }
0x82: {  	v16 =	vadd.f32 v53, v16;
	v18 =	vmul.f32 $1.999999960e-02, v18;
	[tilespmem:s18+$0x1BAB0] =	vst v20  }
0x83: {  	v15 =	vadd.f32 v54, v15;
	v17 =	vmul.f32 $1.999999960e-02, v17;
	[tilespmem:s18+$0x1BAC0] =	vst v19  }
0x84: {  	v14 =	vadd.f32 v55, v14;
	v16 =	vmul.f32 $1.999999960e-02, v16;
	[tilespmem:s18+$0x1BAD0] =	vst v18  }
0x85: {  	v13 =	vadd.f32 v56, v13;
	v15 =	vmul.f32 $1.999999960e-02, v15;
	[tilespmem:s18+$0x1BAE0] =	vst v17  }
0x86: {  	v12 =	vadd.f32 v57, v12;
	v14 =	vmul.f32 $1.999999960e-02, v14;
	[tilespmem:s18+$0x1BAF0] =	vst v16  }
0x87: {  	v11 =	vadd.f32 v58, v11;
	v13 =	vmul.f32 $1.999999960e-02, v13;
	[tilespmem:s18+$0x1BB00] =	vst v15  }
0x88: {  	v10 =	vadd.f32 v59, v10;
	v12 =	vmul.f32 $1.999999960e-02, v12;
	[tilespmem:s18+$0x1BB10] =	vst v14  }
0x89: {  	v5 =	vadd.f32 v35, v5;
	v4 =	vadd.f32 v63, v4;
	v11 =	vmul.f32 $1.999999960e-02, v11;
	[tilespmem:s18+$0x1BB20] =	vst v13  }
0x8a: {  	v1 =	vadd.f32 v36, v1;
	v9 =	vadd.f32 v60, v9;
	v10 =	vmul.f32 $1.999999960e-02, v10;
	[tilespmem:s18+$0x1BB30] =	vst v12  }
0x8b: {  	v8 =	vadd.f32 v61, v8;
	v4 =	vmul.f32 $1.999999960e-02, v4;
	[tilespmem:s18+$0x1BB40] =	vst v11;
	v5 =	vadd.f32 v38, v5  }
0x8c: {  	v6 =	vadd.f32 v34, v6;
	v7 =	vadd.f32 v62, v7;
	v9 =	vmul.f32 $1.999999960e-02, v9;
	[tilespmem:s18+$0x1BB50] =	vst v10  }
0x8d: {  	v8 =	vmul.f32 $1.999999960e-02, v8;
	[tilespmem:s18+$0x1BB90] =	vst v4;
	v1 =	vadd.f32 v37, v1;
	v4 =	vmul.f32 $1.999999960e-02, v5;
	v5 =	vld [tilespmem:$0x1FFF0]  }
0x8e: {  	v3 =	vadd.f32 v32, v3;
	v7 =	vmul.f32 $1.999999960e-02, v7;
	[tilespmem:s18+$0x1BB60] =	vst v9  }
0x8f: {  	v2 =	vadd.f32 v33, v2;
	[tilespmem:s18+$0x1BB70] =	vst v8;
	v6 =	vadd.f32 v39, v6;
	v1 =	vmul.f32 $1.999999960e-02, v1  }
0x90: {  	[tilespmem:s18+$0x1BB80] =	vst v7;
	v3 =	vadd.f32 v40, v3  }
0x91: {  	v2 =	vadd.f32 v41, v2;
	[tilespmem:s18+$0x1BBA0] =	vst v1;
	v1 =	vmul.f32 $1.999999960e-02, v6  }
0x92: {  	v3 =	vmul.f32 $1.999999960e-02, v3;
	[tilespmem:s18+$0x1BBB0] =	vst v4;
	v0 =	vadd.f32 v5, v0  }
0x93: {  	[tilespmem:s18+$0x1BBC0] =	vst v1;
	v1 =	vmul.f32 $1.999999960e-02, v2  }
0x94: {  	[tilespmem:s18+$0x1BBD0] =	vst v3;
	v0 =	vmul.f32 $1.999999960e-02, v0  }
0x95: {  	[tilespmem:s18+$0x1BBE0] =	vst v1  }
0x96: {  	s21 =	simm.s32 $0x0;
	[tilespmem:s18+$0x1BBF0] =	vst v0  }
0x97: {  	v0 =	vld [tilespmem:s21+$0x7FF0]  }
0x98: {  	v2 =	vld [tilespmem:s21+$0x7E00]  }
0x99: {  	v3 =	vld [tilespmem:s21+$0x7E10]  }
0x9a: {  	v4 =	vld [tilespmem:s21+$0x7E20]  }
0x9b: {  	v5 =	vld [tilespmem:s21+$0x7E30]  }
0x9c: {  	v6 =	vld [tilespmem:s21+$0x7E40]  }
0x9d: {  	v7 =	vld [tilespmem:s21+$0x7E50]  }
0x9e: {  	v8 =	vld [tilespmem:s21+$0x7E60]  }
0x9f: {  	v9 =	vld [tilespmem:s21+$0x7E70]  }
0xa0: {  	v10 =	vld [tilespmem:s21+$0x7E80]  }
0xa1: {  	v11 =	vld [tilespmem:s21+$0x7E90]  }
0xa2: {  	v12 =	vld [tilespmem:s21+$0x7EA0]  }
0xa3: {  	v13 =	vld [tilespmem:s21+$0x7EB0]  }
0xa4: {  	v14 =	vld [tilespmem:s21+$0x7EC0]  }
0xa5: {  	v15 =	vld [tilespmem:s21+$0x7ED0]  }
0xa6: {  	v16 =	vld [tilespmem:s21+$0x7EE0]  }
0xa7: {  	v59 =	vld [tilespmem:s21+$0x7EF0]  }
0xa8: {  	v1 =	vimm.f32 $0.0e+00;
	v60 =	vld [tilespmem:s21+$0x7F00]  }
0xa9: {  	v61 =	vld [tilespmem:s21+$0x7F10];
	v0 =	vadd.f32 v0, v1  }
0xaa: {  	v62 =	vld [tilespmem:s21+$0x7F80];
	v31 =	vadd.f32 v2, v1;
	v29 =	vadd.f32 v3, v1  }
0xab: {  	v2 =	vld [tilespmem:s21+$0x7F20];
	v30 =	vadd.f32 v4, v1;
	v28 =	vadd.f32 v5, v1  }
0xac: {  	v3 =	vld [tilespmem:s21+$0x7F30];
	v27 =	vadd.f32 v6, v1;
	v26 =	vadd.f32 v7, v1  }
0xad: {  	v4 =	vld [tilespmem:s21+$0x7F40];
	v25 =	vadd.f32 v8, v1;
	v24 =	vadd.f32 v9, v1  }
0xae: {  	v5 =	vld [tilespmem:s21+$0x7F50];
	v23 =	vadd.f32 v10, v1;
	v22 =	vadd.f32 v11, v1  }
0xaf: {  	v6 =	vld [tilespmem:s21+$0x7F60];
	v21 =	vadd.f32 v12, v1;
	v20 =	vadd.f32 v13, v1  }
0xb0: {  	v7 =	vld [tilespmem:s21+$0x7F70];
	v19 =	vadd.f32 v14, v1;
	v18 =	vadd.f32 v15, v1  }
0xb1: {  	v63 =	vld [tilespmem:s21+$0x7F90];
	v17 =	vadd.f32 v16, v1;
	v16 =	vadd.f32 v59, v1  }
0xb2: {  	v15 =	vadd.f32 v60, v1;
	v14 =	vadd.f32 v61, v1  }
0xb3: {  	v36 =	vld [tilespmem:s21+$0x7FA0];
	v13 =	vadd.f32 v2, v1;
	v12 =	vadd.f32 v3, v1  }
0xb4: {  	v35 =	vld [tilespmem:s21+$0x7FB0];
	v11 =	vadd.f32 v4, v1;
	v10 =	vadd.f32 v5, v1  }
0xb5: {  	v34 =	vld [tilespmem:s21+$0x7FC0];
	v9 =	vadd.f32 v6, v1;
	v8 =	vadd.f32 v7, v1  }
0xb6: {  	v32 =	vld [tilespmem:s21+$0x7FD0];
	v7 =	vadd.f32 v62, v1;
	v4 =	vadd.f32 v63, v1;
	v5 =	vimm.f32 $0.0e+00  }
0xb7: {  	s20 =	simm.s32 $0x1000;
	s19 =	simm.s32 $0x200;
	v33 =	vld [tilespmem:s21+$0x7FE0];
	v6 =	vimm.f32 $0.0e+00;
	v3 =	vimm.f32 $0.0e+00;
	v2 =	vimm.f32 $0.0e+00  }
.LBB2_5:
0xb8: {  	p0 =	sne.s32 s20, $0x18800;
	v37 =	vld [tilespmem:s19+$0x7FF0];
	v1 =	vadd.f32 v36, v1  }
0xb9: {  	v36 =	vld [tilespmem:s19+$0x7E00];
	v5 =	vadd.f32 v35, v5  }
0xba: {  	v35 =	vld [tilespmem:s19+$0x7E10];
	v6 =	vadd.f32 v34, v6  }
0xbb: {  	v34 =	vld [tilespmem:s19+$0x7E20];
	v3 =	vadd.f32 v32, v3  }
0xbc: {  	v32 =	vld [tilespmem:s19+$0x7E30];
	v2 =	vadd.f32 v33, v2  }
0xbd: {  	v33 =	vld [tilespmem:s19+$0x7E40];
	v0 =	vadd.f32 v37, v0  }
0xbe: {  	v31 =	vadd.f32 v36, v31;
	v36 =	vld [tilespmem:s19+$0x7E50]  }
0xbf: {  	v29 =	vadd.f32 v35, v29;
	v35 =	vld [tilespmem:s19+$0x7E60]  }
0xc0: {  	v30 =	vadd.f32 v34, v30;
	v34 =	vld [tilespmem:s19+$0x7E70]  }
0xc1: {  	v28 =	vadd.f32 v32, v28;
	v32 =	vld [tilespmem:s19+$0x7E80]  }
0xc2: {  	v27 =	vadd.f32 v33, v27;
	v33 =	vld [tilespmem:s19+$0x7E90]  }
0xc3: {  	v26 =	vadd.f32 v36, v26;
	v36 =	vld [tilespmem:s19+$0x7EA0]  }
0xc4: {  	v25 =	vadd.f32 v35, v25;
	v35 =	vld [tilespmem:s19+$0x7EB0]  }
0xc5: {  	v24 =	vadd.f32 v34, v24;
	v34 =	vld [tilespmem:s19+$0x7EC0]  }
0xc6: {  	v23 =	vadd.f32 v32, v23;
	v32 =	vld [tilespmem:s19+$0x7ED0]  }
0xc7: {  	v22 =	vadd.f32 v33, v22;
	v33 =	vld [tilespmem:s19+$0x7EE0]  }
0xc8: {  	v21 =	vadd.f32 v36, v21;
	v36 =	vld [tilespmem:s19+$0x7EF0]  }
0xc9: {  	v20 =	vadd.f32 v35, v20;
	v35 =	vld [tilespmem:s19+$0x7F00]  }
0xca: {  	v19 =	vadd.f32 v34, v19;
	v34 =	vld [tilespmem:s19+$0x7F10]  }
0xcb: {  	v18 =	vadd.f32 v32, v18;
	v32 =	vld [tilespmem:s19+$0x7F20]  }
0xcc: {  	v17 =	vadd.f32 v33, v17;
	v33 =	vld [tilespmem:s19+$0x7F30]  }
0xcd: {  	v16 =	vadd.f32 v36, v16;
	v36 =	vld [tilespmem:s19+$0x7F40]  }
0xce: {  	v15 =	vadd.f32 v35, v15;
	v35 =	vld [tilespmem:s19+$0x7F50]  }
0xcf: {  	v14 =	vadd.f32 v34, v14;
	v34 =	vld [tilespmem:s19+$0x7F60]  }
0xd0: {  	v13 =	vadd.f32 v32, v13;
	v32 =	vld [tilespmem:s19+$0x7F70]  }
0xd1: {  	v12 =	vadd.f32 v33, v12;
	v33 =	vld [tilespmem:s19+$0x7F80]  }
0xd2: {  	v11 =	vadd.f32 v36, v11;
	v37 =	vld [tilespmem:s19+$0x7F90]  }
.Ltmp1:
0xd3: {  	v10 =	vadd.f32 v35, v10;
	v36 =	vld [tilespmem:s19+$0x7FA0];
	(pc) =	sbr.rel @p0 .LBB2_5-.Ltmp1, $4  }
0xd4: {  	v9 =	vadd.f32 v34, v9;
	v35 =	vld [tilespmem:s19+$0x7FB0]  }
0xd5: {  	v8 =	vadd.f32 v32, v8;
	v34 =	vld [tilespmem:s19+$0x7FC0]  }
0xd6: {  	v7 =	vadd.f32 v33, v7;
	v32 =	vld [tilespmem:s19+$0x7FD0]  }
0xd7: {  	v4 =	vadd.f32 v37, v4;
	v33 =	vld [tilespmem:s19+$0x7FE0];
	s19 =	sshra.s32 s20, $0x2;
	s20 =	sadd.s32 $0x800, s20  }
0xd8: {  	v37 =	vld [tilespmem:s19+$0x7FF0]  }
0xd9: {  	v38 =	vld [tilespmem:s19+$0x7E00]  }
0xda: {  	v39 =	vld [tilespmem:s19+$0x7E10]  }
0xdb: {  	v40 =	vld [tilespmem:s19+$0x7E20]  }
0xdc: {  	v41 =	vld [tilespmem:s19+$0x7E30]  }
0xdd: {  	v42 =	vld [tilespmem:s19+$0x7E40]  }
0xde: {  	v43 =	vld [tilespmem:s19+$0x7E50]  }
0xdf: {  	v44 =	vld [tilespmem:s19+$0x7E60]  }
0xe0: {  	v45 =	vld [tilespmem:s19+$0x7E70]  }
0xe1: {  	v46 =	vld [tilespmem:s19+$0x7E80]  }
0xe2: {  	v47 =	vld [tilespmem:s19+$0x7E90]  }
0xe3: {  	v48 =	vld [tilespmem:s19+$0x7EA0]  }
0xe4: {  	v49 =	vld [tilespmem:s19+$0x7EB0]  }
0xe5: {  	v50 =	vld [tilespmem:s19+$0x7EC0]  }
0xe6: {  	v51 =	vld [tilespmem:s19+$0x7ED0]  }
0xe7: {  	v52 =	vld [tilespmem:s19+$0x7EE0]  }
0xe8: {  	v53 =	vld [tilespmem:s19+$0x7EF0]  }
0xe9: {  	v54 =	vld [tilespmem:s19+$0x7F00]  }
0xea: {  	v55 =	vld [tilespmem:s19+$0x7F10]  }
0xeb: {  	v56 =	vld [tilespmem:s19+$0x7F20]  }
0xec: {  	v57 =	vld [tilespmem:s19+$0x7F30]  }
0xed: {  	v58 =	vld [tilespmem:s19+$0x7F40]  }
0xee: {  	v59 =	vld [tilespmem:s19+$0x7F50]  }
0xef: {  	v60 =	vld [tilespmem:s19+$0x7F60]  }
0xf0: {  	v61 =	vld [tilespmem:s19+$0x7F70]  }
0xf1: {  	v62 =	vld [tilespmem:s19+$0x7F80]  }
0xf2: {  	v63 =	vld [tilespmem:s19+$0x7F90]  }
0xf3: {  	[tilespmem:$0x1FFE0] =	vst v37;
	v37 =	vld [tilespmem:s19+$0x7FA0];
	v31 =	vadd.f32 v38, v31  }
0xf4: {  	v38 =	vld [tilespmem:s19+$0x7FB0];
	v29 =	vadd.f32 v39, v29  }
0xf5: {  	v39 =	vld [tilespmem:s19+$0x7FC0];
	v30 =	vadd.f32 v40, v30;
	v31 =	vmul.f32 $1.999999960e-02, v31  }
0xf6: {  	v40 =	vld [tilespmem:s19+$0x7FD0];
	v28 =	vadd.f32 v41, v28;
	v29 =	vmul.f32 $1.999999960e-02, v29  }
0xf7: {  	v41 =	vld [tilespmem:s19+$0x7FE0];
	v27 =	vadd.f32 v42, v27;
	v30 =	vmul.f32 $1.999999960e-02, v30;
	[tilespmem:s18+$0x1BC00] =	vst v31  }
0xf8: {  	v26 =	vadd.f32 v43, v26;
	v28 =	vmul.f32 $1.999999960e-02, v28;
	[tilespmem:s18+$0x1BC10] =	vst v29  }
0xf9: {  	v25 =	vadd.f32 v44, v25;
	v27 =	vmul.f32 $1.999999960e-02, v27;
	[tilespmem:s18+$0x1BC20] =	vst v30  }
0xfa: {  	v24 =	vadd.f32 v45, v24;
	v26 =	vmul.f32 $1.999999960e-02, v26;
	[tilespmem:s18+$0x1BC30] =	vst v28  }
0xfb: {  	v23 =	vadd.f32 v46, v23;
	v25 =	vmul.f32 $1.999999960e-02, v25;
	[tilespmem:s18+$0x1BC40] =	vst v27  }
0xfc: {  	v22 =	vadd.f32 v47, v22;
	v24 =	vmul.f32 $1.999999960e-02, v24;
	[tilespmem:s18+$0x1BC50] =	vst v26  }
0xfd: {  	v21 =	vadd.f32 v48, v21;
	v23 =	vmul.f32 $1.999999960e-02, v23;
	[tilespmem:s18+$0x1BC60] =	vst v25  }
0xfe: {  	v20 =	vadd.f32 v49, v20;
	v22 =	vmul.f32 $1.999999960e-02, v22;
	[tilespmem:s18+$0x1BC70] =	vst v24  }
0xff: {  	v19 =	vadd.f32 v50, v19;
	v21 =	vmul.f32 $1.999999960e-02, v21;
	[tilespmem:s18+$0x1BC80] =	vst v23  }
0x100: {  	v18 =	vadd.f32 v51, v18;
	v20 =	vmul.f32 $1.999999960e-02, v20;
	[tilespmem:s18+$0x1BC90] =	vst v22  }
0x101: {  	v17 =	vadd.f32 v52, v17;
	v19 =	vmul.f32 $1.999999960e-02, v19;
	[tilespmem:s18+$0x1BCA0] =	vst v21  }
0x102: {  	v16 =	vadd.f32 v53, v16;
	v18 =	vmul.f32 $1.999999960e-02, v18;
	[tilespmem:s18+$0x1BCB0] =	vst v20  }
0x103: {  	v15 =	vadd.f32 v54, v15;
	v17 =	vmul.f32 $1.999999960e-02, v17;
	[tilespmem:s18+$0x1BCC0] =	vst v19  }
0x104: {  	v14 =	vadd.f32 v55, v14;
	v16 =	vmul.f32 $1.999999960e-02, v16;
	[tilespmem:s18+$0x1BCD0] =	vst v18  }
0x105: {  	v13 =	vadd.f32 v56, v13;
	v15 =	vmul.f32 $1.999999960e-02, v15;
	[tilespmem:s18+$0x1BCE0] =	vst v17  }
0x106: {  	v12 =	vadd.f32 v57, v12;
	v14 =	vmul.f32 $1.999999960e-02, v14;
	[tilespmem:s18+$0x1BCF0] =	vst v16  }
0x107: {  	v11 =	vadd.f32 v58, v11;
	v13 =	vmul.f32 $1.999999960e-02, v13;
	[tilespmem:s18+$0x1BD00] =	vst v15  }
0x108: {  	v10 =	vadd.f32 v59, v10;
	v12 =	vmul.f32 $1.999999960e-02, v12;
	[tilespmem:s18+$0x1BD10] =	vst v14  }
0x109: {  	v5 =	vadd.f32 v35, v5;
	v4 =	vadd.f32 v63, v4;
	v11 =	vmul.f32 $1.999999960e-02, v11;
	[tilespmem:s18+$0x1BD20] =	vst v13  }
0x10a: {  	v1 =	vadd.f32 v36, v1;
	v9 =	vadd.f32 v60, v9;
	v10 =	vmul.f32 $1.999999960e-02, v10;
	[tilespmem:s18+$0x1BD30] =	vst v12  }
0x10b: {  	v8 =	vadd.f32 v61, v8;
	v4 =	vmul.f32 $1.999999960e-02, v4;
	[tilespmem:s18+$0x1BD40] =	vst v11;
	v5 =	vadd.f32 v38, v5  }
0x10c: {  	v6 =	vadd.f32 v34, v6;
	v7 =	vadd.f32 v62, v7;
	v9 =	vmul.f32 $1.999999960e-02, v9;
	[tilespmem:s18+$0x1BD50] =	vst v10  }
0x10d: {  	v8 =	vmul.f32 $1.999999960e-02, v8;
	[tilespmem:s18+$0x1BD90] =	vst v4;
	v1 =	vadd.f32 v37, v1;
	v4 =	vmul.f32 $1.999999960e-02, v5;
	v5 =	vld [tilespmem:$0x1FFE0]  }
0x10e: {  	v3 =	vadd.f32 v32, v3;
	v7 =	vmul.f32 $1.999999960e-02, v7;
	[tilespmem:s18+$0x1BD60] =	vst v9  }
0x10f: {  	v2 =	vadd.f32 v33, v2;
	[tilespmem:s18+$0x1BD70] =	vst v8;
	v6 =	vadd.f32 v39, v6;
	v1 =	vmul.f32 $1.999999960e-02, v1  }
0x110: {  	[tilespmem:s18+$0x1BD80] =	vst v7;
	v3 =	vadd.f32 v40, v3  }
0x111: {  	v2 =	vadd.f32 v41, v2;
	[tilespmem:s18+$0x1BDA0] =	vst v1;
	v1 =	vmul.f32 $1.999999960e-02, v6  }
0x112: {  	p0 =	seq.s32 s16, $0x1F;
	v3 =	vmul.f32 $1.999999960e-02, v3;
	[tilespmem:s18+$0x1BDB0] =	vst v4;
	v0 =	vadd.f32 v5, v0  }
0x113: {  	s19 =	smul.u32 @!p0 $0x340, s16;
	[tilespmem:s18+$0x1BDC0] =	vst v1;
	v1 =	vmul.f32 $1.999999960e-02, v2  }
0x114: {  	[tilespmem:s18+$0x1BDD0] =	vst v3;
	v0 =	vmul.f32 $1.999999960e-02, v0  }
0x115: {  	s19 =	sshra.s32 @!p0 s19, $0x2;
	[tilespmem:s18+$0x1BDE0] =	vst v1  }
0x116: {  	s21 =	simm.s32 @!p0 $0x68;
	s22 =	simm.s32 @!p0 $0x1A00;
	s20 =	sadd.s32 @!p0 $0xD0, s19;
	[tilespmem:s18+$0x1BDF0] =	vst v0  }
0x117: {  	[tilespmem:s22], [sflag:$0x1] =	stream.indirect.gather @!p0 [hbm4b:s3+s21], $0x200, s20, s21, $0xb8;
	[tilespmem:$0x1DA00] =	vst v63  }
0x118: {  	_ =	swait.ge [sflag:s13], $0xD000  }
0x119: {  	[sflag:s13] =	ssyncset.done $0x0  }
0x11a: {  	s31 =	simm.s32 $0x0;
	[sflag:s13] =	ssyncadd.s32 $0xFFFF3000  }
0x11b: {  	v0 =	vld [tilespmem:s31+$0xEBF0]  }
0x11c: {  	v2 =	vld [tilespmem:s31+$0xEA00]  }
0x11d: {  	v3 =	vld [tilespmem:s31+$0xEA10]  }
0x11e: {  	v4 =	vld [tilespmem:s31+$0xEA20]  }
0x11f: {  	v5 =	vld [tilespmem:s31+$0xEA30]  }
0x120: {  	v6 =	vld [tilespmem:s31+$0xEA40]  }
0x121: {  	v7 =	vld [tilespmem:s31+$0xEA50]  }
0x122: {  	v8 =	vld [tilespmem:s31+$0xEA60]  }
0x123: {  	v9 =	vld [tilespmem:s31+$0xEA70]  }
0x124: {  	v10 =	vld [tilespmem:s31+$0xEA80]  }
0x125: {  	v11 =	vld [tilespmem:s31+$0xEA90]  }
0x126: {  	v12 =	vld [tilespmem:s31+$0xEAA0]  }
0x127: {  	v13 =	vld [tilespmem:s31+$0xEAB0]  }
0x128: {  	v14 =	vld [tilespmem:s31+$0xEAC0]  }
0x129: {  	v15 =	vld [tilespmem:s31+$0xEAD0]  }
0x12a: {  	v16 =	vld [tilespmem:s31+$0xEAE0]  }
0x12b: {  	v59 =	vld [tilespmem:s31+$0xEAF0]  }
0x12c: {  	v1 =	vimm.f32 $0.0e+00;
	v60 =	vld [tilespmem:s31+$0xEB00]  }
0x12d: {  	v61 =	vld [tilespmem:s31+$0xEB10];
	v0 =	vadd.f32 v0, v1  }
0x12e: {  	v62 =	vld [tilespmem:s31+$0xEB80];
	v31 =	vadd.f32 v2, v1;
	v29 =	vadd.f32 v3, v1  }
0x12f: {  	v2 =	vld [tilespmem:s31+$0xEB20];
	v30 =	vadd.f32 v4, v1;
	v28 =	vadd.f32 v5, v1  }
0x130: {  	v3 =	vld [tilespmem:s31+$0xEB30];
	v27 =	vadd.f32 v6, v1;
	v26 =	vadd.f32 v7, v1  }
0x131: {  	v4 =	vld [tilespmem:s31+$0xEB40];
	v25 =	vadd.f32 v8, v1;
	v24 =	vadd.f32 v9, v1  }
0x132: {  	v5 =	vld [tilespmem:s31+$0xEB50];
	v23 =	vadd.f32 v10, v1;
	v22 =	vadd.f32 v11, v1  }
0x133: {  	v6 =	vld [tilespmem:s31+$0xEB60];
	v21 =	vadd.f32 v12, v1;
	v20 =	vadd.f32 v13, v1  }
0x134: {  	v7 =	vld [tilespmem:s31+$0xEB70];
	v19 =	vadd.f32 v14, v1;
	v18 =	vadd.f32 v15, v1  }
0x135: {  	v63 =	vld [tilespmem:s31+$0xEB90];
	v17 =	vadd.f32 v16, v1;
	v16 =	vadd.f32 v59, v1  }
0x136: {  	v15 =	vadd.f32 v60, v1;
	v14 =	vadd.f32 v61, v1  }
0x137: {  	v36 =	vld [tilespmem:s31+$0xEBA0];
	v13 =	vadd.f32 v2, v1;
	v12 =	vadd.f32 v3, v1  }
0x138: {  	v35 =	vld [tilespmem:s31+$0xEBB0];
	v11 =	vadd.f32 v4, v1;
	v10 =	vadd.f32 v5, v1  }
0x139: {  	v34 =	vld [tilespmem:s31+$0xEBC0];
	v9 =	vadd.f32 v6, v1;
	v8 =	vadd.f32 v7, v1  }
0x13a: {  	v32 =	vld [tilespmem:s31+$0xEBD0];
	v7 =	vadd.f32 v62, v1;
	v4 =	vadd.f32 v63, v1;
	v5 =	vimm.f32 $0.0e+00  }
0x13b: {  	s20 =	simm.s32 $0x200;
	s21 =	simm.s32 $0x1000;
	v33 =	vld [tilespmem:s31+$0xEBE0];
	v6 =	vimm.f32 $0.0e+00;
	v3 =	vimm.f32 $0.0e+00;
	v2 =	vimm.f32 $0.0e+00  }
.LBB2_7:
0x13c: {  	p1 =	sne.s32 s21, $0x18800;
	v37 =	vld [tilespmem:s20+$0xEBF0];
	v1 =	vadd.f32 v36, v1  }
0x13d: {  	v36 =	vld [tilespmem:s20+$0xEA00];
	v5 =	vadd.f32 v35, v5  }
0x13e: {  	v35 =	vld [tilespmem:s20+$0xEA10];
	v6 =	vadd.f32 v34, v6  }
0x13f: {  	v34 =	vld [tilespmem:s20+$0xEA20];
	v3 =	vadd.f32 v32, v3  }
0x140: {  	v32 =	vld [tilespmem:s20+$0xEA30];
	v2 =	vadd.f32 v33, v2  }
0x141: {  	v33 =	vld [tilespmem:s20+$0xEA40];
	v0 =	vadd.f32 v37, v0  }
0x142: {  	v31 =	vadd.f32 v36, v31;
	v36 =	vld [tilespmem:s20+$0xEA50]  }
0x143: {  	v29 =	vadd.f32 v35, v29;
	v35 =	vld [tilespmem:s20+$0xEA60]  }
0x144: {  	v30 =	vadd.f32 v34, v30;
	v34 =	vld [tilespmem:s20+$0xEA70]  }
0x145: {  	v28 =	vadd.f32 v32, v28;
	v32 =	vld [tilespmem:s20+$0xEA80]  }
0x146: {  	v27 =	vadd.f32 v33, v27;
	v33 =	vld [tilespmem:s20+$0xEA90]  }
0x147: {  	v26 =	vadd.f32 v36, v26;
	v36 =	vld [tilespmem:s20+$0xEAA0]  }
0x148: {  	v25 =	vadd.f32 v35, v25;
	v35 =	vld [tilespmem:s20+$0xEAB0]  }
0x149: {  	v24 =	vadd.f32 v34, v24;
	v34 =	vld [tilespmem:s20+$0xEAC0]  }
0x14a: {  	v23 =	vadd.f32 v32, v23;
	v32 =	vld [tilespmem:s20+$0xEAD0]  }
0x14b: {  	v22 =	vadd.f32 v33, v22;
	v33 =	vld [tilespmem:s20+$0xEAE0]  }
0x14c: {  	v21 =	vadd.f32 v36, v21;
	v36 =	vld [tilespmem:s20+$0xEAF0]  }
0x14d: {  	v20 =	vadd.f32 v35, v20;
	v35 =	vld [tilespmem:s20+$0xEB00]  }
0x14e: {  	v19 =	vadd.f32 v34, v19;
	v34 =	vld [tilespmem:s20+$0xEB10]  }
0x14f: {  	v18 =	vadd.f32 v32, v18;
	v32 =	vld [tilespmem:s20+$0xEB20]  }
0x150: {  	v17 =	vadd.f32 v33, v17;
	v33 =	vld [tilespmem:s20+$0xEB30]  }
0x151: {  	v16 =	vadd.f32 v36, v16;
	v36 =	vld [tilespmem:s20+$0xEB40]  }
0x152: {  	v15 =	vadd.f32 v35, v15;
	v35 =	vld [tilespmem:s20+$0xEB50]  }
0x153: {  	v14 =	vadd.f32 v34, v14;
	v34 =	vld [tilespmem:s20+$0xEB60]  }
0x154: {  	v13 =	vadd.f32 v32, v13;
	v32 =	vld [tilespmem:s20+$0xEB70]  }
0x155: {  	v12 =	vadd.f32 v33, v12;
	v33 =	vld [tilespmem:s20+$0xEB80]  }
0x156: {  	v11 =	vadd.f32 v36, v11;
	v37 =	vld [tilespmem:s20+$0xEB90]  }
.Ltmp2:
0x157: {  	v10 =	vadd.f32 v35, v10;
	v36 =	vld [tilespmem:s20+$0xEBA0];
	(pc) =	sbr.rel @p1 .LBB2_7-.Ltmp2, $4  }
0x158: {  	v9 =	vadd.f32 v34, v9;
	v35 =	vld [tilespmem:s20+$0xEBB0]  }
0x159: {  	v8 =	vadd.f32 v32, v8;
	v34 =	vld [tilespmem:s20+$0xEBC0]  }
0x15a: {  	v7 =	vadd.f32 v33, v7;
	v32 =	vld [tilespmem:s20+$0xEBD0]  }
0x15b: {  	v4 =	vadd.f32 v37, v4;
	v33 =	vld [tilespmem:s20+$0xEBE0];
	s20 =	sshra.s32 s21, $0x2;
	s21 =	sadd.s32 $0x800, s21  }
0x15c: {  	v37 =	vld [tilespmem:s20+$0xEBF0]  }
0x15d: {  	v38 =	vld [tilespmem:s20+$0xEA00]  }
0x15e: {  	v39 =	vld [tilespmem:s20+$0xEA10]  }
0x15f: {  	v40 =	vld [tilespmem:s20+$0xEA20]  }
0x160: {  	v41 =	vld [tilespmem:s20+$0xEA30]  }
0x161: {  	v42 =	vld [tilespmem:s20+$0xEA40]  }
0x162: {  	v43 =	vld [tilespmem:s20+$0xEA50]  }
0x163: {  	v44 =	vld [tilespmem:s20+$0xEA60]  }
0x164: {  	v45 =	vld [tilespmem:s20+$0xEA70]  }
0x165: {  	v46 =	vld [tilespmem:s20+$0xEA80]  }
0x166: {  	v47 =	vld [tilespmem:s20+$0xEA90]  }
0x167: {  	v48 =	vld [tilespmem:s20+$0xEAA0]  }
0x168: {  	v49 =	vld [tilespmem:s20+$0xEAB0]  }
0x169: {  	v50 =	vld [tilespmem:s20+$0xEAC0]  }
0x16a: {  	v51 =	vld [tilespmem:s20+$0xEAD0]  }
0x16b: {  	v52 =	vld [tilespmem:s20+$0xEAE0]  }
0x16c: {  	v53 =	vld [tilespmem:s20+$0xEAF0]  }
0x16d: {  	v54 =	vld [tilespmem:s20+$0xEB00]  }
0x16e: {  	v55 =	vld [tilespmem:s20+$0xEB10]  }
0x16f: {  	v56 =	vld [tilespmem:s20+$0xEB20]  }
0x170: {  	v57 =	vld [tilespmem:s20+$0xEB30]  }
0x171: {  	v58 =	vld [tilespmem:s20+$0xEB40]  }
0x172: {  	v59 =	vld [tilespmem:s20+$0xEB50]  }
0x173: {  	v60 =	vld [tilespmem:s20+$0xEB60]  }
0x174: {  	v61 =	vld [tilespmem:s20+$0xEB70]  }
0x175: {  	v62 =	vld [tilespmem:s20+$0xEB80]  }
0x176: {  	v63 =	vld [tilespmem:s20+$0xEB90]  }
0x177: {  	[tilespmem:$0x1FFD0] =	vst v37;
	v37 =	vld [tilespmem:s20+$0xEBA0];
	v31 =	vadd.f32 v38, v31  }
0x178: {  	v38 =	vld [tilespmem:s20+$0xEBB0];
	v29 =	vadd.f32 v39, v29  }
0x179: {  	v39 =	vld [tilespmem:s20+$0xEBC0];
	v30 =	vadd.f32 v40, v30;
	v31 =	vmul.f32 $1.999999960e-02, v31  }
0x17a: {  	v40 =	vld [tilespmem:s20+$0xEBD0];
	v28 =	vadd.f32 v41, v28;
	v29 =	vmul.f32 $1.999999960e-02, v29  }
0x17b: {  	v41 =	vld [tilespmem:s20+$0xEBE0];
	v27 =	vadd.f32 v42, v27;
	v30 =	vmul.f32 $1.999999960e-02, v30;
	[tilespmem:s18+$0x1BE00] =	vst v31  }
0x17c: {  	v26 =	vadd.f32 v43, v26;
	v28 =	vmul.f32 $1.999999960e-02, v28;
	[tilespmem:s18+$0x1BE10] =	vst v29  }
0x17d: {  	v25 =	vadd.f32 v44, v25;
	v27 =	vmul.f32 $1.999999960e-02, v27;
	[tilespmem:s18+$0x1BE20] =	vst v30  }
0x17e: {  	v24 =	vadd.f32 v45, v24;
	v26 =	vmul.f32 $1.999999960e-02, v26;
	[tilespmem:s18+$0x1BE30] =	vst v28  }
0x17f: {  	v23 =	vadd.f32 v46, v23;
	v25 =	vmul.f32 $1.999999960e-02, v25;
	[tilespmem:s18+$0x1BE40] =	vst v27  }
0x180: {  	v22 =	vadd.f32 v47, v22;
	v24 =	vmul.f32 $1.999999960e-02, v24;
	[tilespmem:s18+$0x1BE50] =	vst v26  }
0x181: {  	v21 =	vadd.f32 v48, v21;
	v23 =	vmul.f32 $1.999999960e-02, v23;
	[tilespmem:s18+$0x1BE60] =	vst v25  }
0x182: {  	v20 =	vadd.f32 v49, v20;
	v22 =	vmul.f32 $1.999999960e-02, v22;
	[tilespmem:s18+$0x1BE70] =	vst v24  }
0x183: {  	v19 =	vadd.f32 v50, v19;
	v21 =	vmul.f32 $1.999999960e-02, v21;
	[tilespmem:s18+$0x1BE80] =	vst v23  }
0x184: {  	v18 =	vadd.f32 v51, v18;
	v20 =	vmul.f32 $1.999999960e-02, v20;
	[tilespmem:s18+$0x1BE90] =	vst v22  }
0x185: {  	v17 =	vadd.f32 v52, v17;
	v19 =	vmul.f32 $1.999999960e-02, v19;
	[tilespmem:s18+$0x1BEA0] =	vst v21  }
0x186: {  	v16 =	vadd.f32 v53, v16;
	v18 =	vmul.f32 $1.999999960e-02, v18;
	[tilespmem:s18+$0x1BEB0] =	vst v20  }
0x187: {  	v15 =	vadd.f32 v54, v15;
	v17 =	vmul.f32 $1.999999960e-02, v17;
	[tilespmem:s18+$0x1BEC0] =	vst v19  }
0x188: {  	v14 =	vadd.f32 v55, v14;
	v16 =	vmul.f32 $1.999999960e-02, v16;
	[tilespmem:s18+$0x1BED0] =	vst v18  }
0x189: {  	v13 =	vadd.f32 v56, v13;
	v15 =	vmul.f32 $1.999999960e-02, v15;
	[tilespmem:s18+$0x1BEE0] =	vst v17  }
0x18a: {  	v12 =	vadd.f32 v57, v12;
	v14 =	vmul.f32 $1.999999960e-02, v14;
	[tilespmem:s18+$0x1BEF0] =	vst v16  }
0x18b: {  	v11 =	vadd.f32 v58, v11;
	v13 =	vmul.f32 $1.999999960e-02, v13;
	[tilespmem:s18+$0x1BF00] =	vst v15  }
0x18c: {  	v10 =	vadd.f32 v59, v10;
	v12 =	vmul.f32 $1.999999960e-02, v12;
	[tilespmem:s18+$0x1BF10] =	vst v14  }
0x18d: {  	v5 =	vadd.f32 v35, v5;
	v4 =	vadd.f32 v63, v4;
	v11 =	vmul.f32 $1.999999960e-02, v11;
	[tilespmem:s18+$0x1BF20] =	vst v13  }
0x18e: {  	v1 =	vadd.f32 v36, v1;
	v9 =	vadd.f32 v60, v9;
	v10 =	vmul.f32 $1.999999960e-02, v10;
	[tilespmem:s18+$0x1BF30] =	vst v12  }
0x18f: {  	v8 =	vadd.f32 v61, v8;
	v4 =	vmul.f32 $1.999999960e-02, v4;
	[tilespmem:s18+$0x1BF40] =	vst v11;
	v5 =	vadd.f32 v38, v5  }
0x190: {  	v6 =	vadd.f32 v34, v6;
	v7 =	vadd.f32 v62, v7;
	v9 =	vmul.f32 $1.999999960e-02, v9;
	[tilespmem:s18+$0x1BF50] =	vst v10  }
0x191: {  	v8 =	vmul.f32 $1.999999960e-02, v8;
	[tilespmem:s18+$0x1BF90] =	vst v4;
	v1 =	vadd.f32 v37, v1;
	v4 =	vmul.f32 $1.999999960e-02, v5;
	v5 =	vld [tilespmem:$0x1FFD0]  }
0x192: {  	v3 =	vadd.f32 v32, v3;
	v7 =	vmul.f32 $1.999999960e-02, v7;
	[tilespmem:s18+$0x1BF60] =	vst v9  }
0x193: {  	v2 =	vadd.f32 v33, v2;
	[tilespmem:s18+$0x1BF70] =	vst v8;
	v6 =	vadd.f32 v39, v6;
	v1 =	vmul.f32 $1.999999960e-02, v1  }
0x194: {  	[tilespmem:s18+$0x1BF80] =	vst v7;
	v3 =	vadd.f32 v40, v3  }
0x195: {  	v2 =	vadd.f32 v41, v2;
	[tilespmem:s18+$0x1BFA0] =	vst v1;
	v1 =	vmul.f32 $1.999999960e-02, v6  }
0x196: {  	v3 =	vmul.f32 $1.999999960e-02, v3;
	[tilespmem:s18+$0x1BFB0] =	vst v4;
	v0 =	vadd.f32 v5, v0  }
0x197: {  	[tilespmem:s18+$0x1BFC0] =	vst v1;
	v1 =	vmul.f32 $1.999999960e-02, v2  }
0x198: {  	[tilespmem:s18+$0x1BFD0] =	vst v3;
	v0 =	vmul.f32 $1.999999960e-02, v0  }
0x199: {  	[tilespmem:s18+$0x1BFE0] =	vst v1  }
0x19a: {  	s22 =	simm.s32 $0x0;
	[tilespmem:s18+$0x1BFF0] =	vst v0  }
0x19b: {  	v0 =	vld [tilespmem:s22+$0x14FF0]  }
0x19c: {  	v2 =	vld [tilespmem:s22+$0x14E00]  }
0x19d: {  	v3 =	vld [tilespmem:s22+$0x14E10]  }
0x19e: {  	v4 =	vld [tilespmem:s22+$0x14E20]  }
0x19f: {  	v5 =	vld [tilespmem:s22+$0x14E30]  }
0x1a0: {  	v6 =	vld [tilespmem:s22+$0x14E40]  }
0x1a1: {  	v7 =	vld [tilespmem:s22+$0x14E50]  }
0x1a2: {  	v8 =	vld [tilespmem:s22+$0x14E60]  }
0x1a3: {  	v9 =	vld [tilespmem:s22+$0x14E70]  }
0x1a4: {  	v10 =	vld [tilespmem:s22+$0x14E80]  }
0x1a5: {  	v11 =	vld [tilespmem:s22+$0x14E90]  }
0x1a6: {  	v12 =	vld [tilespmem:s22+$0x14EA0]  }
0x1a7: {  	v13 =	vld [tilespmem:s22+$0x14EB0]  }
0x1a8: {  	v14 =	vld [tilespmem:s22+$0x14EC0]  }
0x1a9: {  	v15 =	vld [tilespmem:s22+$0x14ED0]  }
0x1aa: {  	v16 =	vld [tilespmem:s22+$0x14EE0]  }
0x1ab: {  	v59 =	vld [tilespmem:s22+$0x14EF0]  }
0x1ac: {  	v1 =	vimm.f32 $0.0e+00;
	v60 =	vld [tilespmem:s22+$0x14F00]  }
0x1ad: {  	v61 =	vld [tilespmem:s22+$0x14F10];
	v0 =	vadd.f32 v0, v1  }
0x1ae: {  	v62 =	vld [tilespmem:s22+$0x14F80];
	v31 =	vadd.f32 v2, v1;
	v29 =	vadd.f32 v3, v1  }
0x1af: {  	v2 =	vld [tilespmem:s22+$0x14F20];
	v30 =	vadd.f32 v4, v1;
	v28 =	vadd.f32 v5, v1  }
0x1b0: {  	v3 =	vld [tilespmem:s22+$0x14F30];
	v27 =	vadd.f32 v6, v1;
	v26 =	vadd.f32 v7, v1  }
0x1b1: {  	v4 =	vld [tilespmem:s22+$0x14F40];
	v25 =	vadd.f32 v8, v1;
	v24 =	vadd.f32 v9, v1  }
0x1b2: {  	v5 =	vld [tilespmem:s22+$0x14F50];
	v23 =	vadd.f32 v10, v1;
	v22 =	vadd.f32 v11, v1  }
0x1b3: {  	v6 =	vld [tilespmem:s22+$0x14F60];
	v21 =	vadd.f32 v12, v1;
	v20 =	vadd.f32 v13, v1  }
0x1b4: {  	v7 =	vld [tilespmem:s22+$0x14F70];
	v19 =	vadd.f32 v14, v1;
	v18 =	vadd.f32 v15, v1  }
0x1b5: {  	v63 =	vld [tilespmem:s22+$0x14F90];
	v17 =	vadd.f32 v16, v1;
	v16 =	vadd.f32 v59, v1  }
0x1b6: {  	v15 =	vadd.f32 v60, v1;
	v14 =	vadd.f32 v61, v1  }
0x1b7: {  	v36 =	vld [tilespmem:s22+$0x14FA0];
	v13 =	vadd.f32 v2, v1;
	v12 =	vadd.f32 v3, v1  }
0x1b8: {  	v35 =	vld [tilespmem:s22+$0x14FB0];
	v11 =	vadd.f32 v4, v1;
	v10 =	vadd.f32 v5, v1  }
0x1b9: {  	v34 =	vld [tilespmem:s22+$0x14FC0];
	v9 =	vadd.f32 v6, v1;
	v8 =	vadd.f32 v7, v1  }
0x1ba: {  	v32 =	vld [tilespmem:s22+$0x14FD0];
	v7 =	vadd.f32 v62, v1;
	v4 =	vadd.f32 v63, v1;
	v5 =	vimm.f32 $0.0e+00  }
0x1bb: {  	s21 =	simm.s32 $0x1000;
	s20 =	simm.s32 $0x200;
	v33 =	vld [tilespmem:s22+$0x14FE0];
	v6 =	vimm.f32 $0.0e+00;
	v3 =	vimm.f32 $0.0e+00;
	v2 =	vimm.f32 $0.0e+00  }
.LBB2_9:
0x1bc: {  	p1 =	sne.s32 s21, $0x18800;
	v37 =	vld [tilespmem:s20+$0x14FF0];
	v1 =	vadd.f32 v36, v1  }
0x1bd: {  	v36 =	vld [tilespmem:s20+$0x14E00];
	v5 =	vadd.f32 v35, v5  }
0x1be: {  	v35 =	vld [tilespmem:s20+$0x14E10];
	v6 =	vadd.f32 v34, v6  }
0x1bf: {  	v34 =	vld [tilespmem:s20+$0x14E20];
	v3 =	vadd.f32 v32, v3  }
0x1c0: {  	v32 =	vld [tilespmem:s20+$0x14E30];
	v2 =	vadd.f32 v33, v2  }
0x1c1: {  	v33 =	vld [tilespmem:s20+$0x14E40];
	v0 =	vadd.f32 v37, v0  }
0x1c2: {  	v31 =	vadd.f32 v36, v31;
	v36 =	vld [tilespmem:s20+$0x14E50]  }
0x1c3: {  	v29 =	vadd.f32 v35, v29;
	v35 =	vld [tilespmem:s20+$0x14E60]  }
0x1c4: {  	v30 =	vadd.f32 v34, v30;
	v34 =	vld [tilespmem:s20+$0x14E70]  }
0x1c5: {  	v28 =	vadd.f32 v32, v28;
	v32 =	vld [tilespmem:s20+$0x14E80]  }
0x1c6: {  	v27 =	vadd.f32 v33, v27;
	v33 =	vld [tilespmem:s20+$0x14E90]  }
0x1c7: {  	v26 =	vadd.f32 v36, v26;
	v36 =	vld [tilespmem:s20+$0x14EA0]  }
0x1c8: {  	v25 =	vadd.f32 v35, v25;
	v35 =	vld [tilespmem:s20+$0x14EB0]  }
0x1c9: {  	v24 =	vadd.f32 v34, v24;
	v34 =	vld [tilespmem:s20+$0x14EC0]  }
0x1ca: {  	v23 =	vadd.f32 v32, v23;
	v32 =	vld [tilespmem:s20+$0x14ED0]  }
0x1cb: {  	v22 =	vadd.f32 v33, v22;
	v33 =	vld [tilespmem:s20+$0x14EE0]  }
0x1cc: {  	v21 =	vadd.f32 v36, v21;
	v36 =	vld [tilespmem:s20+$0x14EF0]  }
0x1cd: {  	v20 =	vadd.f32 v35, v20;
	v35 =	vld [tilespmem:s20+$0x14F00]  }
0x1ce: {  	v19 =	vadd.f32 v34, v19;
	v34 =	vld [tilespmem:s20+$0x14F10]  }
0x1cf: {  	v18 =	vadd.f32 v32, v18;
	v32 =	vld [tilespmem:s20+$0x14F20]  }
0x1d0: {  	v17 =	vadd.f32 v33, v17;
	v33 =	vld [tilespmem:s20+$0x14F30]  }
0x1d1: {  	v16 =	vadd.f32 v36, v16;
	v36 =	vld [tilespmem:s20+$0x14F40]  }
0x1d2: {  	v15 =	vadd.f32 v35, v15;
	v35 =	vld [tilespmem:s20+$0x14F50]  }
0x1d3: {  	v14 =	vadd.f32 v34, v14;
	v34 =	vld [tilespmem:s20+$0x14F60]  }
0x1d4: {  	v13 =	vadd.f32 v32, v13;
	v32 =	vld [tilespmem:s20+$0x14F70]  }
0x1d5: {  	v12 =	vadd.f32 v33, v12;
	v33 =	vld [tilespmem:s20+$0x14F80]  }
0x1d6: {  	v11 =	vadd.f32 v36, v11;
	v37 =	vld [tilespmem:s20+$0x14F90]  }
.Ltmp3:
0x1d7: {  	v10 =	vadd.f32 v35, v10;
	v36 =	vld [tilespmem:s20+$0x14FA0];
	(pc) =	sbr.rel @p1 .LBB2_9-.Ltmp3, $4  }
0x1d8: {  	v9 =	vadd.f32 v34, v9;
	v35 =	vld [tilespmem:s20+$0x14FB0]  }
0x1d9: {  	v8 =	vadd.f32 v32, v8;
	v34 =	vld [tilespmem:s20+$0x14FC0]  }
0x1da: {  	v7 =	vadd.f32 v33, v7;
	v32 =	vld [tilespmem:s20+$0x14FD0]  }
0x1db: {  	v4 =	vadd.f32 v37, v4;
	v33 =	vld [tilespmem:s20+$0x14FE0];
	s20 =	sshra.s32 s21, $0x2;
	s21 =	sadd.s32 $0x800, s21  }
0x1dc: {  	v37 =	vld [tilespmem:s20+$0x14FF0]  }
0x1dd: {  	v38 =	vld [tilespmem:s20+$0x14E00]  }
0x1de: {  	v39 =	vld [tilespmem:s20+$0x14E10]  }
0x1df: {  	v40 =	vld [tilespmem:s20+$0x14E20]  }
0x1e0: {  	v41 =	vld [tilespmem:s20+$0x14E30]  }
0x1e1: {  	v42 =	vld [tilespmem:s20+$0x14E40]  }
0x1e2: {  	v43 =	vld [tilespmem:s20+$0x14E50]  }
0x1e3: {  	v44 =	vld [tilespmem:s20+$0x14E60]  }
0x1e4: {  	v45 =	vld [tilespmem:s20+$0x14E70]  }
0x1e5: {  	v46 =	vld [tilespmem:s20+$0x14E80]  }
0x1e6: {  	v47 =	vld [tilespmem:s20+$0x14E90]  }
0x1e7: {  	v48 =	vld [tilespmem:s20+$0x14EA0]  }
0x1e8: {  	v49 =	vld [tilespmem:s20+$0x14EB0]  }
0x1e9: {  	v50 =	vld [tilespmem:s20+$0x14EC0]  }
0x1ea: {  	v51 =	vld [tilespmem:s20+$0x14ED0]  }
0x1eb: {  	v52 =	vld [tilespmem:s20+$0x14EE0]  }
0x1ec: {  	v53 =	vld [tilespmem:s20+$0x14EF0]  }
0x1ed: {  	v54 =	vld [tilespmem:s20+$0x14F00]  }
0x1ee: {  	v55 =	vld [tilespmem:s20+$0x14F10]  }
0x1ef: {  	v56 =	vld [tilespmem:s20+$0x14F20]  }
0x1f0: {  	v57 =	vld [tilespmem:s20+$0x14F30]  }
0x1f1: {  	v58 =	vld [tilespmem:s20+$0x14F40]  }
0x1f2: {  	v59 =	vld [tilespmem:s20+$0x14F50]  }
0x1f3: {  	v60 =	vld [tilespmem:s20+$0x14F60]  }
0x1f4: {  	v61 =	vld [tilespmem:s20+$0x14F70]  }
0x1f5: {  	v62 =	vld [tilespmem:s20+$0x14F80]  }
0x1f6: {  	v63 =	vld [tilespmem:s20+$0x14F90]  }
0x1f7: {  	[tilespmem:$0x1FFC0] =	vst v37;
	v37 =	vld [tilespmem:s20+$0x14FA0];
	v31 =	vadd.f32 v38, v31  }
0x1f8: {  	v38 =	vld [tilespmem:s20+$0x14FB0];
	v29 =	vadd.f32 v39, v29  }
0x1f9: {  	v39 =	vld [tilespmem:s20+$0x14FC0];
	v30 =	vadd.f32 v40, v30;
	v31 =	vmul.f32 $1.999999960e-02, v31  }
0x1fa: {  	v40 =	vld [tilespmem:s20+$0x14FD0];
	v28 =	vadd.f32 v41, v28;
	v29 =	vmul.f32 $1.999999960e-02, v29  }
0x1fb: {  	v41 =	vld [tilespmem:s20+$0x14FE0];
	v27 =	vadd.f32 v42, v27;
	v30 =	vmul.f32 $1.999999960e-02, v30;
	[tilespmem:s18+$0x1C000] =	vst v31  }
0x1fc: {  	v26 =	vadd.f32 v43, v26;
	v28 =	vmul.f32 $1.999999960e-02, v28;
	[tilespmem:s18+$0x1C010] =	vst v29  }
0x1fd: {  	v25 =	vadd.f32 v44, v25;
	v27 =	vmul.f32 $1.999999960e-02, v27;
	[tilespmem:s18+$0x1C020] =	vst v30  }
0x1fe: {  	v24 =	vadd.f32 v45, v24;
	v26 =	vmul.f32 $1.999999960e-02, v26;
	[tilespmem:s18+$0x1C030] =	vst v28  }
0x1ff: {  	v23 =	vadd.f32 v46, v23;
	v25 =	vmul.f32 $1.999999960e-02, v25;
	[tilespmem:s18+$0x1C040] =	vst v27  }
0x200: {  	v22 =	vadd.f32 v47, v22;
	v24 =	vmul.f32 $1.999999960e-02, v24;
	[tilespmem:s18+$0x1C050] =	vst v26  }
0x201: {  	v21 =	vadd.f32 v48, v21;
	v23 =	vmul.f32 $1.999999960e-02, v23;
	[tilespmem:s18+$0x1C060] =	vst v25  }
0x202: {  	v20 =	vadd.f32 v49, v20;
	v22 =	vmul.f32 $1.999999960e-02, v22;
	[tilespmem:s18+$0x1C070] =	vst v24  }
0x203: {  	v19 =	vadd.f32 v50, v19;
	v21 =	vmul.f32 $1.999999960e-02, v21;
	[tilespmem:s18+$0x1C080] =	vst v23  }
0x204: {  	v18 =	vadd.f32 v51, v18;
	v20 =	vmul.f32 $1.999999960e-02, v20;
	[tilespmem:s18+$0x1C090] =	vst v22  }
0x205: {  	v17 =	vadd.f32 v52, v17;
	v19 =	vmul.f32 $1.999999960e-02, v19;
	[tilespmem:s18+$0x1C0A0] =	vst v21  }
0x206: {  	v16 =	vadd.f32 v53, v16;
	v18 =	vmul.f32 $1.999999960e-02, v18;
	[tilespmem:s18+$0x1C0B0] =	vst v20  }
0x207: {  	v15 =	vadd.f32 v54, v15;
	v17 =	vmul.f32 $1.999999960e-02, v17;
	[tilespmem:s18+$0x1C0C0] =	vst v19  }
0x208: {  	v14 =	vadd.f32 v55, v14;
	v16 =	vmul.f32 $1.999999960e-02, v16;
	[tilespmem:s18+$0x1C0D0] =	vst v18  }
0x209: {  	v13 =	vadd.f32 v56, v13;
	v15 =	vmul.f32 $1.999999960e-02, v15;
	[tilespmem:s18+$0x1C0E0] =	vst v17  }
0x20a: {  	v12 =	vadd.f32 v57, v12;
	v14 =	vmul.f32 $1.999999960e-02, v14;
	[tilespmem:s18+$0x1C0F0] =	vst v16  }
0x20b: {  	v11 =	vadd.f32 v58, v11;
	v13 =	vmul.f32 $1.999999960e-02, v13;
	[tilespmem:s18+$0x1C100] =	vst v15  }
0x20c: {  	v10 =	vadd.f32 v59, v10;
	v12 =	vmul.f32 $1.999999960e-02, v12;
	[tilespmem:s18+$0x1C110] =	vst v14  }
0x20d: {  	v9 =	vadd.f32 v60, v9;
	v11 =	vmul.f32 $1.999999960e-02, v11;
	[tilespmem:s18+$0x1C120] =	vst v13  }
0x20e: {  	v8 =	vadd.f32 v61, v8;
	v10 =	vmul.f32 $1.999999960e-02, v10;
	[tilespmem:s18+$0x1C130] =	vst v12  }
0x20f: {  	v1 =	vadd.f32 v36, v1;
	v7 =	vadd.f32 v62, v7;
	v9 =	vmul.f32 $1.999999960e-02, v9;
	[tilespmem:s18+$0x1C140] =	vst v11  }
0x210: {  	v5 =	vadd.f32 v35, v5;
	v4 =	vadd.f32 v63, v4;
	v8 =	vmul.f32 $1.999999960e-02, v8;
	[tilespmem:s18+$0x1C150] =	vst v10  }
0x211: {  	v6 =	vadd.f32 v34, v6;
	v62 =	vld [tilespmem:$0x1FFC0];
	v7 =	vmul.f32 $1.999999960e-02, v7;
	[tilespmem:s18+$0x1C160] =	vst v9;
	v1 =	vadd.f32 v37, v1  }
0x212: {  	v3 =	vadd.f32 v32, v3;
	v4 =	vmul.f32 $1.999999960e-02, v4;
	[tilespmem:s18+$0x1C170] =	vst v8;
	v5 =	vadd.f32 v38, v5  }
0x213: {  	v2 =	vadd.f32 v33, v2;
	[tilespmem:s18+$0x1C180] =	vst v7;
	v6 =	vadd.f32 v39, v6;
	v1 =	vmul.f32 $1.999999960e-02, v1  }
0x214: {  	[tilespmem:s18+$0x1C190] =	vst v4;
	v3 =	vadd.f32 v40, v3;
	v60 =	vmul.f32 $1.999999960e-02, v5  }
0x215: {  	v2 =	vadd.f32 v41, v2;
	v61 =	vmul.f32 $1.999999960e-02, v6;
	[tilespmem:s18+$0x1C1A0] =	vst v1  }
0x216: {  	v0 =	vadd.f32 v62, v0;
	v3 =	vmul.f32 $1.999999960e-02, v3;
	[tilespmem:s18+$0x1C1B0] =	vst v60  }
0x217: {  	v63 =	vmul.f32 $1.999999960e-02, v2;
	[tilespmem:s18+$0x1C1C0] =	vst v61  }
0x218: {  	v0 =	vmul.f32 $1.999999960e-02, v0;
	[tilespmem:s18+$0x1C1D0] =	vst v3  }
0x219: {  	[tilespmem:s18+$0x1C1E0] =	vst v63  }
0x21a: {  	s20 =	simm.s32 @!p0 $0xEA00;
	[tilespmem:s18+$0x1C1F0] =	vst v0;
	s18 =	sadd.s32 @!p0 $0x138, s19;
	s19 =	simm.s32 @!p0 $0x68  }
0x21b: {  	[tilespmem:s20], [sflag:$0x2] =	stream.indirect.gather @!p0 [hbm4b:s3+s19], $0x200, s18, s19, $0xb8;
	[tilespmem:$0x1DA00] =	vst v63  }
0x21c: {  	s18 =	sand.u32 @!p0 $0x3, s16  }
0x21d: {  	p1 =	sne.s32 @!p0 s18, $0x3  }
0x21e: {  	p0 =	por p0, !p1  }
0x21f: {  	s17 =	sadd.s32 @p0 s17, s6  }
0x220: {  	s17 =	sshrl.u32 @p0 s17, $0x3  }
0x221: {  	s17 =	sadd.s32 @p0 s4, s17  }
0x222: {  	[hbm4b:s17+s2] =	stream.linear.scatter @p0 [tilespmem:s14], [sflag:$0x3], $0x2000, $0x38;
	[tilespmem:$0x1DA00] =	vst v63  }
0x223: {  	_ =	swait.ge @p0 [sflag:s8], $0x2000  }
0x224: {  	s16 =	sadd.s32 $0x1, s16;
	[sflag:s8] =	ssyncset.done @p0 $0x0  }
0x225: {  	[sflag:s8] =	ssyncadd.s32 @p0 $0xFFFFE000;
	p0 =	sne.s32 s16, $0x20  }
.Ltmp4:
0x226: {  	_ = 	snop;
	(pc) =	sbr.rel @p0 .LBB2_2-.Ltmp4, $1  }
0x227: {  	_ =	sdelay $0x3  }
0x228: {  	s15 =	sadd.s32 $0x1, s15  }
0x229: {  	p0 =	sne.s32 s15, s7  }
.Ltmp5:
0x22a: {  	_ = 	snop;
	(pc) =	sbr.rel @p0 .LBB2_1-.Ltmp5, $1  }
0x22b: {  	_ =	sdelay $0x3  }
0x22c: {  	_ =	sfence.sel $0x180000  }
0x22d: {  	[bflag:$0x0] =	sbarrier.arrive $0xFFFF  }
0x22e: {  	p0 =	sne.s32 s1, $0x0;
	_ =	strace $0x9000004A  }
0x22f: {  	s0 =	sadd.s32 @!p0 $0x100000, s0;
	[bflag:$0x2] =	sbarrier.arrive $0xFFFF  }
0x230: {  	[sflag:s0] =	ssyncadd.tile.s32 @!p0 $0x1;
	_ =	shalt  }
.Lfunc_end2:
_tile_overlayer_lowered:
.L_overlay_start_2:
0x231: {  	(tag) =	ssettag $0x2  }
0x232: {  	s0 =	rddreg [dreg:$0x0];
	s2 =	stileid.u32  }
0x233: {  	s1 =	rddreg [dreg:$0x1];
	p0 =	sne.s32 s2, $0x0  }
0x234: {  	s3 =	rddreg [dreg:$0x2];
	[bflag:$0x3] =	sbarrier.arrive $0xFFFF;
	s2 =	simm.s32 @!p0 $0x1C03  }
0x235: {  	[timem:s3], [sflag:s2] =	dma.local @!p0 [hbm:s0], s1  }
0x236: {  	s0 =	simm.s32 @!p0 $0x3  }
0x237: {  	_ =	swait.ge @!p0 [sflag:s0], s1  }
0x238: {  	s1 =	ssub.s32 @!p0 $0x0, s1;
	[sflag:s0] =	ssyncset.done @!p0 $0x0  }
0x239: {  	[sflag:s0] =	ssyncadd.s32 @!p0 s1  }
0x23a: {  	[bflag:$0x3] =	sbarrier.arrive $0xFFFF  }
0x23b: {  	_ =	shalt  }

// kernel: sparse-core-data-format-call.cloned.1.call-start
scs
called_computation_lowered:
.L_overlay_start_0:
0x0: {  	s2 =	sld [smem:$0x3FD9]  }
0x1: {  	s3 =	sld [smem:$0x3FFE];
	_ =	sdelay $0x1  }
0x2: {  	s1 =	srdreg.scid  }
0x3: {  	s0 =	sand.u32 $0x1, s1  }
0x4: {  	s18 =	sshll.u32 s0, $0xA;
	s2 =	sadd.s32 s3, s2  }
0x5: {  	s2 =	sadd.s32 s2, s18  }
0x6: {  	[smem:$0x3FC6] =	sst s2  }
0x7: {  	_ = 	snop  }
0x8: {  	s2 =	sld [smem:$0x3FC8];
	(tm) =	ssettm $0x1  }
0x9: {  	s19 =	sld [smem:$0x3FFB];
	_ =	sdelay $0x3  }
0xa: {  	_ =	strace s19  }
0xb: {  	s3 =	sld [smem:$0x3FFC];
	_ =	sdelay $0x3  }
0xc: {  	_ =	strace s3  }
0xd: {  	s3 =	sld [smem:$0x3FFD];
	_ =	sdelay $0x3  }
0xe: {  	_ =	strace s3  }
0xf: {  	_ =	strace $0x8FFFFFFF  }
0x10: {  	s20 =	sld [smem:$0x3FDB];
	_ =	sdelay $0x1  }
0x11: {  	s4 =	simm.s32 $_scs_section_size  }
0x12: {  	s5 =	simm.s32 $_size__tile_overlayer_lowered;
	s6 =	simm.s32 $_tile_overlayer_lowered  }
0x13: {  	s23 =	simm.s32 $0x1BFF;
	s22 =	sshll.u32 s6, $0x1;
	s3 =	sadd.s32 s4, s20  }
0x14: {  	s7 =	simm.s32 $0x0;
	s21 =	sshll.u32 s5, $0x1;
	s5 =	sadd.s32 s22, s3  }
0x15: {  	[timem:s7], [sflag:s23] =	dma.local [hbm:s5], s21  }
0x16: {  	_ =	swait.ge [sflag:s23], s21  }
0x17: {  	s4 =	ssub.s32 $0x0, s21;
	[sflag:s23] =	ssyncset.done $0x0  }
0x18: {  	[sflag:s23] =	ssyncadd.s32 s4;
	_ =	sdelay $0x1  }
0x19: {  	s24 =	simm.s32 $0x1B8B  }
0x1a: {  	_ =	swait.ge [sflag:s24], $0x1  }
0x1b: {  	[sflag:s24] =	ssyncset.done $0x0  }
0x1c: {  	s26 =	simm.s32 $0x1B8E;
	s25 =	sld [smem:$0x3FFE];
	[sflag:s24] =	ssyncadd.s32 $0xFFFFFFFF  }
0x1d: {  	s27 =	simm.s32 $execute0_lowered;
	[smem:$0x3FD2] =	sst s26  }
0x1e: {  	s5 =	sshll.u32 s27, $0x1;
	_ =	strace $0x80000046;
	[dreg:$0x1] =	wrdreg $0xFFFFFFFF  }
0x1f: {  	s28 =	simm.s32 $_size_execute0_lowered;
	s3 =	sadd.s32 s3, s5;
	[dreg:$0x0] =	wrdreg $0x0  }
0x20: {  	s5 =	sshll.u32 s28, $0x1;
	[dreg:$0x2] =	wrdreg s3  }
0x21: {  	[dreg:$0x3] =	wrdreg s5  }
0x22: {  	[dreg:$0x4] =	wrdreg $0xC0  }
0x23: {  	_ =	task [dreg:s7], $0x5FFFF  }
0x24: {  	[dreg:$0x1] =	wrdreg $0xFFFFFFFF  }
0x25: {  	[dreg:$0x0] =	wrdreg $0x60  }
0x26: {  	[dreg:$0x2] =	wrdreg s2  }
0x27: {  	[dreg:$0x3] =	wrdreg s25  }
0x28: {  	[dreg:$0x4] =	wrdreg $0x9  }
0x29: {  	_ =	task.clear_ibuf [dreg:s7], $0x5FFFF;
	_ =	strace $0x90000046  }
0x2a: {  	s29 =	simm.s32 $0x9;
	_ =	strace $0x80000048  }
0x2b: {  	_ =	swait.ge [sflag:s29], $0x1  }
0x2c: {  	[sflag:s29] =	ssyncadd.s32 $0xFFFFFFFF  }
0x2d: {  	_ =	strace $0x90000048  }
0x2e: {  	_ =	sfence  }
0x2f: {  	s30 =	sld [smem:$0x0];
	_ =	sdelay $0x2  }
0x30: {  	s31 =	sshll.u32 s1, $0xD;
	s1 =	sshrl.u32 s1, $0x2  }
0x31: {  	s3 =	sand.u32 $0x4000, s31;
	s1 =	sadd.s32 s1, s30  }
0x32: {  	s0 =	sor.u32 s3, s0;
	s1 =	sshll.u32 s1, $0x11  }
0x33: {  	s0 =	sor.u32 s1, s0  }
0x34: {  	s0 =	sadd.s32 $0x8F2B, s0  }
0x35: {  	[sflag:s0] =	ssyncadd.remote.s32 $0x1  }
0x36: {  	_ =	sfence.sel $0xFFFF  }
0x37: {  	[dreg:$0x0] =	wrdreg $0xFFFFFFFF;
	(pc) =	sbr.abs _section_cstart, $3  }
0x38: {  	[dreg:$0x1] =	wrdreg $0xFFFFFFFF  }
0x39: {  	_ =	task.clear_ibuf [dreg:s7], $0x2FFFF;
	_ =	strace $0x9FFFFFFF  }
0x3a: {  	(tm) =	ssettm $0x7FFFFFFF  }
0x3b: {  	_ =	shalt  }
tec
execute0_lowered:
.L_overlay_start_1:
0x0: {  	(tag) =	ssettag $0x1  }
0x1: {  	s0 =	srdreg.scid  }
0x2: {  	s1 =	sshll.u32 s0, $0x4  }
0x3: {  	s2 =	rddreg [dreg:$0x0];
	s0 =	stileid.u32;
	s1 =	sand.u32 $0x10, s1  }
0x4: {  	s4 =	rddreg [dreg:$0x1];
	s7 =	simm.s32 $0x1;
	s1 =	sor.u32 s0, s1  }
0x5: {  	s8 =	simm.s32 $0x2;
	s9 =	simm.s32 $0x0;
	s3 =	sshll.u32 s1, $0x2  }
0x6: {  	s12 =	simm.s32 $0x0;
	s11 =	simm.s32 $0x0;
	s6 =	ssub.s32 $0x30D4, s3  }
.Ltmp0:
0x7: {  	s4 =	sadd.s32 $0xA00, s4;
	s5 =	sand.u32 $0x7C, s6;
	(pc) =	sbr.rel .LBB1_1-.Ltmp0, $4  }
0x8: {  	s1 =	rddreg [dreg:$0x2];
	_ =	strace $0x80000047;
	p0 =	sne.s32 s5, $0x0  }
0x9: {  	s6 =	sshrl.u32 s6, $0x7;
	s5 =	simm.s32 $0x1;
	s7 =	simm.s32 @!p0 $0x0  }
0xa: {  	s10 =	smov.u32 s3;
	[sflag:s5] =	ssyncpa.u1 $0x0;
	s6 =	sadd.s32 s7, s6  }
0xb: {  	[sflag:s8] =	ssyncpa.u1 $0x0;
	s8 =	simm.s32 $0x0;
	s7 =	sadd.s32 $0x1, s6  }
.LBB1_9:
0xc: {  	s14 =	sadd.s32 $0x80, s10  }
0xd: {  	p1 =	sgt.s32 s14, $0x30D3  }
0xe: {  	s14 =	smov.u32 @p1 s3;
	p1 =	sne.s32 s11, s7  }
.Ltmp1:
0xf: {  	p0 =	slt.u32 s11, $0x2;
	(pc) =	sbr.rel @!p1 .LBB1_10-.Ltmp1, $4  }
0x10: {  	s13 =	simm.s32 @!p0 $0x2  }
0x11: {  	s15 =	sadd.s32 $0x1, s11;
	_ =	swait.ge @!p0 [sflag:s13], $0x4000  }
0x12: {  	s12 =	smov.u32 s10;
	s9 =	sadd.s32 $0x4000, s9;
	[sflag:s13] =	ssyncset.done @!p0 $0x0  }
0x13: {  	s11 =	smov.u32 s15;
	s10 =	smov.u32 s14;
	[sflag:s13] =	ssyncadd.s32 @!p0 $0xFFFFC000  }
.LBB1_1:
0x14: {  	p0 =	sge.u32 s11, s6  }
0x15: {  	s13 =	sxor.u32 @!p0 $0xFFFFFFFF, s11  }
0x16: {  	s31 =	sadd.s32 $0xFFFFFFFF, s11;
	s14 =	sshll.u32 @!p0 s10, $0x9;
	s13 =	sshll.u32 @!p0 s13, $0xE  }
0x17: {  	s15 =	simm.s32 @!p0 $0x0;
	s14 =	sadd.s32 @!p0 s2, s14;
	s13 =	sand.u32 @!p0 $0x4000, s13  }
0x18: {  	[tilespmem:s13], [sflag:$0x1] =	stream.linear.gather @!p0 [hbm4b:s14+s15], $0x4000, $0x38;
	[tilespmem:$0x10000] =	vst v63  }
0x19: {  	p0 =	sge.u32 s31, s6  }
.Ltmp2:
0x1a: {  	_ = 	snop;
	(pc) =	sbr.rel @p0 .LBB1_9-.Ltmp2, $1  }
0x1b: {  	_ =	sdelay $0x3  }
0x1c: {  	s14 =	sand.u32 $0x4000, s9  }
0x1d: {  	_ =	swait.ge [sflag:s5], $0x4000;
	s15 =	sshll.u32 s11, $0xE;
	s16 =	simm.s32 $0x0  }
0x1e: {  	s13 =	sor.u32 $0x40, s14;
	[sflag:s5] =	ssyncset.done $0x0;
	s15 =	sand.u32 $0x4000, s15  }
0x1f: {  	s14 =	sor.u32 $0x8040, s14;
	[sflag:s5] =	ssyncadd.s32 $0xFFFFC000;
	s15 =	sor.u32 $0x8000, s15  }
.LBB1_3:
0x20: {  	s17 =	smov.u32 s14;
	s18 =	smov.u32 s13;
	s19 =	simm.s32 $0x0  }
.LBB1_4:
0x21: {  	v0 =	vmov s17;
	v2 =	vld [tilespmem:s18+$0x30]  }
0x22: {  	v4 =	vld [tilespmem:s18+$0xFFFFFFD0]  }
0x23: {  	v6 =	vld [tilespmem:s18+$0xFFFFFFE0]  }
0x24: {  	v7 =	vld [tilespmem:s18+$0xFFFFFFF0]  }
0x25: {  	s20 =	simm.s32 $0x0;
	v1 =	vld [tilespmem:s18+$0x0]  }
0x26: {  	v3 =	vld [tilespmem:s18+$0x10];
	[tilespmem:v0+s20+$0x30 ss:$0x1] =	vst.idx.msk $0xffff, v2  }
0x27: {  	v5 =	vld [tilespmem:s18+$0x20];
	[tilespmem:v0+s20+$0xFFFFFFD0 ss:$0x1] =	vst.idx.msk $0xffff, v4  }
0x28: {  	s21 =	sadd.s32 $0x80, s18;
	v2 =	vld [tilespmem:s18+$0xFFFFFFC0];
	[tilespmem:v0+s20+$0xFFFFFFE0 ss:$0x1] =	vst.idx.msk $0xffff, v6  }
0x29: {  	s22 =	simm.s32 $0x800;
	s23 =	simm.s32 $0x1000;
	v4 =	vld [tilespmem:s21+$0x30];
	[tilespmem:v0+s20+$0xFFFFFFF0 ss:$0x1] =	vst.idx.msk $0xffff, v7  }
.LBB1_5:
0x2a: {  	p0 =	sne.s32 s23, $0x3800;
	v6 =	vld [tilespmem:s21+$0xFFFFFFD0];
	[tilespmem:v0+s20+$0x0 ss:$0x1] =	vst.idx.msk $0xffff, v1  }
0x2b: {  	v7 =	vld [tilespmem:s21+$0xFFFFFFE0];
	[tilespmem:v0+s20+$0x10 ss:$0x1] =	vst.idx.msk $0xffff, v3  }
0x2c: {  	v8 =	vld [tilespmem:s21+$0xFFFFFFF0];
	[tilespmem:v0+s20+$0x20 ss:$0x1] =	vst.idx.msk $0xffff, v5  }
.Ltmp3:
0x2d: {  	v1 =	vld [tilespmem:s21+$0x0];
	[tilespmem:v0+s20+$0xFFFFFFC0 ss:$0x1] =	vst.idx.msk $0xffff, v2;
	s20 =	sshra.s32 s22, $0x2;
	s22 =	smov.u32 s23;
	(pc) =	sbr.rel @p0 .LBB1_5-.Ltmp3, $4  }
0x2e: {  	v3 =	vld [tilespmem:s21+$0x10];
	[tilespmem:v0+s20+$0x30 ss:$0x1] =	vst.idx.msk $0xffff, v4  }
0x2f: {  	[tilespmem:v0+s20+$0xFFFFFFD0 ss:$0x1] =	vst.idx.msk $0xffff, v6;
	v5 =	vld [tilespmem:s21+$0x20]  }
0x30: {  	v2 =	vld [tilespmem:s21+$0xFFFFFFC0];
	[tilespmem:v0+s20+$0xFFFFFFE0 ss:$0x1] =	vst.idx.msk $0xffff, v7;
	s21 =	sadd.s32 $0x80, s21  }
0x31: {  	s23 =	sadd.s32 $0x800, s23;
	v4 =	vld [tilespmem:s21+$0x30];
	[tilespmem:v0+s20+$0xFFFFFFF0 ss:$0x1] =	vst.idx.msk $0xffff, v8  }
0x32: {  	_ =	sdelay $0x3  }
0x33: {  	v6 =	vld [tilespmem:s21+$0xFFFFFFD0];
	[tilespmem:v0+s20+$0x0 ss:$0x1] =	vst.idx.msk $0xffff, v1  }
0x34: {  	v58 =	vld [tilespmem:s21+$0xFFFFFFE0];
	[tilespmem:v0+s20+$0x10 ss:$0x1] =	vst.idx.msk $0xffff, v3  }
0x35: {  	v59 =	vld [tilespmem:s21+$0xFFFFFFF0];
	[tilespmem:v0+s20+$0x20 ss:$0x1] =	vst.idx.msk $0xffff, v5  }
0x36: {  	s22 =	sshra.s32 s22, $0x2;
	v60 =	vld [tilespmem:s21+$0x0];
	[tilespmem:v0+s20+$0xFFFFFFC0 ss:$0x1] =	vst.idx.msk $0xffff, v2  }
0x37: {  	v61 =	vld [tilespmem:s21+$0x10];
	[tilespmem:v0+s22+$0x30 ss:$0x1] =	vst.idx.msk $0xffff, v4  }
0x38: {  	v62 =	vld [tilespmem:s21+$0x20];
	s19 =	sadd.s32 $0x1, s19;
	[tilespmem:v0+s22+$0xFFFFFFD0 ss:$0x1] =	vst.idx.msk $0xffff, v6  }
0x39: {  	v63 =	vld [tilespmem:s21+$0xFFFFFFC0];
	p0 =	sne.s32 s19, $0x4;
	[tilespmem:v0+s22+$0xFFFFFFE0 ss:$0x1] =	vst.idx.msk $0xffff, v58  }
.Ltmp4:
0x3a: {  	[tilespmem:v0+s22+$0xFFFFFFF0 ss:$0x1] =	vst.idx.msk $0xffff, v59;
	(pc) =	sbr.rel @p0 .LBB1_4-.Ltmp4, $4  }
0x3b: {  	[tilespmem:v0+s22+$0x0 ss:$0x1] =	vst.idx.msk $0xffff, v60  }
0x3c: {  	[tilespmem:v0+s22+$0x10 ss:$0x1] =	vst.idx.msk $0xffff, v61  }
0x3d: {  	[tilespmem:v0+s22+$0x20 ss:$0x1] =	vst.idx.msk $0xffff, v62  }
0x3e: {  	s18 =	sadd.s32 $0x400, s18;
	s17 =	sadd.s32 $0x80, s17;
	[tilespmem:v0+s22+$0xFFFFFFC0 ss:$0x1] =	vst.idx.msk $0xffff, v63  }
0x3f: {  	s16 =	sadd.s32 $0x1, s16  }
0x40: {  	p0 =	sne.s32 s16, $0x4  }
.Ltmp5:
0x41: {  	_ = 	snop;
	(pc) =	sbr.rel @p0 .LBB1_3-.Ltmp5, $2  }
0x42: {  	_ =	sdelay $0x2  }
0x43: {  	s13 =	sadd.s32 $0x1000, s13;
	s14 =	sadd.s32 $0x1000, s14  }
.Ltmp6:
0x44: {  	(pc) =	sbr.rel .LBB1_9-.Ltmp6, $4  }
0x45: {  	_ = 	snop  }
0x46: {  	s12 =	sshll.u32 s12, $0x9  }
0x47: {  	s12 =	sadd.s32 s4, s12  }
0x48: {  	[hbm4b:s12+s8] =	stream.linear.scatter [tilespmem:s15], [sflag:$0x2], $0x4000, $0x38;
	[tilespmem:$0x10000] =	vst v63  }
.LBB1_10:
0x49: {  	_ =	sfence.sel $0x180000  }
0x4a: {  	s2 =	simm.s32 $0x1;
	[bflag:$0x0] =	sbarrier.arrive $0xFFFF  }
0x4b: {  	s31 =	simm.s32 $0x2;
	[sflag:s2] =	ssyncpa.u1 $0x1  }
0x4c: {  	[sflag:s31] =	ssyncpa.u1 $0x1  }
0x4d: {  	p0 =	sne.s32 s0, $0x0;
	_ =	strace $0x90000047  }
0x4e: {  	s0 =	sadd.s32 @!p0 $0x100000, s1;
	[bflag:$0x2] =	sbarrier.arrive $0xFFFF  }
0x4f: {  	[sflag:s0] =	ssyncadd.tile.s32 @!p0 $0x1;
	_ =	shalt  }
.Lfunc_end1:
_tile_overlayer_lowered:
.L_overlay_start_2:
0x50: {  	(tag) =	ssettag $0x2  }
0x51: {  	s0 =	rddreg [dreg:$0x0];
	s2 =	stileid.u32  }
0x52: {  	s1 =	rddreg [dreg:$0x1];
	p0 =	sne.s32 s2, $0x0  }
0x53: {  	s3 =	rddreg [dreg:$0x2];
	[bflag:$0x3] =	sbarrier.arrive $0xFFFF;
	s2 =	simm.s32 @!p0 $0x1C01  }
0x54: {  	[timem:s3], [sflag:s2] =	dma.local @!p0 [hbm:s0], s1  }
0x55: {  	s0 =	simm.s32 @!p0 $0x1  }
0x56: {  	_ =	swait.ge @!p0 [sflag:s0], s1  }
0x57: {  	s1 =	ssub.s32 @!p0 $0x0, s1;
	[sflag:s0] =	ssyncset.done @!p0 $0x0  }
0x58: {  	[sflag:s0] =	ssyncadd.s32 @!p0 s1  }
0x59: {  	[bflag:$0x3] =	sbarrier.arrive $0xFFFF  }
0x5a: {  	_ =	shalt  }

</sc_bundles>
